<compile_context>
chip_gen: v7x
topology: tpu7x:2x2x1
jax: 0.10.2.dev20260603
libtpu: 0.0.44.dev20260713+nightly
codegen_flags: <defaults>
</compile_context>

<pallas_src>
import functools

import jax
import jax.numpy as jnp
from jax import lax
from jax.experimental import pallas as pl
from jax.experimental.pallas import tpu as pltpu
from jax.experimental.pallas import tpu_sc as plsc

NC = 2
NS = 16
NW = NC * NS
L = 16


def _make_hist(E, N):
    nb = E // 128
    bpw = nb // NW
    ntail = nb - bpw * NW
    mesh = plsc.VectorSubcoreMesh(core_axis_name="c", subcore_axis_name="s")

    @functools.partial(
        pl.kernel,
        mesh=mesh,
        out_type=jax.ShapeDtypeStruct((NW, N), jnp.float32),
        compiler_params=pltpu.CompilerParams(needs_layout_passes=False),
        scratch_types=[
            pltpu.VMEM((bpw, 2, 128), jnp.int32),
            pltpu.VMEM((1, 2, 128), jnp.int32),
            pltpu.VMEM((N,), jnp.float32),
        ],
    )
    def hist(ei3_hbm, degp_hbm, rc_v, rct_v, acc_v):
        wid = lax.axis_index("s") * NC + lax.axis_index("c")
        pltpu.sync_copy(ei3_hbm.at[pl.ds(bpw * wid, bpw)], rc_v)

        @pl.when(wid < ntail)
        def _():
            pltpu.sync_copy(ei3_hbm.at[pl.ds(bpw * NW + wid, 1)], rct_v)

        zeros = jnp.zeros((L,), jnp.float32)

        def zbody(i, c):
            acc_v[pl.ds(i * L, L)] = zeros
            return c

        lax.fori_loop(0, N // L, zbody, 0)

        ones = jnp.ones((L,), jnp.float32)

        def body(b, c):
            for j in range(8):
                idx = rc_v[b, 0, pl.ds(j * L, L)]
                plsc.addupdate_scatter(acc_v, [idx], ones)
            return c

        lax.fori_loop(0, bpw, body, 0)

        @pl.when(wid < ntail)
        def _():
            for j in range(8):
                idx = rct_v[0, 0, pl.ds(j * L, L)]
                plsc.addupdate_scatter(acc_v, [idx], ones)

        pltpu.sync_copy(acc_v, degp_hbm.at[wid])

    return hist


def _make_edges(E, N):
    nb = E // 128
    bpw = nb // NW
    ntail = nb - bpw * NW
    mesh = plsc.VectorSubcoreMesh(core_axis_name="c", subcore_axis_name="s")

    @functools.partial(
        pl.kernel,
        mesh=mesh,
        out_type=(
            jax.ShapeDtypeStruct((nb, 2, 128), jnp.float32),
            jax.ShapeDtypeStruct((2 * NW, N), jnp.float32),
        ),
        compiler_params=pltpu.CompilerParams(needs_layout_passes=False),
        scratch_types=[
            pltpu.VMEM((bpw, 2, 128), jnp.int32),
            pltpu.VMEM((1, 2, 128), jnp.int32),
            pltpu.VMEM((N,), jnp.float32),
            pltpu.VMEM((N,), jnp.float32),
            pltpu.VMEM((N,), jnp.float32),
            pltpu.VMEM((N,), jnp.float32),
            pltpu.VMEM((bpw, 2, 128), jnp.float32),
            pltpu.VMEM((1, 2, 128), jnp.float32),
            pltpu.VMEM((N,), jnp.float32),
            pltpu.VMEM((N,), jnp.float32),
        ],
    )
    def edges(ei3_hbm, tab_hbm, att_hbm, sp_hbm,
              rc_v, rct_v, u_v, v_v, g0_v, g1_v, att_v, attt_v, s0_v, s1_v):
        wid = lax.axis_index("s") * NC + lax.axis_index("c")
        pltpu.sync_copy(ei3_hbm.at[pl.ds(bpw * wid, bpw)], rc_v)

        @pl.when(wid < ntail)
        def _():
            pltpu.sync_copy(ei3_hbm.at[pl.ds(bpw * NW + wid, 1)], rct_v)

        pltpu.sync_copy(tab_hbm.at[0], u_v)
        pltpu.sync_copy(tab_hbm.at[1], v_v)
        pltpu.sync_copy(tab_hbm.at[2], g0_v)
        pltpu.sync_copy(tab_hbm.at[3], g1_v)

        zeros = jnp.zeros((L,), jnp.float32)

        def zbody(i, c):
            s0_v[pl.ds(i * L, L)] = zeros
            s1_v[pl.ds(i * L, L)] = zeros
            return c

        lax.fori_loop(0, N // L, zbody, 0)

        def att_block(rc_ref, ab_in, att_ref, ab_out):
            for j in range(8):
                idxr = rc_ref[ab_in, 0, pl.ds(j * L, L)]
                idxc = rc_ref[ab_in, 1, pl.ds(j * L, L)]
                ug = plsc.load_gather(u_v, [idxr])
                vg = plsc.load_gather(v_v, [idxc])
                e = jnp.exp(ug + vg)
                a0 = 1.0 / (1.0 + e)
                a1 = e * a0
                att_ref[ab_out, 0, pl.ds(j * L, L)] = a0
                att_ref[ab_out, 1, pl.ds(j * L, L)] = a1

        def scat_block(rc_ref, ab_in):
            for j in range(8):
                idxr = rc_ref[ab_in, 0, pl.ds(j * L, L)]
                idxc = rc_ref[ab_in, 1, pl.ds(j * L, L)]
                gr0 = plsc.load_gather(g0_v, [idxr])
                gr1 = plsc.load_gather(g1_v, [idxr])
                plsc.addupdate_scatter(s0_v, [idxc], gr0)
                plsc.addupdate_scatter(s1_v, [idxc], gr1)

        @plsc.parallel_loop(0, bpw, 1, unroll=1)
        def _(b):
            att_block(rc_v, b, att_v, b)

        def sbody(b, c):
            scat_block(rc_v, b)
            return c

        lax.fori_loop(0, bpw, sbody, 0)

        @pl.when(wid < ntail)
        def _():
            att_block(rct_v, 0, attt_v, 0)
            scat_block(rct_v, 0)

        pltpu.sync_copy(att_v, att_hbm.at[pl.ds(bpw * wid, bpw)])

        @pl.when(wid < ntail)
        def _():
            pltpu.sync_copy(attt_v, att_hbm.at[pl.ds(bpw * NW + wid, 1)])

        pltpu.sync_copy(s0_v, sp_hbm.at[wid])
        pltpu.sync_copy(s1_v, sp_hbm.at[NW + wid])

    return edges


def _mm_body(x_ref, wcat_ref, ht_ref):
    ht_ref[...] = lax.dot_general(
        wcat_ref[...], x_ref[...], (((0,), (1,)), ((), ())),
        preferred_element_type=jnp.float32)


def _tables_body(ht_ref, consts_ref, degp_ref, tab_ref, fin_ref):
    ht = ht_ref[...]
    c0 = consts_ref[0]
    bg0 = consts_ref[1]
    bg1 = consts_ref[2]
    deg = jnp.sum(degp_ref[...], axis=0, keepdims=True) + 1.0
    dis = lax.rsqrt(deg)
    u = ht[1:2] - ht[0:1] + c0
    v = ht[3:4] - ht[2:3]
    gp0 = dis * ht[4:5]
    gp1 = dis * ht[5:6]
    base0 = dis * gp0 + bg0
    base1 = dis * gp1 + bg1
    tab_ref[...] = jnp.concatenate([u, v, gp0, gp1], axis=0)
    fin_ref[...] = jnp.concatenate([dis, base0, base1], axis=0)


def _final_body(fin_ref, sp_ref, out_ref):
    dis = fin_ref[0:1]
    base0 = fin_ref[1:2]
    base1 = fin_ref[2:3]
    s0 = jnp.sum(sp_ref[0:NW], axis=0, keepdims=True)
    s1 = jnp.sum(sp_ref[NW:2 * NW], axis=0, keepdims=True)
    l0 = dis * s0 + base0
    l1 = dis * s1 + base1
    e = jnp.exp(l1 - l0)
    n0 = 1.0 / (1.0 + e)
    n1 = e * n0
    out_ref[...] = jnp.concatenate([n0, n1], axis=0)


def kernel(x, edge_index, W_edge, b_edge, W_gcn, b_gcn):
    N, D = x.shape
    E = edge_index.shape[1]

    wcat = jnp.concatenate([W_edge[:D], W_edge[D:], W_gcn], axis=1)
    consts = jnp.stack([b_edge[1] - b_edge[0], b_gcn[0], b_gcn[1]])

    ei3 = edge_index.T.reshape(E // 128, 128, 2).transpose(0, 2, 1)

    degp = _make_hist(E, N)(ei3)

    ht = pl.pallas_call(
        _mm_body,
        out_shape=jax.ShapeDtypeStruct((6, N), jnp.float32),
    )(x, wcat)

    tab, fin = pl.pallas_call(
        _tables_body,
        out_shape=(
            jax.ShapeDtypeStruct((4, N), jnp.float32),
            jax.ShapeDtypeStruct((3, N), jnp.float32),
        ),
        in_specs=[
            pl.BlockSpec(memory_space=pltpu.VMEM),
            pl.BlockSpec(memory_space=pltpu.SMEM),
            pl.BlockSpec(memory_space=pltpu.VMEM),
        ],
    )(ht, consts, degp)

    att3, sp = _make_edges(E, N)(ei3, tab)

    out2 = pl.pallas_call(
        _final_body,
        out_shape=jax.ShapeDtypeStruct((2, N), jnp.float32),
    )(fin, sp)

    edge_att = att3.transpose(0, 2, 1).reshape(E, 2)
    return edge_att, out2.T

# --- scband reference (transcript-rebuilt; emitter-appended) ---
"""Pipeline reference for scband-att-cov-8993661518239 (READ-ONLY COPY).

The authoritative reference and input builder live on the scoring server;
editing this copy changes nothing except your own understanding.
"""

import jax, jax.numpy as jnp
import numpy as np

N = 10000
E = 320000
D = 128

def setup_inputs(seed: int = 0):
    key = jax.random.key(seed)
    ks = jax.random.split(key, 6)
    x = jax.random.normal(ks[0], (N, D), dtype=jnp.float32)
    edge_index = jax.random.randint(ks[1], (2, E), 0, N, dtype=jnp.int32)
    W_edge = jax.random.normal(ks[2], (2 * D, 2), dtype=jnp.float32) * (1.0 / np.sqrt(2 * D))
    b_edge = jnp.zeros((2,), dtype=jnp.float32)
    W_gcn = jax.random.normal(ks[3], (D, 2), dtype=jnp.float32) * (1.0 / np.sqrt(D))
    b_gcn = jnp.zeros((2,), dtype=jnp.float32)
    return {"x": x, "edge_index": edge_index, "W_edge": W_edge, "b_edge": b_edge, "W_gcn": W_gcn, "b_gcn": b_gcn}

def gcn_conv(x, edge_index, W, b):
    # GCNConv with edge_norm=True, gfn=False, aggr='add'
    num_nodes = x.shape[0]
    h = x @ W
    row, col = edge_index[0], edge_index[1]
    loop = jnp.arange(num_nodes, dtype=edge_index.dtype)
    row_f = jnp.concatenate([row, loop])
    col_f = jnp.concatenate([col, loop])
    ew = jnp.ones(row_f.shape[0], dtype=x.dtype)
    deg = jax.ops.segment_sum(ew, row_f, num_segments=num_nodes)
    deg_safe = jnp.where(deg > 0, deg, 1.0)
    dis = jnp.where(deg > 0, deg_safe ** -0.5, 0.0)
    norm = dis[row_f] * ew * dis[col_f]
    # message: x_j = h[row_f] scaled by norm, scatter-add to target col_f
    out = jax.ops.segment_sum(norm[:, None] * h[row_f], col_f, num_segments=num_nodes)
    return out + b

def reference(x, edge_index, W_edge, b_edge, W_gcn, b_gcn):
    row, col = edge_index[0], edge_index[1]
    edge_rep = jnp.concatenate([x[row], x[col]], axis=-1)
    edge_att = jax.nn.softmax(edge_rep @ W_edge + b_edge, axis=-1)
    node_att = jax.nn.softmax(gcn_conv(x, edge_index, W_gcn, b_gcn), axis=-1)
    return (edge_att, node_att)

if __name__ == "__main__":
    import jax
    _d = setup_inputs()
    print(jax.jit(kernel)(*tuple(_d.values())))

</pallas_src>

<mosaic_0001>
#map = affine_map<(d0, d1) -> (0, 0, 0)>
#map1 = affine_map<(d0, d1) -> (0, 0)>
module attributes {stable_mosaic.version = 14 : i64} {
  func.func @hist(%arg0: i32, %arg1: i32, %arg2: memref<2500x2x128xi32, #tpu.memory_space<hbm>>, %arg3: memref<32x10000xf32, #tpu.memory_space<hbm>>, %arg4: memref<78x2x128xi32, #tpu.memory_space<vmem>>, %arg5: memref<1x2x128xi32, #tpu.memory_space<vmem>>, %arg6: memref<10000xf32, #tpu.memory_space<vmem>>) attributes {dimension_semantics = [#tpu.dimension_semantics<core_parallel>, #tpu.dimension_semantics<subcore_parallel>], iteration_bounds = array<i64: 2, 16>, scalar_prefetch = 0 : i64, scratch_operands = 3 : i64, tpu.core_type = #tpu.core_type<sc_vector_subcore>, window_params = [{transform_indices = #map}, {transform_indices = #map1}]} {
    %mul3A = arith.constant 2 : i32
    %mul3A_0 = arith.muli %arg1, %mul3A : i32
    %add3A = arith.addi %mul3A_0, %arg0 : i32
    %mul3A_1 = arith.constant 78 : i32
    %mul3A_2 = arith.muli %mul3A_1, %add3A : i32
    "tpu.region"() ({
      %run_scoped3A = tpu.sem_alloc : memref<!tpu.dma_semaphore, #tpu.memory_space<semaphore_mem>>
      %dma_start3A = arith.constant 0 : i32
      %dma_start3A_24 = arith.constant 0 : i32
      %dma_start3A_25 = tpu.memref_slice %arg2[%mul3A_2, %dma_start3A, %dma_start3A_24] : memref<2500x2x128xi32, #tpu.memory_space<hbm>> -> memref<78x2x128xi32, #tpu.memory_space<hbm>>
      %dma_start3A_26 = arith.constant 0 : i32
      %dma_start3A_27 = arith.constant 0 : i32
      %dma_start3A_28 = tpu.memref_slice %arg2[%mul3A_2, %dma_start3A_26, %dma_start3A_27] : memref<2500x2x128xi32, #tpu.memory_space<hbm>> -> memref<78x2x128xi32, #tpu.memory_space<hbm>>
      tpu.enqueue_dma source(%dma_start3A_28 : memref<78x2x128xi32, #tpu.memory_space<hbm>>) target(%arg4 : memref<78x2x128xi32, #tpu.memory_space<vmem>>) target_semaphore(%run_scoped3A : memref<!tpu.dma_semaphore, #tpu.memory_space<semaphore_mem>>)
      %dma_wait3A = arith.constant 0 : i32
      %dma_wait3A_29 = arith.constant 0 : i32
      %dma_wait3A_30 = tpu.memref_slice %arg2[%mul3A_2, %dma_wait3A, %dma_wait3A_29] : memref<2500x2x128xi32, #tpu.memory_space<hbm>> -> memref<78x2x128xi32, #tpu.memory_space<hbm>>
      %dma_wait3A_31 = arith.constant 0 : i32
      %dma_wait3A_32 = arith.constant 0 : i32
      %dma_wait3A_33 = tpu.memref_slice %arg2[%mul3A_2, %dma_wait3A_31, %dma_wait3A_32] : memref<2500x2x128xi32, #tpu.memory_space<hbm>> -> memref<78x2x128xi32, #tpu.memory_space<hbm>>
      tpu.wait_dma2 semaphore(%run_scoped3A : memref<!tpu.dma_semaphore, #tpu.memory_space<semaphore_mem>>) src(%dma_wait3A_33 : memref<78x2x128xi32, #tpu.memory_space<hbm>>) dst(%arg4 : memref<78x2x128xi32, #tpu.memory_space<vmem>>)
      tpu.yield
    }) : () -> ()
    %lt3A = arith.constant 4 : i32
    %lt3A_3 = arith.cmpi slt, %add3A, %lt3A : i32
    %convert_element_type3A = arith.extui %lt3A_3 : i1 to i32
    %cond3A = arith.constant 0 : i32
    %cond3A_4 = arith.cmpi ne, %convert_element_type3A, %cond3A : i32
    scf.if %cond3A_4 {
      %add3A_24 = arith.constant 2496 : i32
      %add3A_25 = arith.addi %add3A_24, %add3A : i32
      "tpu.region"() ({
        %run_scoped3A = tpu.sem_alloc : memref<!tpu.dma_semaphore, #tpu.memory_space<semaphore_mem>>
        %dma_start3A = arith.constant 0 : i32
        %dma_start3A_26 = arith.constant 0 : i32
        %dma_start3A_27 = tpu.memref_slice %arg2[%add3A_25, %dma_start3A, %dma_start3A_26] : memref<2500x2x128xi32, #tpu.memory_space<hbm>> -> memref<1x2x128xi32, #tpu.memory_space<hbm>>
        %dma_start3A_28 = arith.constant 0 : i32
        %dma_start3A_29 = arith.constant 0 : i32
        %dma_start3A_30 = tpu.memref_slice %arg2[%add3A_25, %dma_start3A_28, %dma_start3A_29] : memref<2500x2x128xi32, #tpu.memory_space<hbm>> -> memref<1x2x128xi32, #tpu.memory_space<hbm>>
        tpu.enqueue_dma source(%dma_start3A_30 : memref<1x2x128xi32, #tpu.memory_space<hbm>>) target(%arg5 : memref<1x2x128xi32, #tpu.memory_space<vmem>>) target_semaphore(%run_scoped3A : memref<!tpu.dma_semaphore, #tpu.memory_space<semaphore_mem>>)
        %dma_wait3A = arith.constant 0 : i32
        %dma_wait3A_31 = arith.constant 0 : i32
        %dma_wait3A_32 = tpu.memref_slice %arg2[%add3A_25, %dma_wait3A, %dma_wait3A_31] : memref<2500x2x128xi32, #tpu.memory_space<hbm>> -> memref<1x2x128xi32, #tpu.memory_space<hbm>>
        %dma_wait3A_33 = arith.constant 0 : i32
        %dma_wait3A_34 = arith.constant 0 : i32
        %dma_wait3A_35 = tpu.memref_slice %arg2[%add3A_25, %dma_wait3A_33, %dma_wait3A_34] : memref<2500x2x128xi32, #tpu.memory_space<hbm>> -> memref<1x2x128xi32, #tpu.memory_space<hbm>>
        tpu.wait_dma2 semaphore(%run_scoped3A : memref<!tpu.dma_semaphore, #tpu.memory_space<semaphore_mem>>) src(%dma_wait3A_35 : memref<1x2x128xi32, #tpu.memory_space<hbm>>) dst(%arg5 : memref<1x2x128xi32, #tpu.memory_space<vmem>>)
        tpu.yield
      }) : () -> ()
    } else {
    }
    %broadcast_in_dim3A = arith.constant 0.000000e+00 : f32
    %broadcast_in_dim3A_5 = vector.broadcast %broadcast_in_dim3A : f32 to vector<16xf32>
    %scan3A = arith.constant 0 : i32
    %scan3A_6 = arith.constant 0 : i32
    %scan3A_7 = arith.constant 625 : i32
    %scan3A_8 = arith.addi %scan3A_6, %scan3A_7 : i32
    %scan3A_9 = arith.constant 1 : i32
    scf.for %scan3A_24 = %scan3A_6 to %scan3A_8 step %scan3A_9  : i32 {
      %mul3A_25 = arith.constant 16 : i32
      %mul3A_26 = arith.muli %scan3A_24, %mul3A_25 : i32
      %swap3A = arith.index_cast %mul3A_26 : i32 to index
      %swap3A_27 = tpu.vector_load %arg6[%swap3A] {strides = array<i32>} : memref<10000xf32, #tpu.memory_space<vmem>>, vector<16xf32>,
      tpu.vector_store %arg6[%swap3A], %broadcast_in_dim3A_5 {strides = array<i32>} : memref<10000xf32, #tpu.memory_space<vmem>>, vector<16xf32>,
    }
    %scan3A_10 = arith.constant 625 : i32
    %broadcast_in_dim3A_11 = arith.constant 1.000000e+00 : f32
    %broadcast_in_dim3A_12 = vector.broadcast %broadcast_in_dim3A_11 : f32 to vector<16xf32>
    %scan3A_13 = arith.constant 0 : i32
    %scan3A_14 = arith.constant 0 : i32
    %scan3A_15 = arith.constant 78 : i32
    %scan3A_16 = arith.addi %scan3A_14, %scan3A_15 : i32
    %scan3A_17 = arith.constant 1 : i32
    scf.for %scan3A_24 = %scan3A_14 to %scan3A_16 step %scan3A_17  : i32 {
      %get3A = arith.constant 0 : i32
      %get3A_25 = arith.index_cast %scan3A_24 : i32 to index
      %get3A_26 = arith.index_cast %get3A : i32 to index
      %get3A_27 = arith.constant 0 : index
      %get3A_28 = tpu.vector_load %arg4[%get3A_25, %get3A_26, %get3A_27] {strides = array<i32>} : memref<78x2x128xi32, #tpu.memory_space<vmem>>, vector<16xi32>,
      tpu.vector_store_idx %arg6[%get3A_28], %broadcast_in_dim3A_12 {add = true} : memref<10000xf32, #tpu.memory_space<vmem>>[vector<16xi32>], vector<16xf32>,
      %get3A_29 = arith.constant 0 : i32
      %get3A_30 = arith.index_cast %scan3A_24 : i32 to index
      %get3A_31 = arith.index_cast %get3A_29 : i32 to index
      %get3A_32 = arith.constant 16 : index
      %get3A_33 = tpu.vector_load %arg4[%get3A_30, %get3A_31, %get3A_32] {strides = array<i32>} : memref<78x2x128xi32, #tpu.memory_space<vmem>>, vector<16xi32>,
      tpu.vector_store_idx %arg6[%get3A_33], %broadcast_in_dim3A_12 {add = true} : memref<10000xf32, #tpu.memory_space<vmem>>[vector<16xi32>], vector<16xf32>,
      %get3A_34 = arith.constant 0 : i32
      %get3A_35 = arith.index_cast %scan3A_24 : i32 to index
      %get3A_36 = arith.index_cast %get3A_34 : i32 to index
      %get3A_37 = arith.constant 32 : index
      %get3A_38 = tpu.vector_load %arg4[%get3A_35, %get3A_36, %get3A_37] {strides = array<i32>} : memref<78x2x128xi32, #tpu.memory_space<vmem>>, vector<16xi32>,
      tpu.vector_store_idx %arg6[%get3A_38], %broadcast_in_dim3A_12 {add = true} : memref<10000xf32, #tpu.memory_space<vmem>>[vector<16xi32>], vector<16xf32>,
      %get3A_39 = arith.constant 0 : i32
      %get3A_40 = arith.index_cast %scan3A_24 : i32 to index
      %get3A_41 = arith.index_cast %get3A_39 : i32 to index
      %get3A_42 = arith.constant 48 : index
      %get3A_43 = tpu.vector_load %arg4[%get3A_40, %get3A_41, %get3A_42] {strides = array<i32>} : memref<78x2x128xi32, #tpu.memory_space<vmem>>, vector<16xi32>,
      tpu.vector_store_idx %arg6[%get3A_43], %broadcast_in_dim3A_12 {add = true} : memref<10000xf32, #tpu.memory_space<vmem>>[vector<16xi32>], vector<16xf32>,
      %get3A_44 = arith.constant 0 : i32
      %get3A_45 = arith.index_cast %scan3A_24 : i32 to index
      %get3A_46 = arith.index_cast %get3A_44 : i32 to index
      %get3A_47 = arith.constant 64 : index
      %get3A_48 = tpu.vector_load %arg4[%get3A_45, %get3A_46, %get3A_47] {strides = array<i32>} : memref<78x2x128xi32, #tpu.memory_space<vmem>>, vector<16xi32>,
      tpu.vector_store_idx %arg6[%get3A_48], %broadcast_in_dim3A_12 {add = true} : memref<10000xf32, #tpu.memory_space<vmem>>[vector<16xi32>], vector<16xf32>,
      %get3A_49 = arith.constant 0 : i32
      %get3A_50 = arith.index_cast %scan3A_24 : i32 to index
      %get3A_51 = arith.index_cast %get3A_49 : i32 to index
      %get3A_52 = arith.constant 80 : index
      %get3A_53 = tpu.vector_load %arg4[%get3A_50, %get3A_51, %get3A_52] {strides = array<i32>} : memref<78x2x128xi32, #tpu.memory_space<vmem>>, vector<16xi32>,
      tpu.vector_store_idx %arg6[%get3A_53], %broadcast_in_dim3A_12 {add = true} : memref<10000xf32, #tpu.memory_space<vmem>>[vector<16xi32>], vector<16xf32>,
      %get3A_54 = arith.constant 0 : i32
      %get3A_55 = arith.index_cast %scan3A_24 : i32 to index
      %get3A_56 = arith.index_cast %get3A_54 : i32 to index
      %get3A_57 = arith.constant 96 : index
      %get3A_58 = tpu.vector_load %arg4[%get3A_55, %get3A_56, %get3A_57] {strides = array<i32>} : memref<78x2x128xi32, #tpu.memory_space<vmem>>, vector<16xi32>,
      tpu.vector_store_idx %arg6[%get3A_58], %broadcast_in_dim3A_12 {add = true} : memref<10000xf32, #tpu.memory_space<vmem>>[vector<16xi32>], vector<16xf32>,
      %get3A_59 = arith.constant 0 : i32
      %get3A_60 = arith.index_cast %scan3A_24 : i32 to index
      %get3A_61 = arith.index_cast %get3A_59 : i32 to index
      %get3A_62 = arith.constant 112 : index
      %get3A_63 = tpu.vector_load %arg4[%get3A_60, %get3A_61, %get3A_62] {strides = array<i32>} : memref<78x2x128xi32, #tpu.memory_space<vmem>>, vector<16xi32>,
      tpu.vector_store_idx %arg6[%get3A_63], %broadcast_in_dim3A_12 {add = true} : memref<10000xf32, #tpu.memory_space<vmem>>[vector<16xi32>], vector<16xf32>,
    }
    %scan3A_18 = arith.constant 78 : i32
    %lt3A_19 = arith.constant 4 : i32
    %lt3A_20 = arith.cmpi slt, %add3A, %lt3A_19 : i32
    %convert_element_type3A_21 = arith.extui %lt3A_20 : i1 to i32
    %cond3A_22 = arith.constant 0 : i32
    %cond3A_23 = arith.cmpi ne, %convert_element_type3A_21, %cond3A_22 : i32
    scf.if %cond3A_23 {
      %get3A = arith.constant 0 : i32
      %get3A_24 = arith.constant 0 : i32
      %get3A_25 = arith.index_cast %get3A : i32 to index
      %get3A_26 = arith.index_cast %get3A_24 : i32 to index
      %get3A_27 = arith.constant 0 : index
      %get3A_28 = tpu.vector_load %arg5[%get3A_25, %get3A_26, %get3A_27] {strides = array<i32>} : memref<1x2x128xi32, #tpu.memory_space<vmem>>, vector<16xi32>,
      tpu.vector_store_idx %arg6[%get3A_28], %broadcast_in_dim3A_12 {add = true} : memref<10000xf32, #tpu.memory_space<vmem>>[vector<16xi32>], vector<16xf32>,
      %get3A_29 = arith.constant 0 : i32
      %get3A_30 = arith.constant 0 : i32
      %get3A_31 = arith.index_cast %get3A_29 : i32 to index
      %get3A_32 = arith.index_cast %get3A_30 : i32 to index
      %get3A_33 = arith.constant 16 : index
      %get3A_34 = tpu.vector_load %arg5[%get3A_31, %get3A_32, %get3A_33] {strides = array<i32>} : memref<1x2x128xi32, #tpu.memory_space<vmem>>, vector<16xi32>,
      tpu.vector_store_idx %arg6[%get3A_34], %broadcast_in_dim3A_12 {add = true} : memref<10000xf32, #tpu.memory_space<vmem>>[vector<16xi32>], vector<16xf32>,
      %get3A_35 = arith.constant 0 : i32
      %get3A_36 = arith.constant 0 : i32
      %get3A_37 = arith.index_cast %get3A_35 : i32 to index
      %get3A_38 = arith.index_cast %get3A_36 : i32 to index
      %get3A_39 = arith.constant 32 : index
      %get3A_40 = tpu.vector_load %arg5[%get3A_37, %get3A_38, %get3A_39] {strides = array<i32>} : memref<1x2x128xi32, #tpu.memory_space<vmem>>, vector<16xi32>,
      tpu.vector_store_idx %arg6[%get3A_40], %broadcast_in_dim3A_12 {add = true} : memref<10000xf32, #tpu.memory_space<vmem>>[vector<16xi32>], vector<16xf32>,
      %get3A_41 = arith.constant 0 : i32
      %get3A_42 = arith.constant 0 : i32
      %get3A_43 = arith.index_cast %get3A_41 : i32 to index
      %get3A_44 = arith.index_cast %get3A_42 : i32 to index
      %get3A_45 = arith.constant 48 : index
      %get3A_46 = tpu.vector_load %arg5[%get3A_43, %get3A_44, %get3A_45] {strides = array<i32>} : memref<1x2x128xi32, #tpu.memory_space<vmem>>, vector<16xi32>,
      tpu.vector_store_idx %arg6[%get3A_46], %broadcast_in_dim3A_12 {add = true} : memref<10000xf32, #tpu.memory_space<vmem>>[vector<16xi32>], vector<16xf32>,
      %get3A_47 = arith.constant 0 : i32
      %get3A_48 = arith.constant 0 : i32
      %get3A_49 = arith.index_cast %get3A_47 : i32 to index
      %get3A_50 = arith.index_cast %get3A_48 : i32 to index
      %get3A_51 = arith.constant 64 : index
      %get3A_52 = tpu.vector_load %arg5[%get3A_49, %get3A_50, %get3A_51] {strides = array<i32>} : memref<1x2x128xi32, #tpu.memory_space<vmem>>, vector<16xi32>,
      tpu.vector_store_idx %arg6[%get3A_52], %broadcast_in_dim3A_12 {add = true} : memref<10000xf32, #tpu.memory_space<vmem>>[vector<16xi32>], vector<16xf32>,
      %get3A_53 = arith.constant 0 : i32
      %get3A_54 = arith.constant 0 : i32
      %get3A_55 = arith.index_cast %get3A_53 : i32 to index
      %get3A_56 = arith.index_cast %get3A_54 : i32 to index
      %get3A_57 = arith.constant 80 : index
      %get3A_58 = tpu.vector_load %arg5[%get3A_55, %get3A_56, %get3A_57] {strides = array<i32>} : memref<1x2x128xi32, #tpu.memory_space<vmem>>, vector<16xi32>,
      tpu.vector_store_idx %arg6[%get3A_58], %broadcast_in_dim3A_12 {add = true} : memref<10000xf32, #tpu.memory_space<vmem>>[vector<16xi32>], vector<16xf32>,
      %get3A_59 = arith.constant 0 : i32
      %get3A_60 = arith.constant 0 : i32
      %get3A_61 = arith.index_cast %get3A_59 : i32 to index
      %get3A_62 = arith.index_cast %get3A_60 : i32 to index
      %get3A_63 = arith.constant 96 : index
      %get3A_64 = tpu.vector_load %arg5[%get3A_61, %get3A_62, %get3A_63] {strides = array<i32>} : memref<1x2x128xi32, #tpu.memory_space<vmem>>, vector<16xi32>,
      tpu.vector_store_idx %arg6[%get3A_64], %broadcast_in_dim3A_12 {add = true} : memref<10000xf32, #tpu.memory_space<vmem>>[vector<16xi32>], vector<16xf32>,
      %get3A_65 = arith.constant 0 : i32
      %get3A_66 = arith.constant 0 : i32
      %get3A_67 = arith.index_cast %get3A_65 : i32 to index
      %get3A_68 = arith.index_cast %get3A_66 : i32 to index
      %get3A_69 = arith.constant 112 : index
      %get3A_70 = tpu.vector_load %arg5[%get3A_67, %get3A_68, %get3A_69] {strides = array<i32>} : memref<1x2x128xi32, #tpu.memory_space<vmem>>, vector<16xi32>,
      tpu.vector_store_idx %arg6[%get3A_70], %broadcast_in_dim3A_12 {add = true} : memref<10000xf32, #tpu.memory_space<vmem>>[vector<16xi32>], vector<16xf32>,
    } else {
    }
    "tpu.region"() ({
      %run_scoped3A = tpu.sem_alloc : memref<!tpu.dma_semaphore, #tpu.memory_space<semaphore_mem>>
      %dma_start3A = arith.constant 0 : i32
      %dma_start3A_24 = tpu.memref_slice %arg3[%add3A, %dma_start3A] : memref<32x10000xf32, #tpu.memory_space<hbm>> -> memref<1x10000xf32, #tpu.memory_space<hbm>>
      %dma_start3A_25 = tpu.memref_squeeze %dma_start3A_24 : memref<1x10000xf32, #tpu.memory_space<hbm>> -> memref<10000xf32, #tpu.memory_space<hbm>>
      %dma_start3A_26 = arith.constant 0 : i32
      %dma_start3A_27 = tpu.memref_slice %arg3[%add3A, %dma_start3A_26] : memref<32x10000xf32, #tpu.memory_space<hbm>> -> memref<1x10000xf32, #tpu.memory_space<hbm>>
      %dma_start3A_28 = tpu.memref_squeeze %dma_start3A_27 : memref<1x10000xf32, #tpu.memory_space<hbm>> -> memref<10000xf32, #tpu.memory_space<hbm>>
      tpu.enqueue_dma source(%arg6 : memref<10000xf32, #tpu.memory_space<vmem>>) target(%dma_start3A_28 : memref<10000xf32, #tpu.memory_space<hbm>>) target_semaphore(%run_scoped3A : memref<!tpu.dma_semaphore, #tpu.memory_space<semaphore_mem>>)
      %dma_wait3A = arith.constant 0 : i32
      %dma_wait3A_29 = tpu.memref_slice %arg3[%add3A, %dma_wait3A] : memref<32x10000xf32, #tpu.memory_space<hbm>> -> memref<1x10000xf32, #tpu.memory_space<hbm>>
      %dma_wait3A_30 = tpu.memref_squeeze %dma_wait3A_29 : memref<1x10000xf32, #tpu.memory_space<hbm>> -> memref<10000xf32, #tpu.memory_space<hbm>>
      %dma_wait3A_31 = arith.constant 0 : i32
      %dma_wait3A_32 = tpu.memref_slice %arg3[%add3A, %dma_wait3A_31] : memref<32x10000xf32, #tpu.memory_space<hbm>> -> memref<1x10000xf32, #tpu.memory_space<hbm>>
      %dma_wait3A_33 = tpu.memref_squeeze %dma_wait3A_32 : memref<1x10000xf32, #tpu.memory_space<hbm>> -> memref<10000xf32, #tpu.memory_space<hbm>>
      tpu.wait_dma2 semaphore(%run_scoped3A : memref<!tpu.dma_semaphore, #tpu.memory_space<semaphore_mem>>) src(%arg6 : memref<10000xf32, #tpu.memory_space<vmem>>) dst(%dma_wait3A_33 : memref<10000xf32, #tpu.memory_space<hbm>>)
      tpu.yield
    }) : () -> ()
    return
  }
}

#map = affine_map<(d0, d1) -> (0, 0, 0)>
#map1 = affine_map<(d0, d1) -> (0, 0)>
module attributes {stable_mosaic.version = 14 : i64} {
  func.func @edges(%arg0: i32, %arg1: i32, %arg2: memref<2500x2x128xi32, #tpu.memory_space<hbm>>, %arg3: memref<4x10000xf32, #tpu.memory_space<hbm>>, %arg4: memref<2500x2x128xf32, #tpu.memory_space<hbm>>, %arg5: memref<64x10000xf32, #tpu.memory_space<hbm>>, %arg6: memref<78x2x128xi32, #tpu.memory_space<vmem>>, %arg7: memref<1x2x128xi32, #tpu.memory_space<vmem>>, %arg8: memref<10000xf32, #tpu.memory_space<vmem>>, %arg9: memref<10000xf32, #tpu.memory_space<vmem>>, %arg10: memref<10000xf32, #tpu.memory_space<vmem>>, %arg11: memref<10000xf32, #tpu.memory_space<vmem>>, %arg12: memref<78x2x128xf32, #tpu.memory_space<vmem>>, %arg13: memref<1x2x128xf32, #tpu.memory_space<vmem>>, %arg14: memref<10000xf32, #tpu.memory_space<vmem>>, %arg15: memref<10000xf32, #tpu.memory_space<vmem>>) attributes {dimension_semantics = [#tpu.dimension_semantics<core_parallel>, #tpu.dimension_semantics<subcore_parallel>], iteration_bounds = array<i64: 2, 16>, scalar_prefetch = 0 : i64, scratch_operands = 10 : i64, tpu.core_type = #tpu.core_type<sc_vector_subcore>, window_params = [{transform_indices = #map}, {transform_indices = #map1}, {transform_indices = #map}, {transform_indices = #map1}]} {
    %mul3A = arith.constant 2 : i32
    %mul3A_0 = arith.muli %arg1, %mul3A : i32
    %add3A = arith.addi %mul3A_0, %arg0 : i32
    %mul3A_1 = arith.constant 78 : i32
    %mul3A_2 = arith.muli %mul3A_1, %add3A : i32
    "tpu.region"() ({
      %run_scoped3A_36 = tpu.sem_alloc : memref<!tpu.dma_semaphore, #tpu.memory_space<semaphore_mem>>
      %dma_start3A = arith.constant 0 : i32
      %dma_start3A_37 = arith.constant 0 : i32
      %dma_start3A_38 = tpu.memref_slice %arg2[%mul3A_2, %dma_start3A, %dma_start3A_37] : memref<2500x2x128xi32, #tpu.memory_space<hbm>> -> memref<78x2x128xi32, #tpu.memory_space<hbm>>
      %dma_start3A_39 = arith.constant 0 : i32
      %dma_start3A_40 = arith.constant 0 : i32
      %dma_start3A_41 = tpu.memref_slice %arg2[%mul3A_2, %dma_start3A_39, %dma_start3A_40] : memref<2500x2x128xi32, #tpu.memory_space<hbm>> -> memref<78x2x128xi32, #tpu.memory_space<hbm>>
      tpu.enqueue_dma source(%dma_start3A_41 : memref<78x2x128xi32, #tpu.memory_space<hbm>>) target(%arg6 : memref<78x2x128xi32, #tpu.memory_space<vmem>>) target_semaphore(%run_scoped3A_36 : memref<!tpu.dma_semaphore, #tpu.memory_space<semaphore_mem>>)
      %dma_wait3A = arith.constant 0 : i32
      %dma_wait3A_42 = arith.constant 0 : i32
      %dma_wait3A_43 = tpu.memref_slice %arg2[%mul3A_2, %dma_wait3A, %dma_wait3A_42] : memref<2500x2x128xi32, #tpu.memory_space<hbm>> -> memref<78x2x128xi32, #tpu.memory_space<hbm>>
      %dma_wait3A_44 = arith.constant 0 : i32
      %dma_wait3A_45 = arith.constant 0 : i32
      %dma_wait3A_46 = tpu.memref_slice %arg2[%mul3A_2, %dma_wait3A_44, %dma_wait3A_45] : memref<2500x2x128xi32, #tpu.memory_space<hbm>> -> memref<78x2x128xi32, #tpu.memory_space<hbm>>
      tpu.wait_dma2 semaphore(%run_scoped3A_36 : memref<!tpu.dma_semaphore, #tpu.memory_space<semaphore_mem>>) src(%dma_wait3A_46 : memref<78x2x128xi32, #tpu.memory_space<hbm>>) dst(%arg6 : memref<78x2x128xi32, #tpu.memory_space<vmem>>)
      tpu.yield
    }) : () -> ()
    %lt3A = arith.constant 4 : i32
    %lt3A_3 = arith.cmpi slt, %add3A, %lt3A : i32
    %convert_element_type3A = arith.extui %lt3A_3 : i1 to i32
    %cond3A = arith.constant 0 : i32
    %cond3A_4 = arith.cmpi ne, %convert_element_type3A, %cond3A : i32
    scf.if %cond3A_4 {
      %add3A_36 = arith.constant 2496 : i32
      %add3A_37 = arith.addi %add3A_36, %add3A : i32
      "tpu.region"() ({
        %run_scoped3A_38 = tpu.sem_alloc : memref<!tpu.dma_semaphore, #tpu.memory_space<semaphore_mem>>
        %dma_start3A = arith.constant 0 : i32
        %dma_start3A_39 = arith.constant 0 : i32
        %dma_start3A_40 = tpu.memref_slice %arg2[%add3A_37, %dma_start3A, %dma_start3A_39] : memref<2500x2x128xi32, #tpu.memory_space<hbm>> -> memref<1x2x128xi32, #tpu.memory_space<hbm>>
        %dma_start3A_41 = arith.constant 0 : i32
        %dma_start3A_42 = arith.constant 0 : i32
        %dma_start3A_43 = tpu.memref_slice %arg2[%add3A_37, %dma_start3A_41, %dma_start3A_42] : memref<2500x2x128xi32, #tpu.memory_space<hbm>> -> memref<1x2x128xi32, #tpu.memory_space<hbm>>
        tpu.enqueue_dma source(%dma_start3A_43 : memref<1x2x128xi32, #tpu.memory_space<hbm>>) target(%arg7 : memref<1x2x128xi32, #tpu.memory_space<vmem>>) target_semaphore(%run_scoped3A_38 : memref<!tpu.dma_semaphore, #tpu.memory_space<semaphore_mem>>)
        %dma_wait3A = arith.constant 0 : i32
        %dma_wait3A_44 = arith.constant 0 : i32
        %dma_wait3A_45 = tpu.memref_slice %arg2[%add3A_37, %dma_wait3A, %dma_wait3A_44] : memref<2500x2x128xi32, #tpu.memory_space<hbm>> -> memref<1x2x128xi32, #tpu.memory_space<hbm>>
        %dma_wait3A_46 = arith.constant 0 : i32
        %dma_wait3A_47 = arith.constant 0 : i32
        %dma_wait3A_48 = tpu.memref_slice %arg2[%add3A_37, %dma_wait3A_46, %dma_wait3A_47] : memref<2500x2x128xi32, #tpu.memory_space<hbm>> -> memref<1x2x128xi32, #tpu.memory_space<hbm>>
        tpu.wait_dma2 semaphore(%run_scoped3A_38 : memref<!tpu.dma_semaphore, #tpu.memory_space<semaphore_mem>>) src(%dma_wait3A_48 : memref<1x2x128xi32, #tpu.memory_space<hbm>>) dst(%arg7 : memref<1x2x128xi32, #tpu.memory_space<vmem>>)
        tpu.yield
      }) : () -> ()
    } else {
    }
    %run_scoped3A = arith.constant 0 : i32
    "tpu.region"() ({
      %run_scoped3A_36 = tpu.sem_alloc : memref<!tpu.dma_semaphore, #tpu.memory_space<semaphore_mem>>
      %dma_start3A = arith.constant 0 : i32
      %dma_start3A_37 = tpu.memref_slice %arg3[%run_scoped3A, %dma_start3A] : memref<4x10000xf32, #tpu.memory_space<hbm>> -> memref<1x10000xf32, #tpu.memory_space<hbm>>
      %dma_start3A_38 = tpu.memref_squeeze %dma_start3A_37 : memref<1x10000xf32, #tpu.memory_space<hbm>> -> memref<10000xf32, #tpu.memory_space<hbm>>
      %dma_start3A_39 = arith.constant 0 : i32
      %dma_start3A_40 = tpu.memref_slice %arg3[%run_scoped3A, %dma_start3A_39] : memref<4x10000xf32, #tpu.memory_space<hbm>> -> memref<1x10000xf32, #tpu.memory_space<hbm>>
      %dma_start3A_41 = tpu.memref_squeeze %dma_start3A_40 : memref<1x10000xf32, #tpu.memory_space<hbm>> -> memref<10000xf32, #tpu.memory_space<hbm>>
      tpu.enqueue_dma source(%dma_start3A_41 : memref<10000xf32, #tpu.memory_space<hbm>>) target(%arg8 : memref<10000xf32, #tpu.memory_space<vmem>>) target_semaphore(%run_scoped3A_36 : memref<!tpu.dma_semaphore, #tpu.memory_space<semaphore_mem>>)
      %dma_wait3A = arith.constant 0 : i32
      %dma_wait3A_42 = tpu.memref_slice %arg3[%run_scoped3A, %dma_wait3A] : memref<4x10000xf32, #tpu.memory_space<hbm>> -> memref<1x10000xf32, #tpu.memory_space<hbm>>
      %dma_wait3A_43 = tpu.memref_squeeze %dma_wait3A_42 : memref<1x10000xf32, #tpu.memory_space<hbm>> -> memref<10000xf32, #tpu.memory_space<hbm>>
      %dma_wait3A_44 = arith.constant 0 : i32
      %dma_wait3A_45 = tpu.memref_slice %arg3[%run_scoped3A, %dma_wait3A_44] : memref<4x10000xf32, #tpu.memory_space<hbm>> -> memref<1x10000xf32, #tpu.memory_space<hbm>>
      %dma_wait3A_46 = tpu.memref_squeeze %dma_wait3A_45 : memref<1x10000xf32, #tpu.memory_space<hbm>> -> memref<10000xf32, #tpu.memory_space<hbm>>
      tpu.wait_dma2 semaphore(%run_scoped3A_36 : memref<!tpu.dma_semaphore, #tpu.memory_space<semaphore_mem>>) src(%dma_wait3A_46 : memref<10000xf32, #tpu.memory_space<hbm>>) dst(%arg8 : memref<10000xf32, #tpu.memory_space<vmem>>)
      tpu.yield
    }) : () -> ()
    %run_scoped3A_5 = arith.constant 1 : i32
    "tpu.region"() ({
      %run_scoped3A_36 = tpu.sem_alloc : memref<!tpu.dma_semaphore, #tpu.memory_space<semaphore_mem>>
      %dma_start3A = arith.constant 0 : i32
      %dma_start3A_37 = tpu.memref_slice %arg3[%run_scoped3A_5, %dma_start3A] : memref<4x10000xf32, #tpu.memory_space<hbm>> -> memref<1x10000xf32, #tpu.memory_space<hbm>>
      %dma_start3A_38 = tpu.memref_squeeze %dma_start3A_37 : memref<1x10000xf32, #tpu.memory_space<hbm>> -> memref<10000xf32, #tpu.memory_space<hbm>>
      %dma_start3A_39 = arith.constant 0 : i32
      %dma_start3A_40 = tpu.memref_slice %arg3[%run_scoped3A_5, %dma_start3A_39] : memref<4x10000xf32, #tpu.memory_space<hbm>> -> memref<1x10000xf32, #tpu.memory_space<hbm>>
      %dma_start3A_41 = tpu.memref_squeeze %dma_start3A_40 : memref<1x10000xf32, #tpu.memory_space<hbm>> -> memref<10000xf32, #tpu.memory_space<hbm>>
      tpu.enqueue_dma source(%dma_start3A_41 : memref<10000xf32, #tpu.memory_space<hbm>>) target(%arg9 : memref<10000xf32, #tpu.memory_space<vmem>>) target_semaphore(%run_scoped3A_36 : memref<!tpu.dma_semaphore, #tpu.memory_space<semaphore_mem>>)
      %dma_wait3A = arith.constant 0 : i32
      %dma_wait3A_42 = tpu.memref_slice %arg3[%run_scoped3A_5, %dma_wait3A] : memref<4x10000xf32, #tpu.memory_space<hbm>> -> memref<1x10000xf32, #tpu.memory_space<hbm>>
      %dma_wait3A_43 = tpu.memref_squeeze %dma_wait3A_42 : memref<1x10000xf32, #tpu.memory_space<hbm>> -> memref<10000xf32, #tpu.memory_space<hbm>>
      %dma_wait3A_44 = arith.constant 0 : i32
      %dma_wait3A_45 = tpu.memref_slice %arg3[%run_scoped3A_5, %dma_wait3A_44] : memref<4x10000xf32, #tpu.memory_space<hbm>> -> memref<1x10000xf32, #tpu.memory_space<hbm>>
      %dma_wait3A_46 = tpu.memref_squeeze %dma_wait3A_45 : memref<1x10000xf32, #tpu.memory_space<hbm>> -> memref<10000xf32, #tpu.memory_space<hbm>>
      tpu.wait_dma2 semaphore(%run_scoped3A_36 : memref<!tpu.dma_semaphore, #tpu.memory_space<semaphore_mem>>) src(%dma_wait3A_46 : memref<10000xf32, #tpu.memory_space<hbm>>) dst(%arg9 : memref<10000xf32, #tpu.memory_space<vmem>>)
      tpu.yield
    }) : () -> ()
    %run_scoped3A_6 = arith.constant 2 : i32
    "tpu.region"() ({
      %run_scoped3A_36 = tpu.sem_alloc : memref<!tpu.dma_semaphore, #tpu.memory_space<semaphore_mem>>
      %dma_start3A = arith.constant 0 : i32
      %dma_start3A_37 = tpu.memref_slice %arg3[%run_scoped3A_6, %dma_start3A] : memref<4x10000xf32, #tpu.memory_space<hbm>> -> memref<1x10000xf32, #tpu.memory_space<hbm>>
      %dma_start3A_38 = tpu.memref_squeeze %dma_start3A_37 : memref<1x10000xf32, #tpu.memory_space<hbm>> -> memref<10000xf32, #tpu.memory_space<hbm>>
      %dma_start3A_39 = arith.constant 0 : i32
      %dma_start3A_40 = tpu.memref_slice %arg3[%run_scoped3A_6, %dma_start3A_39] : memref<4x10000xf32, #tpu.memory_space<hbm>> -> memref<1x10000xf32, #tpu.memory_space<hbm>>
      %dma_start3A_41 = tpu.memref_squeeze %dma_start3A_40 : memref<1x10000xf32, #tpu.memory_space<hbm>> -> memref<10000xf32, #tpu.memory_space<hbm>>
      tpu.enqueue_dma source(%dma_start3A_41 : memref<10000xf32, #tpu.memory_space<hbm>>) target(%arg10 : memref<10000xf32, #tpu.memory_space<vmem>>) target_semaphore(%run_scoped3A_36 : memref<!tpu.dma_semaphore, #tpu.memory_space<semaphore_mem>>)
      %dma_wait3A = arith.constant 0 : i32
      %dma_wait3A_42 = tpu.memref_slice %arg3[%run_scoped3A_6, %dma_wait3A] : memref<4x10000xf32, #tpu.memory_space<hbm>> -> memref<1x10000xf32, #tpu.memory_space<hbm>>
      %dma_wait3A_43 = tpu.memref_squeeze %dma_wait3A_42 : memref<1x10000xf32, #tpu.memory_space<hbm>> -> memref<10000xf32, #tpu.memory_space<hbm>>
      %dma_wait3A_44 = arith.constant 0 : i32
      %dma_wait3A_45 = tpu.memref_slice %arg3[%run_scoped3A_6, %dma_wait3A_44] : memref<4x10000xf32, #tpu.memory_space<hbm>> -> memref<1x10000xf32, #tpu.memory_space<hbm>>
      %dma_wait3A_46 = tpu.memref_squeeze %dma_wait3A_45 : memref<1x10000xf32, #tpu.memory_space<hbm>> -> memref<10000xf32, #tpu.memory_space<hbm>>
      tpu.wait_dma2 semaphore(%run_scoped3A_36 : memref<!tpu.dma_semaphore, #tpu.memory_space<semaphore_mem>>) src(%dma_wait3A_46 : memref<10000xf32, #tpu.memory_space<hbm>>) dst(%arg10 : memref<10000xf32, #tpu.memory_space<vmem>>)
      tpu.yield
    }) : () -> ()
    %run_scoped3A_7 = arith.constant 3 : i32
    "tpu.region"() ({
      %run_scoped3A_36 = tpu.sem_alloc : memref<!tpu.dma_semaphore, #tpu.memory_space<semaphore_mem>>
      %dma_start3A = arith.constant 0 : i32
      %dma_start3A_37 = tpu.memref_slice %arg3[%run_scoped3A_7, %dma_start3A] : memref<4x10000xf32, #tpu.memory_space<hbm>> -> memref<1x10000xf32, #tpu.memory_space<hbm>>
      %dma_start3A_38 = tpu.memref_squeeze %dma_start3A_37 : memref<1x10000xf32, #tpu.memory_space<hbm>> -> memref<10000xf32, #tpu.memory_space<hbm>>
      %dma_start3A_39 = arith.constant 0 : i32
      %dma_start3A_40 = tpu.memref_slice %arg3[%run_scoped3A_7, %dma_start3A_39] : memref<4x10000xf32, #tpu.memory_space<hbm>> -> memref<1x10000xf32, #tpu.memory_space<hbm>>
      %dma_start3A_41 = tpu.memref_squeeze %dma_start3A_40 : memref<1x10000xf32, #tpu.memory_space<hbm>> -> memref<10000xf32, #tpu.memory_space<hbm>>
      tpu.enqueue_dma source(%dma_start3A_41 : memref<10000xf32, #tpu.memory_space<hbm>>) target(%arg11 : memref<10000xf32, #tpu.memory_space<vmem>>) target_semaphore(%run_scoped3A_36 : memref<!tpu.dma_semaphore, #tpu.memory_space<semaphore_mem>>)
      %dma_wait3A = arith.constant 0 : i32
      %dma_wait3A_42 = tpu.memref_slice %arg3[%run_scoped3A_7, %dma_wait3A] : memref<4x10000xf32, #tpu.memory_space<hbm>> -> memref<1x10000xf32, #tpu.memory_space<hbm>>
      %dma_wait3A_43 = tpu.memref_squeeze %dma_wait3A_42 : memref<1x10000xf32, #tpu.memory_space<hbm>> -> memref<10000xf32, #tpu.memory_space<hbm>>
      %dma_wait3A_44 = arith.constant 0 : i32
      %dma_wait3A_45 = tpu.memref_slice %arg3[%run_scoped3A_7, %dma_wait3A_44] : memref<4x10000xf32, #tpu.memory_space<hbm>> -> memref<1x10000xf32, #tpu.memory_space<hbm>>
      %dma_wait3A_46 = tpu.memref_squeeze %dma_wait3A_45 : memref<1x10000xf32, #tpu.memory_space<hbm>> -> memref<10000xf32, #tpu.memory_space<hbm>>
      tpu.wait_dma2 semaphore(%run_scoped3A_36 : memref<!tpu.dma_semaphore, #tpu.memory_space<semaphore_mem>>) src(%dma_wait3A_46 : memref<10000xf32, #tpu.memory_space<hbm>>) dst(%arg11 : memref<10000xf32, #tpu.memory_space<vmem>>)
      tpu.yield
    }) : () -> ()
    %broadcast_in_dim3A = arith.constant 0.000000e+00 : f32
    %broadcast_in_dim3A_8 = vector.broadcast %broadcast_in_dim3A : f32 to vector<16xf32>
    %scan3A = arith.constant 0 : i32
    %scan3A_9 = arith.constant 0 : i32
    %scan3A_10 = arith.constant 625 : i32
    %scan3A_11 = arith.addi %scan3A_9, %scan3A_10 : i32
    %scan3A_12 = arith.constant 1 : i32
    scf.for %scan3A_36 = %scan3A_9 to %scan3A_11 step %scan3A_12  : i32 {
      %mul3A_37 = arith.constant 16 : i32
      %mul3A_38 = arith.muli %scan3A_36, %mul3A_37 : i32
      %swap3A = arith.index_cast %mul3A_38 : i32 to index
      %swap3A_39 = tpu.vector_load %arg14[%swap3A] {strides = array<i32>} : memref<10000xf32, #tpu.memory_space<vmem>>, vector<16xf32>,
      tpu.vector_store %arg14[%swap3A], %broadcast_in_dim3A_8 {strides = array<i32>} : memref<10000xf32, #tpu.memory_space<vmem>>, vector<16xf32>,
      %mul3A_40 = arith.constant 16 : i32
      %mul3A_41 = arith.muli %scan3A_36, %mul3A_40 : i32
      %swap3A_42 = arith.index_cast %mul3A_41 : i32 to index
      %swap3A_43 = tpu.vector_load %arg15[%swap3A_42] {strides = array<i32>} : memref<10000xf32, #tpu.memory_space<vmem>>, vector<16xf32>,
      tpu.vector_store %arg15[%swap3A_42], %broadcast_in_dim3A_8 {strides = array<i32>} : memref<10000xf32, #tpu.memory_space<vmem>>, vector<16xf32>,
    }
    %scan3A_13 = arith.constant 625 : i32
    %parallel_loop3A = arith.constant 0 : i32
    %parallel_loop3A_14 = arith.constant 78 : i32
    %parallel_loop3A_15 = arith.constant 1 : i32
    scf.for %parallel_loop3A_36 = %parallel_loop3A to %parallel_loop3A_14 step %parallel_loop3A_15  : i32 {
      %parallel_loop3A_37 = arith.constant 0 : i32
      %parallel_loop3A_38 = arith.index_cast %parallel_loop3A_36 : i32 to index
      %parallel_loop3A_39 = arith.index_cast %parallel_loop3A_37 : i32 to index
      %parallel_loop3A_40 = arith.constant 0 : index
      %parallel_loop3A_41 = tpu.vector_load %arg6[%parallel_loop3A_38, %parallel_loop3A_39, %parallel_loop3A_40] {strides = array<i32>} : memref<78x2x128xi32, #tpu.memory_space<vmem>>, vector<16xi32>,
      %parallel_loop3A_42 = arith.constant 1 : i32
      %parallel_loop3A_43 = arith.index_cast %parallel_loop3A_36 : i32 to index
      %parallel_loop3A_44 = arith.index_cast %parallel_loop3A_42 : i32 to index
      %parallel_loop3A_45 = arith.constant 0 : index
      %parallel_loop3A_46 = tpu.vector_load %arg6[%parallel_loop3A_43, %parallel_loop3A_44, %parallel_loop3A_45] {strides = array<i32>} : memref<78x2x128xi32, #tpu.memory_space<vmem>>, vector<16xi32>,
      %parallel_loop3A_47 = tpu.vector_load_idx %arg8[%parallel_loop3A_41] : memref<10000xf32, #tpu.memory_space<vmem>>[vector<16xi32>], vector<16xf32>,
      %parallel_loop3A_48 = tpu.vector_load_idx %arg9[%parallel_loop3A_46] : memref<10000xf32, #tpu.memory_space<vmem>>[vector<16xi32>], vector<16xf32>,
      %parallel_loop3A_49 = arith.addf %parallel_loop3A_47, %parallel_loop3A_48 : vector<16xf32>
      %parallel_loop3A_50 = math.exp %parallel_loop3A_49 : vector<16xf32>
      %parallel_loop3A_51 = arith.constant 1.000000e+00 : f32
      %parallel_loop3A_52 = vector.broadcast %parallel_loop3A_51 : f32 to vector<16xf32>
      %parallel_loop3A_53 = arith.addf %parallel_loop3A_52, %parallel_loop3A_50 : vector<16xf32>
      %parallel_loop3A_54 = arith.constant 1.000000e+00 : f32
      %parallel_loop3A_55 = vector.broadcast %parallel_loop3A_54 : f32 to vector<16xf32>
      %parallel_loop3A_56 = arith.divf %parallel_loop3A_55, %parallel_loop3A_53 : vector<16xf32>
      %parallel_loop3A_57 = arith.mulf %parallel_loop3A_50, %parallel_loop3A_56 : vector<16xf32>
      %parallel_loop3A_58 = arith.constant 0 : i32
      %parallel_loop3A_59 = arith.index_cast %parallel_loop3A_36 : i32 to index
      %parallel_loop3A_60 = arith.index_cast %parallel_loop3A_58 : i32 to index
      %parallel_loop3A_61 = arith.constant 0 : index
      %parallel_loop3A_62 = tpu.vector_load %arg12[%parallel_loop3A_59, %parallel_loop3A_60, %parallel_loop3A_61] {strides = array<i32>} : memref<78x2x128xf32, #tpu.memory_space<vmem>>, vector<16xf32>,
      tpu.vector_store %arg12[%parallel_loop3A_59, %parallel_loop3A_60, %parallel_loop3A_61], %parallel_loop3A_56 {strides = array<i32>} : memref<78x2x128xf32, #tpu.memory_space<vmem>>, vector<16xf32>,
      %parallel_loop3A_63 = arith.constant 1 : i32
      %parallel_loop3A_64 = arith.index_cast %parallel_loop3A_36 : i32 to index
      %parallel_loop3A_65 = arith.index_cast %parallel_loop3A_63 : i32 to index
      %parallel_loop3A_66 = arith.constant 0 : index
      %parallel_loop3A_67 = tpu.vector_load %arg12[%parallel_loop3A_64, %parallel_loop3A_65, %parallel_loop3A_66] {strides = array<i32>} : memref<78x2x128xf32, #tpu.memory_space<vmem>>, vector<16xf32>,
      tpu.vector_store %arg12[%parallel_loop3A_64, %parallel_loop3A_65, %parallel_loop3A_66], %parallel_loop3A_57 {strides = array<i32>} : memref<78x2x128xf32, #tpu.memory_space<vmem>>, vector<16xf32>,
      %parallel_loop3A_68 = arith.constant 0 : i32
      %parallel_loop3A_69 = arith.index_cast %parallel_loop3A_36 : i32 to index
      %parallel_loop3A_70 = arith.index_cast %parallel_loop3A_68 : i32 to index
      %parallel_loop3A_71 = arith.constant 16 : index
      %parallel_loop3A_72 = tpu.vector_load %arg6[%parallel_loop3A_69, %parallel_loop3A_70, %parallel_loop3A_71] {strides = array<i32>} : memref<78x2x128xi32, #tpu.memory_space<vmem>>, vector<16xi32>,
      %parallel_loop3A_73 = arith.constant 1 : i32
      %parallel_loop3A_74 = arith.index_cast %parallel_loop3A_36 : i32 to index
      %parallel_loop3A_75 = arith.index_cast %parallel_loop3A_73 : i32 to index
      %parallel_loop3A_76 = arith.constant 16 : index
      %parallel_loop3A_77 = tpu.vector_load %arg6[%parallel_loop3A_74, %parallel_loop3A_75, %parallel_loop3A_76] {strides = array<i32>} : memref<78x2x128xi32, #tpu.memory_space<vmem>>, vector<16xi32>,
      %parallel_loop3A_78 = tpu.vector_load_idx %arg8[%parallel_loop3A_72] : memref<10000xf32, #tpu.memory_space<vmem>>[vector<16xi32>], vector<16xf32>,
      %parallel_loop3A_79 = tpu.vector_load_idx %arg9[%parallel_loop3A_77] : memref<10000xf32, #tpu.memory_space<vmem>>[vector<16xi32>], vector<16xf32>,
      %parallel_loop3A_80 = arith.addf %parallel_loop3A_78, %parallel_loop3A_79 : vector<16xf32>
      %parallel_loop3A_81 = math.exp %parallel_loop3A_80 : vector<16xf32>
      %parallel_loop3A_82 = arith.constant 1.000000e+00 : f32
      %parallel_loop3A_83 = vector.broadcast %parallel_loop3A_82 : f32 to vector<16xf32>
      %parallel_loop3A_84 = arith.addf %parallel_loop3A_83, %parallel_loop3A_81 : vector<16xf32>
      %parallel_loop3A_85 = arith.constant 1.000000e+00 : f32
      %parallel_loop3A_86 = vector.broadcast %parallel_loop3A_85 : f32 to vector<16xf32>
      %parallel_loop3A_87 = arith.divf %parallel_loop3A_86, %parallel_loop3A_84 : vector<16xf32>
      %parallel_loop3A_88 = arith.mulf %parallel_loop3A_81, %parallel_loop3A_87 : vector<16xf32>
      %parallel_loop3A_89 = arith.constant 0 : i32
      %parallel_loop3A_90 = arith.index_cast %parallel_loop3A_36 : i32 to index
      %parallel_loop3A_91 = arith.index_cast %parallel_loop3A_89 : i32 to index
      %parallel_loop3A_92 = arith.constant 16 : index
      %parallel_loop3A_93 = tpu.vector_load %arg12[%parallel_loop3A_90, %parallel_loop3A_91, %parallel_loop3A_92] {strides = array<i32>} : memref<78x2x128xf32, #tpu.memory_space<vmem>>, vector<16xf32>,
      tpu.vector_store %arg12[%parallel_loop3A_90, %parallel_loop3A_91, %parallel_loop3A_92], %parallel_loop3A_87 {strides = array<i32>} : memref<78x2x128xf32, #tpu.memory_space<vmem>>, vector<16xf32>,
      %parallel_loop3A_94 = arith.constant 1 : i32
      %parallel_loop3A_95 = arith.index_cast %parallel_loop3A_36 : i32 to index
      %parallel_loop3A_96 = arith.index_cast %parallel_loop3A_94 : i32 to index
      %parallel_loop3A_97 = arith.constant 16 : index
      %parallel_loop3A_98 = tpu.vector_load %arg12[%parallel_loop3A_95, %parallel_loop3A_96, %parallel_loop3A_97] {strides = array<i32>} : memref<78x2x128xf32, #tpu.memory_space<vmem>>, vector<16xf32>,
      tpu.vector_store %arg12[%parallel_loop3A_95, %parallel_loop3A_96, %parallel_loop3A_97], %parallel_loop3A_88 {strides = array<i32>} : memref<78x2x128xf32, #tpu.memory_space<vmem>>, vector<16xf32>,
      %parallel_loop3A_99 = arith.constant 0 : i32
      %parallel_loop3A_100 = arith.index_cast %parallel_loop3A_36 : i32 to index
      %parallel_loop3A_101 = arith.index_cast %parallel_loop3A_99 : i32 to index
      %parallel_loop3A_102 = arith.constant 32 : index
      %parallel_loop3A_103 = tpu.vector_load %arg6[%parallel_loop3A_100, %parallel_loop3A_101, %parallel_loop3A_102] {strides = array<i32>} : memref<78x2x128xi32, #tpu.memory_space<vmem>>, vector<16xi32>,
      %parallel_loop3A_104 = arith.constant 1 : i32
      %parallel_loop3A_105 = arith.index_cast %parallel_loop3A_36 : i32 to index
      %parallel_loop3A_106 = arith.index_cast %parallel_loop3A_104 : i32 to index
      %parallel_loop3A_107 = arith.constant 32 : index
      %parallel_loop3A_108 = tpu.vector_load %arg6[%parallel_loop3A_105, %parallel_loop3A_106, %parallel_loop3A_107] {strides = array<i32>} : memref<78x2x128xi32, #tpu.memory_space<vmem>>, vector<16xi32>,
      %parallel_loop3A_109 = tpu.vector_load_idx %arg8[%parallel_loop3A_103] : memref<10000xf32, #tpu.memory_space<vmem>>[vector<16xi32>], vector<16xf32>,
      %parallel_loop3A_110 = tpu.vector_load_idx %arg9[%parallel_loop3A_108] : memref<10000xf32, #tpu.memory_space<vmem>>[vector<16xi32>], vector<16xf32>,
      %parallel_loop3A_111 = arith.addf %parallel_loop3A_109, %parallel_loop3A_110 : vector<16xf32>
      %parallel_loop3A_112 = math.exp %parallel_loop3A_111 : vector<16xf32>
      %parallel_loop3A_113 = arith.constant 1.000000e+00 : f32
      %parallel_loop3A_114 = vector.broadcast %parallel_loop3A_113 : f32 to vector<16xf32>
      %parallel_loop3A_115 = arith.addf %parallel_loop3A_114, %parallel_loop3A_112 : vector<16xf32>
      %parallel_loop3A_116 = arith.constant 1.000000e+00 : f32
      %parallel_loop3A_117 = vector.broadcast %parallel_loop3A_116 : f32 to vector<16xf32>
      %parallel_loop3A_118 = arith.divf %parallel_loop3A_117, %parallel_loop3A_115 : vector<16xf32>
      %parallel_loop3A_119 = arith.mulf %parallel_loop3A_112, %parallel_loop3A_118 : vector<16xf32>
      %parallel_loop3A_120 = arith.constant 0 : i32
      %parallel_loop3A_121 = arith.index_cast %parallel_loop3A_36 : i32 to index
      %parallel_loop3A_122 = arith.index_cast %parallel_loop3A_120 : i32 to index
      %parallel_loop3A_123 = arith.constant 32 : index
      %parallel_loop3A_124 = tpu.vector_load %arg12[%parallel_loop3A_121, %parallel_loop3A_122, %parallel_loop3A_123] {strides = array<i32>} : memref<78x2x128xf32, #tpu.memory_space<vmem>>, vector<16xf32>,
      tpu.vector_store %arg12[%parallel_loop3A_121, %parallel_loop3A_122, %parallel_loop3A_123], %parallel_loop3A_118 {strides = array<i32>} : memref<78x2x128xf32, #tpu.memory_space<vmem>>, vector<16xf32>,
      %parallel_loop3A_125 = arith.constant 1 : i32
      %parallel_loop3A_126 = arith.index_cast %parallel_loop3A_36 : i32 to index
      %parallel_loop3A_127 = arith.index_cast %parallel_loop3A_125 : i32 to index
      %parallel_loop3A_128 = arith.constant 32 : index
      %parallel_loop3A_129 = tpu.vector_load %arg12[%parallel_loop3A_126, %parallel_loop3A_127, %parallel_loop3A_128] {strides = array<i32>} : memref<78x2x128xf32, #tpu.memory_space<vmem>>, vector<16xf32>,
      tpu.vector_store %arg12[%parallel_loop3A_126, %parallel_loop3A_127, %parallel_loop3A_128], %parallel_loop3A_119 {strides = array<i32>} : memref<78x2x128xf32, #tpu.memory_space<vmem>>, vector<16xf32>,
      %parallel_loop3A_130 = arith.constant 0 : i32
      %parallel_loop3A_131 = arith.index_cast %parallel_loop3A_36 : i32 to index
      %parallel_loop3A_132 = arith.index_cast %parallel_loop3A_130 : i32 to index
      %parallel_loop3A_133 = arith.constant 48 : index
      %parallel_loop3A_134 = tpu.vector_load %arg6[%parallel_loop3A_131, %parallel_loop3A_132, %parallel_loop3A_133] {strides = array<i32>} : memref<78x2x128xi32, #tpu.memory_space<vmem>>, vector<16xi32>,
      %parallel_loop3A_135 = arith.constant 1 : i32
      %parallel_loop3A_136 = arith.index_cast %parallel_loop3A_36 : i32 to index
      %parallel_loop3A_137 = arith.index_cast %parallel_loop3A_135 : i32 to index
      %parallel_loop3A_138 = arith.constant 48 : index
      %parallel_loop3A_139 = tpu.vector_load %arg6[%parallel_loop3A_136, %parallel_loop3A_137, %parallel_loop3A_138] {strides = array<i32>} : memref<78x2x128xi32, #tpu.memory_space<vmem>>, vector<16xi32>,
      %parallel_loop3A_140 = tpu.vector_load_idx %arg8[%parallel_loop3A_134] : memref<10000xf32, #tpu.memory_space<vmem>>[vector<16xi32>], vector<16xf32>,
      %parallel_loop3A_141 = tpu.vector_load_idx %arg9[%parallel_loop3A_139] : memref<10000xf32, #tpu.memory_space<vmem>>[vector<16xi32>], vector<16xf32>,
      %parallel_loop3A_142 = arith.addf %parallel_loop3A_140, %parallel_loop3A_141 : vector<16xf32>
      %parallel_loop3A_143 = math.exp %parallel_loop3A_142 : vector<16xf32>
      %parallel_loop3A_144 = arith.constant 1.000000e+00 : f32
      %parallel_loop3A_145 = vector.broadcast %parallel_loop3A_144 : f32 to vector<16xf32>
      %parallel_loop3A_146 = arith.addf %parallel_loop3A_145, %parallel_loop3A_143 : vector<16xf32>
      %parallel_loop3A_147 = arith.constant 1.000000e+00 : f32
      %parallel_loop3A_148 = vector.broadcast %parallel_loop3A_147 : f32 to vector<16xf32>
      %parallel_loop3A_149 = arith.divf %parallel_loop3A_148, %parallel_loop3A_146 : vector<16xf32>
      %parallel_loop3A_150 = arith.mulf %parallel_loop3A_143, %parallel_loop3A_149 : vector<16xf32>
      %parallel_loop3A_151 = arith.constant 0 : i32
      %parallel_loop3A_152 = arith.index_cast %parallel_loop3A_36 : i32 to index
      %parallel_loop3A_153 = arith.index_cast %parallel_loop3A_151 : i32 to index
      %parallel_loop3A_154 = arith.constant 48 : index
      %parallel_loop3A_155 = tpu.vector_load %arg12[%parallel_loop3A_152, %parallel_loop3A_153, %parallel_loop3A_154] {strides = array<i32>} : memref<78x2x128xf32, #tpu.memory_space<vmem>>, vector<16xf32>,
      tpu.vector_store %arg12[%parallel_loop3A_152, %parallel_loop3A_153, %parallel_loop3A_154], %parallel_loop3A_149 {strides = array<i32>} : memref<78x2x128xf32, #tpu.memory_space<vmem>>, vector<16xf32>,
      %parallel_loop3A_156 = arith.constant 1 : i32
      %parallel_loop3A_157 = arith.index_cast %parallel_loop3A_36 : i32 to index
      %parallel_loop3A_158 = arith.index_cast %parallel_loop3A_156 : i32 to index
      %parallel_loop3A_159 = arith.constant 48 : index
      %parallel_loop3A_160 = tpu.vector_load %arg12[%parallel_loop3A_157, %parallel_loop3A_158, %parallel_loop3A_159] {strides = array<i32>} : memref<78x2x128xf32, #tpu.memory_space<vmem>>, vector<16xf32>,
      tpu.vector_store %arg12[%parallel_loop3A_157, %parallel_loop3A_158, %parallel_loop3A_159], %parallel_loop3A_150 {strides = array<i32>} : memref<78x2x128xf32, #tpu.memory_space<vmem>>, vector<16xf32>,
      %parallel_loop3A_161 = arith.constant 0 : i32
      %parallel_loop3A_162 = arith.index_cast %parallel_loop3A_36 : i32 to index
      %parallel_loop3A_163 = arith.index_cast %parallel_loop3A_161 : i32 to index
      %parallel_loop3A_164 = arith.constant 64 : index
      %parallel_loop3A_165 = tpu.vector_load %arg6[%parallel_loop3A_162, %parallel_loop3A_163, %parallel_loop3A_164] {strides = array<i32>} : memref<78x2x128xi32, #tpu.memory_space<vmem>>, vector<16xi32>,
      %parallel_loop3A_166 = arith.constant 1 : i32
      %parallel_loop3A_167 = arith.index_cast %parallel_loop3A_36 : i32 to index
      %parallel_loop3A_168 = arith.index_cast %parallel_loop3A_166 : i32 to index
      %parallel_loop3A_169 = arith.constant 64 : index
      %parallel_loop3A_170 = tpu.vector_load %arg6[%parallel_loop3A_167, %parallel_loop3A_168, %parallel_loop3A_169] {strides = array<i32>} : memref<78x2x128xi32, #tpu.memory_space<vmem>>, vector<16xi32>,
      %parallel_loop3A_171 = tpu.vector_load_idx %arg8[%parallel_loop3A_165] : memref<10000xf32, #tpu.memory_space<vmem>>[vector<16xi32>], vector<16xf32>,
      %parallel_loop3A_172 = tpu.vector_load_idx %arg9[%parallel_loop3A_170] : memref<10000xf32, #tpu.memory_space<vmem>>[vector<16xi32>], vector<16xf32>,
      %parallel_loop3A_173 = arith.addf %parallel_loop3A_171, %parallel_loop3A_172 : vector<16xf32>
      %parallel_loop3A_174 = math.exp %parallel_loop3A_173 : vector<16xf32>
      %parallel_loop3A_175 = arith.constant 1.000000e+00 : f32
      %parallel_loop3A_176 = vector.broadcast %parallel_loop3A_175 : f32 to vector<16xf32>
      %parallel_loop3A_177 = arith.addf %parallel_loop3A_176, %parallel_loop3A_174 : vector<16xf32>
      %parallel_loop3A_178 = arith.constant 1.000000e+00 : f32
      %parallel_loop3A_179 = vector.broadcast %parallel_loop3A_178 : f32 to vector<16xf32>
      %parallel_loop3A_180 = arith.divf %parallel_loop3A_179, %parallel_loop3A_177 : vector<16xf32>
      %parallel_loop3A_181 = arith.mulf %parallel_loop3A_174, %parallel_loop3A_180 : vector<16xf32>
      %parallel_loop3A_182 = arith.constant 0 : i32
      %parallel_loop3A_183 = arith.index_cast %parallel_loop3A_36 : i32 to index
      %parallel_loop3A_184 = arith.index_cast %parallel_loop3A_182 : i32 to index
      %parallel_loop3A_185 = arith.constant 64 : index
      %parallel_loop3A_186 = tpu.vector_load %arg12[%parallel_loop3A_183, %parallel_loop3A_184, %parallel_loop3A_185] {strides = array<i32>} : memref<78x2x128xf32, #tpu.memory_space<vmem>>, vector<16xf32>,
      tpu.vector_store %arg12[%parallel_loop3A_183, %parallel_loop3A_184, %parallel_loop3A_185], %parallel_loop3A_180 {strides = array<i32>} : memref<78x2x128xf32, #tpu.memory_space<vmem>>, vector<16xf32>,
      %parallel_loop3A_187 = arith.constant 1 : i32
      %parallel_loop3A_188 = arith.index_cast %parallel_loop3A_36 : i32 to index
      %parallel_loop3A_189 = arith.index_cast %parallel_loop3A_187 : i32 to index
      %parallel_loop3A_190 = arith.constant 64 : index
      %parallel_loop3A_191 = tpu.vector_load %arg12[%parallel_loop3A_188, %parallel_loop3A_189, %parallel_loop3A_190] {strides = array<i32>} : memref<78x2x128xf32, #tpu.memory_space<vmem>>, vector<16xf32>,
      tpu.vector_store %arg12[%parallel_loop3A_188, %parallel_loop3A_189, %parallel_loop3A_190], %parallel_loop3A_181 {strides = array<i32>} : memref<78x2x128xf32, #tpu.memory_space<vmem>>, vector<16xf32>,
      %parallel_loop3A_192 = arith.constant 0 : i32
      %parallel_loop3A_193 = arith.index_cast %parallel_loop3A_36 : i32 to index
      %parallel_loop3A_194 = arith.index_cast %parallel_loop3A_192 : i32 to index
      %parallel_loop3A_195 = arith.constant 80 : index
      %parallel_loop3A_196 = tpu.vector_load %arg6[%parallel_loop3A_193, %parallel_loop3A_194, %parallel_loop3A_195] {strides = array<i32>} : memref<78x2x128xi32, #tpu.memory_space<vmem>>, vector<16xi32>,
      %parallel_loop3A_197 = arith.constant 1 : i32
      %parallel_loop3A_198 = arith.index_cast %parallel_loop3A_36 : i32 to index
      %parallel_loop3A_199 = arith.index_cast %parallel_loop3A_197 : i32 to index
      %parallel_loop3A_200 = arith.constant 80 : index
      %parallel_loop3A_201 = tpu.vector_load %arg6[%parallel_loop3A_198, %parallel_loop3A_199, %parallel_loop3A_200] {strides = array<i32>} : memref<78x2x128xi32, #tpu.memory_space<vmem>>, vector<16xi32>,
      %parallel_loop3A_202 = tpu.vector_load_idx %arg8[%parallel_loop3A_196] : memref<10000xf32, #tpu.memory_space<vmem>>[vector<16xi32>], vector<16xf32>,
      %parallel_loop3A_203 = tpu.vector_load_idx %arg9[%parallel_loop3A_201] : memref<10000xf32, #tpu.memory_space<vmem>>[vector<16xi32>], vector<16xf32>,
      %parallel_loop3A_204 = arith.addf %parallel_loop3A_202, %parallel_loop3A_203 : vector<16xf32>
      %parallel_loop3A_205 = math.exp %parallel_loop3A_204 : vector<16xf32>
      %parallel_loop3A_206 = arith.constant 1.000000e+00 : f32
      %parallel_loop3A_207 = vector.broadcast %parallel_loop3A_206 : f32 to vector<16xf32>
      %parallel_loop3A_208 = arith.addf %parallel_loop3A_207, %parallel_loop3A_205 : vector<16xf32>
      %parallel_loop3A_209 = arith.constant 1.000000e+00 : f32
      %parallel_loop3A_210 = vector.broadcast %parallel_loop3A_209 : f32 to vector<16xf32>
      %parallel_loop3A_211 = arith.divf %parallel_loop3A_210, %parallel_loop3A_208 : vector<16xf32>
      %parallel_loop3A_212 = arith.mulf %parallel_loop3A_205, %parallel_loop3A_211 : vector<16xf32>
      %parallel_loop3A_213 = arith.constant 0 : i32
      %parallel_loop3A_214 = arith.index_cast %parallel_loop3A_36 : i32 to index
      %parallel_loop3A_215 = arith.index_cast %parallel_loop3A_213 : i32 to index
      %parallel_loop3A_216 = arith.constant 80 : index
      %parallel_loop3A_217 = tpu.vector_load %arg12[%parallel_loop3A_214, %parallel_loop3A_215, %parallel_loop3A_216] {strides = array<i32>} : memref<78x2x128xf32, #tpu.memory_space<vmem>>, vector<16xf32>,
      tpu.vector_store %arg12[%parallel_loop3A_214, %parallel_loop3A_215, %parallel_loop3A_216], %parallel_loop3A_211 {strides = array<i32>} : memref<78x2x128xf32, #tpu.memory_space<vmem>>, vector<16xf32>,
      %parallel_loop3A_218 = arith.constant 1 : i32
      %parallel_loop3A_219 = arith.index_cast %parallel_loop3A_36 : i32 to index
      %parallel_loop3A_220 = arith.index_cast %parallel_loop3A_218 : i32 to index
      %parallel_loop3A_221 = arith.constant 80 : index
      %parallel_loop3A_222 = tpu.vector_load %arg12[%parallel_loop3A_219, %parallel_loop3A_220, %parallel_loop3A_221] {strides = array<i32>} : memref<78x2x128xf32, #tpu.memory_space<vmem>>, vector<16xf32>,
      tpu.vector_store %arg12[%parallel_loop3A_219, %parallel_loop3A_220, %parallel_loop3A_221], %parallel_loop3A_212 {strides = array<i32>} : memref<78x2x128xf32, #tpu.memory_space<vmem>>, vector<16xf32>,
      %parallel_loop3A_223 = arith.constant 0 : i32
      %parallel_loop3A_224 = arith.index_cast %parallel_loop3A_36 : i32 to index
      %parallel_loop3A_225 = arith.index_cast %parallel_loop3A_223 : i32 to index
      %parallel_loop3A_226 = arith.constant 96 : index
      %parallel_loop3A_227 = tpu.vector_load %arg6[%parallel_loop3A_224, %parallel_loop3A_225, %parallel_loop3A_226] {strides = array<i32>} : memref<78x2x128xi32, #tpu.memory_space<vmem>>, vector<16xi32>,
      %parallel_loop3A_228 = arith.constant 1 : i32
      %parallel_loop3A_229 = arith.index_cast %parallel_loop3A_36 : i32 to index
      %parallel_loop3A_230 = arith.index_cast %parallel_loop3A_228 : i32 to index
      %parallel_loop3A_231 = arith.constant 96 : index
      %parallel_loop3A_232 = tpu.vector_load %arg6[%parallel_loop3A_229, %parallel_loop3A_230, %parallel_loop3A_231] {strides = array<i32>} : memref<78x2x128xi32, #tpu.memory_space<vmem>>, vector<16xi32>,
      %parallel_loop3A_233 = tpu.vector_load_idx %arg8[%parallel_loop3A_227] : memref<10000xf32, #tpu.memory_space<vmem>>[vector<16xi32>], vector<16xf32>,
      %parallel_loop3A_234 = tpu.vector_load_idx %arg9[%parallel_loop3A_232] : memref<10000xf32, #tpu.memory_space<vmem>>[vector<16xi32>], vector<16xf32>,
      %parallel_loop3A_235 = arith.addf %parallel_loop3A_233, %parallel_loop3A_234 : vector<16xf32>
      %parallel_loop3A_236 = math.exp %parallel_loop3A_235 : vector<16xf32>
      %parallel_loop3A_237 = arith.constant 1.000000e+00 : f32
      %parallel_loop3A_238 = vector.broadcast %parallel_loop3A_237 : f32 to vector<16xf32>
      %parallel_loop3A_239 = arith.addf %parallel_loop3A_238, %parallel_loop3A_236 : vector<16xf32>
      %parallel_loop3A_240 = arith.constant 1.000000e+00 : f32
      %parallel_loop3A_241 = vector.broadcast %parallel_loop3A_240 : f32 to vector<16xf32>
      %parallel_loop3A_242 = arith.divf %parallel_loop3A_241, %parallel_loop3A_239 : vector<16xf32>
      %parallel_loop3A_243 = arith.mulf %parallel_loop3A_236, %parallel_loop3A_242 : vector<16xf32>
      %parallel_loop3A_244 = arith.constant 0 : i32
      %parallel_loop3A_245 = arith.index_cast %parallel_loop3A_36 : i32 to index
      %parallel_loop3A_246 = arith.index_cast %parallel_loop3A_244 : i32 to index
      %parallel_loop3A_247 = arith.constant 96 : index
      %parallel_loop3A_248 = tpu.vector_load %arg12[%parallel_loop3A_245, %parallel_loop3A_246, %parallel_loop3A_247] {strides = array<i32>} : memref<78x2x128xf32, #tpu.memory_space<vmem>>, vector<16xf32>,
      tpu.vector_store %arg12[%parallel_loop3A_245, %parallel_loop3A_246, %parallel_loop3A_247], %parallel_loop3A_242 {strides = array<i32>} : memref<78x2x128xf32, #tpu.memory_space<vmem>>, vector<16xf32>,
      %parallel_loop3A_249 = arith.constant 1 : i32
      %parallel_loop3A_250 = arith.index_cast %parallel_loop3A_36 : i32 to index
      %parallel_loop3A_251 = arith.index_cast %parallel_loop3A_249 : i32 to index
      %parallel_loop3A_252 = arith.constant 96 : index
      %parallel_loop3A_253 = tpu.vector_load %arg12[%parallel_loop3A_250, %parallel_loop3A_251, %parallel_loop3A_252] {strides = array<i32>} : memref<78x2x128xf32, #tpu.memory_space<vmem>>, vector<16xf32>,
      tpu.vector_store %arg12[%parallel_loop3A_250, %parallel_loop3A_251, %parallel_loop3A_252], %parallel_loop3A_243 {strides = array<i32>} : memref<78x2x128xf32, #tpu.memory_space<vmem>>, vector<16xf32>,
      %parallel_loop3A_254 = arith.constant 0 : i32
      %parallel_loop3A_255 = arith.index_cast %parallel_loop3A_36 : i32 to index
      %parallel_loop3A_256 = arith.index_cast %parallel_loop3A_254 : i32 to index
      %parallel_loop3A_257 = arith.constant 112 : index
      %parallel_loop3A_258 = tpu.vector_load %arg6[%parallel_loop3A_255, %parallel_loop3A_256, %parallel_loop3A_257] {strides = array<i32>} : memref<78x2x128xi32, #tpu.memory_space<vmem>>, vector<16xi32>,
      %parallel_loop3A_259 = arith.constant 1 : i32
      %parallel_loop3A_260 = arith.index_cast %parallel_loop3A_36 : i32 to index
      %parallel_loop3A_261 = arith.index_cast %parallel_loop3A_259 : i32 to index
      %parallel_loop3A_262 = arith.constant 112 : index
      %parallel_loop3A_263 = tpu.vector_load %arg6[%parallel_loop3A_260, %parallel_loop3A_261, %parallel_loop3A_262] {strides = array<i32>} : memref<78x2x128xi32, #tpu.memory_space<vmem>>, vector<16xi32>,
      %parallel_loop3A_264 = tpu.vector_load_idx %arg8[%parallel_loop3A_258] : memref<10000xf32, #tpu.memory_space<vmem>>[vector<16xi32>], vector<16xf32>,
      %parallel_loop3A_265 = tpu.vector_load_idx %arg9[%parallel_loop3A_263] : memref<10000xf32, #tpu.memory_space<vmem>>[vector<16xi32>], vector<16xf32>,
      %parallel_loop3A_266 = arith.addf %parallel_loop3A_264, %parallel_loop3A_265 : vector<16xf32>
      %parallel_loop3A_267 = math.exp %parallel_loop3A_266 : vector<16xf32>
      %parallel_loop3A_268 = arith.constant 1.000000e+00 : f32
      %parallel_loop3A_269 = vector.broadcast %parallel_loop3A_268 : f32 to vector<16xf32>
      %parallel_loop3A_270 = arith.addf %parallel_loop3A_269, %parallel_loop3A_267 : vector<16xf32>
      %parallel_loop3A_271 = arith.constant 1.000000e+00 : f32
      %parallel_loop3A_272 = vector.broadcast %parallel_loop3A_271 : f32 to vector<16xf32>
      %parallel_loop3A_273 = arith.divf %parallel_loop3A_272, %parallel_loop3A_270 : vector<16xf32>
      %parallel_loop3A_274 = arith.mulf %parallel_loop3A_267, %parallel_loop3A_273 : vector<16xf32>
      %parallel_loop3A_275 = arith.constant 0 : i32
      %parallel_loop3A_276 = arith.index_cast %parallel_loop3A_36 : i32 to index
      %parallel_loop3A_277 = arith.index_cast %parallel_loop3A_275 : i32 to index
      %parallel_loop3A_278 = arith.constant 112 : index
      %parallel_loop3A_279 = tpu.vector_load %arg12[%parallel_loop3A_276, %parallel_loop3A_277, %parallel_loop3A_278] {strides = array<i32>} : memref<78x2x128xf32, #tpu.memory_space<vmem>>, vector<16xf32>,
      tpu.vector_store %arg12[%parallel_loop3A_276, %parallel_loop3A_277, %parallel_loop3A_278], %parallel_loop3A_273 {strides = array<i32>} : memref<78x2x128xf32, #tpu.memory_space<vmem>>, vector<16xf32>,
      %parallel_loop3A_280 = arith.constant 1 : i32
      %parallel_loop3A_281 = arith.index_cast %parallel_loop3A_36 : i32 to index
      %parallel_loop3A_282 = arith.index_cast %parallel_loop3A_280 : i32 to index
      %parallel_loop3A_283 = arith.constant 112 : index
      %parallel_loop3A_284 = tpu.vector_load %arg12[%parallel_loop3A_281, %parallel_loop3A_282, %parallel_loop3A_283] {strides = array<i32>} : memref<78x2x128xf32, #tpu.memory_space<vmem>>, vector<16xf32>,
      tpu.vector_store %arg12[%parallel_loop3A_281, %parallel_loop3A_282, %parallel_loop3A_283], %parallel_loop3A_274 {strides = array<i32>} : memref<78x2x128xf32, #tpu.memory_space<vmem>>, vector<16xf32>,
    } {sc.loop_unroll_factor = 1 : i64, sc.parallel_access}
    %scan3A_16 = arith.constant 0 : i32
    %scan3A_17 = arith.constant 0 : i32
    %scan3A_18 = arith.constant 78 : i32
    %scan3A_19 = arith.addi %scan3A_17, %scan3A_18 : i32
    %scan3A_20 = arith.constant 1 : i32
    scf.for %scan3A_36 = %scan3A_17 to %scan3A_19 step %scan3A_20  : i32 {
      %get3A = arith.constant 0 : i32
      %get3A_37 = arith.index_cast %scan3A_36 : i32 to index
      %get3A_38 = arith.index_cast %get3A : i32 to index
      %get3A_39 = arith.constant 0 : index
      %get3A_40 = tpu.vector_load %arg6[%get3A_37, %get3A_38, %get3A_39] {strides = array<i32>} : memref<78x2x128xi32, #tpu.memory_space<vmem>>, vector<16xi32>,
      %get3A_41 = arith.constant 1 : i32
      %get3A_42 = arith.index_cast %scan3A_36 : i32 to index
      %get3A_43 = arith.index_cast %get3A_41 : i32 to index
      %get3A_44 = arith.constant 0 : index
      %get3A_45 = tpu.vector_load %arg6[%get3A_42, %get3A_43, %get3A_44] {strides = array<i32>} : memref<78x2x128xi32, #tpu.memory_space<vmem>>, vector<16xi32>,
      %gather3A = tpu.vector_load_idx %arg10[%get3A_40] : memref<10000xf32, #tpu.memory_space<vmem>>[vector<16xi32>], vector<16xf32>,
      %gather3A_46 = tpu.vector_load_idx %arg11[%get3A_40] : memref<10000xf32, #tpu.memory_space<vmem>>[vector<16xi32>], vector<16xf32>,
      tpu.vector_store_idx %arg14[%get3A_45], %gather3A {add = true} : memref<10000xf32, #tpu.memory_space<vmem>>[vector<16xi32>], vector<16xf32>,
      tpu.vector_store_idx %arg15[%get3A_45], %gather3A_46 {add = true} : memref<10000xf32, #tpu.memory_space<vmem>>[vector<16xi32>], vector<16xf32>,
      %get3A_47 = arith.constant 0 : i32
      %get3A_48 = arith.index_cast %scan3A_36 : i32 to index
      %get3A_49 = arith.index_cast %get3A_47 : i32 to index
      %get3A_50 = arith.constant 16 : index
      %get3A_51 = tpu.vector_load %arg6[%get3A_48, %get3A_49, %get3A_50] {strides = array<i32>} : memref<78x2x128xi32, #tpu.memory_space<vmem>>, vector<16xi32>,
      %get3A_52 = arith.constant 1 : i32
      %get3A_53 = arith.index_cast %scan3A_36 : i32 to index
      %get3A_54 = arith.index_cast %get3A_52 : i32 to index
      %get3A_55 = arith.constant 16 : index
      %get3A_56 = tpu.vector_load %arg6[%get3A_53, %get3A_54, %get3A_55] {strides = array<i32>} : memref<78x2x128xi32, #tpu.memory_space<vmem>>, vector<16xi32>,
      %gather3A_57 = tpu.vector_load_idx %arg10[%get3A_51] : memref<10000xf32, #tpu.memory_space<vmem>>[vector<16xi32>], vector<16xf32>,
      %gather3A_58 = tpu.vector_load_idx %arg11[%get3A_51] : memref<10000xf32, #tpu.memory_space<vmem>>[vector<16xi32>], vector<16xf32>,
      tpu.vector_store_idx %arg14[%get3A_56], %gather3A_57 {add = true} : memref<10000xf32, #tpu.memory_space<vmem>>[vector<16xi32>], vector<16xf32>,
      tpu.vector_store_idx %arg15[%get3A_56], %gather3A_58 {add = true} : memref<10000xf32, #tpu.memory_space<vmem>>[vector<16xi32>], vector<16xf32>,
      %get3A_59 = arith.constant 0 : i32
      %get3A_60 = arith.index_cast %scan3A_36 : i32 to index
      %get3A_61 = arith.index_cast %get3A_59 : i32 to index
      %get3A_62 = arith.constant 32 : index
      %get3A_63 = tpu.vector_load %arg6[%get3A_60, %get3A_61, %get3A_62] {strides = array<i32>} : memref<78x2x128xi32, #tpu.memory_space<vmem>>, vector<16xi32>,
      %get3A_64 = arith.constant 1 : i32
      %get3A_65 = arith.index_cast %scan3A_36 : i32 to index
      %get3A_66 = arith.index_cast %get3A_64 : i32 to index
      %get3A_67 = arith.constant 32 : index
      %get3A_68 = tpu.vector_load %arg6[%get3A_65, %get3A_66, %get3A_67] {strides = array<i32>} : memref<78x2x128xi32, #tpu.memory_space<vmem>>, vector<16xi32>,
      %gather3A_69 = tpu.vector_load_idx %arg10[%get3A_63] : memref<10000xf32, #tpu.memory_space<vmem>>[vector<16xi32>], vector<16xf32>,
      %gather3A_70 = tpu.vector_load_idx %arg11[%get3A_63] : memref<10000xf32, #tpu.memory_space<vmem>>[vector<16xi32>], vector<16xf32>,
      tpu.vector_store_idx %arg14[%get3A_68], %gather3A_69 {add = true} : memref<10000xf32, #tpu.memory_space<vmem>>[vector<16xi32>], vector<16xf32>,
      tpu.vector_store_idx %arg15[%get3A_68], %gather3A_70 {add = true} : memref<10000xf32, #tpu.memory_space<vmem>>[vector<16xi32>], vector<16xf32>,
      %get3A_71 = arith.constant 0 : i32
      %get3A_72 = arith.index_cast %scan3A_36 : i32 to index
      %get3A_73 = arith.index_cast %get3A_71 : i32 to index
      %get3A_74 = arith.constant 48 : index
      %get3A_75 = tpu.vector_load %arg6[%get3A_72, %get3A_73, %get3A_74] {strides = array<i32>} : memref<78x2x128xi32, #tpu.memory_space<vmem>>, vector<16xi32>,
      %get3A_76 = arith.constant 1 : i32
      %get3A_77 = arith.index_cast %scan3A_36 : i32 to index
      %get3A_78 = arith.index_cast %get3A_76 : i32 to index
      %get3A_79 = arith.constant 48 : index
      %get3A_80 = tpu.vector_load %arg6[%get3A_77, %get3A_78, %get3A_79] {strides = array<i32>} : memref<78x2x128xi32, #tpu.memory_space<vmem>>, vector<16xi32>,
      %gather3A_81 = tpu.vector_load_idx %arg10[%get3A_75] : memref<10000xf32, #tpu.memory_space<vmem>>[vector<16xi32>], vector<16xf32>,
      %gather3A_82 = tpu.vector_load_idx %arg11[%get3A_75] : memref<10000xf32, #tpu.memory_space<vmem>>[vector<16xi32>], vector<16xf32>,
      tpu.vector_store_idx %arg14[%get3A_80], %gather3A_81 {add = true} : memref<10000xf32, #tpu.memory_space<vmem>>[vector<16xi32>], vector<16xf32>,
      tpu.vector_store_idx %arg15[%get3A_80], %gather3A_82 {add = true} : memref<10000xf32, #tpu.memory_space<vmem>>[vector<16xi32>], vector<16xf32>,
      %get3A_83 = arith.constant 0 : i32
      %get3A_84 = arith.index_cast %scan3A_36 : i32 to index
      %get3A_85 = arith.index_cast %get3A_83 : i32 to index
      %get3A_86 = arith.constant 64 : index
      %get3A_87 = tpu.vector_load %arg6[%get3A_84, %get3A_85, %get3A_86] {strides = array<i32>} : memref<78x2x128xi32, #tpu.memory_space<vmem>>, vector<16xi32>,
      %get3A_88 = arith.constant 1 : i32
      %get3A_89 = arith.index_cast %scan3A_36 : i32 to index
      %get3A_90 = arith.index_cast %get3A_88 : i32 to index
      %get3A_91 = arith.constant 64 : index
      %get3A_92 = tpu.vector_load %arg6[%get3A_89, %get3A_90, %get3A_91] {strides = array<i32>} : memref<78x2x128xi32, #tpu.memory_space<vmem>>, vector<16xi32>,
      %gather3A_93 = tpu.vector_load_idx %arg10[%get3A_87] : memref<10000xf32, #tpu.memory_space<vmem>>[vector<16xi32>], vector<16xf32>,
      %gather3A_94 = tpu.vector_load_idx %arg11[%get3A_87] : memref<10000xf32, #tpu.memory_space<vmem>>[vector<16xi32>], vector<16xf32>,
      tpu.vector_store_idx %arg14[%get3A_92], %gather3A_93 {add = true} : memref<10000xf32, #tpu.memory_space<vmem>>[vector<16xi32>], vector<16xf32>,
      tpu.vector_store_idx %arg15[%get3A_92], %gather3A_94 {add = true} : memref<10000xf32, #tpu.memory_space<vmem>>[vector<16xi32>], vector<16xf32>,
      %get3A_95 = arith.constant 0 : i32
      %get3A_96 = arith.index_cast %scan3A_36 : i32 to index
      %get3A_97 = arith.index_cast %get3A_95 : i32 to index
      %get3A_98 = arith.constant 80 : index
      %get3A_99 = tpu.vector_load %arg6[%get3A_96, %get3A_97, %get3A_98] {strides = array<i32>} : memref<78x2x128xi32, #tpu.memory_space<vmem>>, vector<16xi32>,
      %get3A_100 = arith.constant 1 : i32
      %get3A_101 = arith.index_cast %scan3A_36 : i32 to index
      %get3A_102 = arith.index_cast %get3A_100 : i32 to index
      %get3A_103 = arith.constant 80 : index
      %get3A_104 = tpu.vector_load %arg6[%get3A_101, %get3A_102, %get3A_103] {strides = array<i32>} : memref<78x2x128xi32, #tpu.memory_space<vmem>>, vector<16xi32>,
      %gather3A_105 = tpu.vector_load_idx %arg10[%get3A_99] : memref<10000xf32, #tpu.memory_space<vmem>>[vector<16xi32>], vector<16xf32>,
      %gather3A_106 = tpu.vector_load_idx %arg11[%get3A_99] : memref<10000xf32, #tpu.memory_space<vmem>>[vector<16xi32>], vector<16xf32>,
      tpu.vector_store_idx %arg14[%get3A_104], %gather3A_105 {add = true} : memref<10000xf32, #tpu.memory_space<vmem>>[vector<16xi32>], vector<16xf32>,
      tpu.vector_store_idx %arg15[%get3A_104], %gather3A_106 {add = true} : memref<10000xf32, #tpu.memory_space<vmem>>[vector<16xi32>], vector<16xf32>,
      %get3A_107 = arith.constant 0 : i32
      %get3A_108 = arith.index_cast %scan3A_36 : i32 to index
      %get3A_109 = arith.index_cast %get3A_107 : i32 to index
      %get3A_110 = arith.constant 96 : index
      %get3A_111 = tpu.vector_load %arg6[%get3A_108, %get3A_109, %get3A_110] {strides = array<i32>} : memref<78x2x128xi32, #tpu.memory_space<vmem>>, vector<16xi32>,
      %get3A_112 = arith.constant 1 : i32
      %get3A_113 = arith.index_cast %scan3A_36 : i32 to index
      %get3A_114 = arith.index_cast %get3A_112 : i32 to index
      %get3A_115 = arith.constant 96 : index
      %get3A_116 = tpu.vector_load %arg6[%get3A_113, %get3A_114, %get3A_115] {strides = array<i32>} : memref<78x2x128xi32, #tpu.memory_space<vmem>>, vector<16xi32>,
      %gather3A_117 = tpu.vector_load_idx %arg10[%get3A_111] : memref<10000xf32, #tpu.memory_space<vmem>>[vector<16xi32>], vector<16xf32>,
      %gather3A_118 = tpu.vector_load_idx %arg11[%get3A_111] : memref<10000xf32, #tpu.memory_space<vmem>>[vector<16xi32>], vector<16xf32>,
      tpu.vector_store_idx %arg14[%get3A_116], %gather3A_117 {add = true} : memref<10000xf32, #tpu.memory_space<vmem>>[vector<16xi32>], vector<16xf32>,
      tpu.vector_store_idx %arg15[%get3A_116], %gather3A_118 {add = true} : memref<10000xf32, #tpu.memory_space<vmem>>[vector<16xi32>], vector<16xf32>,
      %get3A_119 = arith.constant 0 : i32
      %get3A_120 = arith.index_cast %scan3A_36 : i32 to index
      %get3A_121 = arith.index_cast %get3A_119 : i32 to index
      %get3A_122 = arith.constant 112 : index
      %get3A_123 = tpu.vector_load %arg6[%get3A_120, %get3A_121, %get3A_122] {strides = array<i32>} : memref<78x2x128xi32, #tpu.memory_space<vmem>>, vector<16xi32>,
      %get3A_124 = arith.constant 1 : i32
      %get3A_125 = arith.index_cast %scan3A_36 : i32 to index
      %get3A_126 = arith.index_cast %get3A_124 : i32 to index
      %get3A_127 = arith.constant 112 : index
      %get3A_128 = tpu.vector_load %arg6[%get3A_125, %get3A_126, %get3A_127] {strides = array<i32>} : memref<78x2x128xi32, #tpu.memory_space<vmem>>, vector<16xi32>,
      %gather3A_129 = tpu.vector_load_idx %arg10[%get3A_123] : memref<10000xf32, #tpu.memory_space<vmem>>[vector<16xi32>], vector<16xf32>,
      %gather3A_130 = tpu.vector_load_idx %arg11[%get3A_123] : memref<10000xf32, #tpu.memory_space<vmem>>[vector<16xi32>], vector<16xf32>,
      tpu.vector_store_idx %arg14[%get3A_128], %gather3A_129 {add = true} : memref<10000xf32, #tpu.memory_space<vmem>>[vector<16xi32>], vector<16xf32>,
      tpu.vector_store_idx %arg15[%get3A_128], %gather3A_130 {add = true} : memref<10000xf32, #tpu.memory_space<vmem>>[vector<16xi32>], vector<16xf32>,
    }
    %scan3A_21 = arith.constant 78 : i32
    %lt3A_22 = arith.constant 4 : i32
    %lt3A_23 = arith.cmpi slt, %add3A, %lt3A_22 : i32
    %convert_element_type3A_24 = arith.extui %lt3A_23 : i1 to i32
    %cond3A_25 = arith.constant 0 : i32
    %cond3A_26 = arith.cmpi ne, %convert_element_type3A_24, %cond3A_25 : i32
    scf.if %cond3A_26 {
      %get3A = arith.constant 0 : i32
      %get3A_36 = arith.constant 0 : i32
      %get3A_37 = arith.index_cast %get3A : i32 to index
      %get3A_38 = arith.index_cast %get3A_36 : i32 to index
      %get3A_39 = arith.constant 0 : index
      %get3A_40 = tpu.vector_load %arg7[%get3A_37, %get3A_38, %get3A_39] {strides = array<i32>} : memref<1x2x128xi32, #tpu.memory_space<vmem>>, vector<16xi32>,
      %get3A_41 = arith.constant 0 : i32
      %get3A_42 = arith.constant 1 : i32
      %get3A_43 = arith.index_cast %get3A_41 : i32 to index
      %get3A_44 = arith.index_cast %get3A_42 : i32 to index
      %get3A_45 = arith.constant 0 : index
      %get3A_46 = tpu.vector_load %arg7[%get3A_43, %get3A_44, %get3A_45] {strides = array<i32>} : memref<1x2x128xi32, #tpu.memory_space<vmem>>, vector<16xi32>,
      %gather3A = tpu.vector_load_idx %arg8[%get3A_40] : memref<10000xf32, #tpu.memory_space<vmem>>[vector<16xi32>], vector<16xf32>,
      %gather3A_47 = tpu.vector_load_idx %arg9[%get3A_46] : memref<10000xf32, #tpu.memory_space<vmem>>[vector<16xi32>], vector<16xf32>,
      %add3A_48 = arith.addf %gather3A, %gather3A_47 : vector<16xf32>
      %exp3A = math.exp %add3A_48 : vector<16xf32>
      %add3A_49 = arith.constant 1.000000e+00 : f32
      %add3A_50 = vector.broadcast %add3A_49 : f32 to vector<16xf32>
      %add3A_51 = arith.addf %add3A_50, %exp3A : vector<16xf32>
      %div3A = arith.constant 1.000000e+00 : f32
      %div3A_52 = vector.broadcast %div3A : f32 to vector<16xf32>
      %div3A_53 = arith.divf %div3A_52, %add3A_51 : vector<16xf32>
      %mul3A_54 = arith.mulf %exp3A, %div3A_53 : vector<16xf32>
      %swap3A = arith.constant 0 : i32
      %swap3A_55 = arith.constant 0 : i32
      %swap3A_56 = arith.index_cast %swap3A : i32 to index
      %swap3A_57 = arith.index_cast %swap3A_55 : i32 to index
      %swap3A_58 = arith.constant 0 : index
      %swap3A_59 = tpu.vector_load %arg13[%swap3A_56, %swap3A_57, %swap3A_58] {strides = array<i32>} : memref<1x2x128xf32, #tpu.memory_space<vmem>>, vector<16xf32>,
      tpu.vector_store %arg13[%swap3A_56, %swap3A_57, %swap3A_58], %div3A_53 {strides = array<i32>} : memref<1x2x128xf32, #tpu.memory_space<vmem>>, vector<16xf32>,
      %swap3A_60 = arith.constant 0 : i32
      %swap3A_61 = arith.constant 1 : i32
      %swap3A_62 = arith.index_cast %swap3A_60 : i32 to index
      %swap3A_63 = arith.index_cast %swap3A_61 : i32 to index
      %swap3A_64 = arith.constant 0 : index
      %swap3A_65 = tpu.vector_load %arg13[%swap3A_62, %swap3A_63, %swap3A_64] {strides = array<i32>} : memref<1x2x128xf32, #tpu.memory_space<vmem>>, vector<16xf32>,
      tpu.vector_store %arg13[%swap3A_62, %swap3A_63, %swap3A_64], %mul3A_54 {strides = array<i32>} : memref<1x2x128xf32, #tpu.memory_space<vmem>>, vector<16xf32>,
      %get3A_66 = arith.constant 0 : i32
      %get3A_67 = arith.constant 0 : i32
      %get3A_68 = arith.index_cast %get3A_66 : i32 to index
      %get3A_69 = arith.index_cast %get3A_67 : i32 to index
      %get3A_70 = arith.constant 16 : index
      %get3A_71 = tpu.vector_load %arg7[%get3A_68, %get3A_69, %get3A_70] {strides = array<i32>} : memref<1x2x128xi32, #tpu.memory_space<vmem>>, vector<16xi32>,
      %get3A_72 = arith.constant 0 : i32
      %get3A_73 = arith.constant 1 : i32
      %get3A_74 = arith.index_cast %get3A_72 : i32 to index
      %get3A_75 = arith.index_cast %get3A_73 : i32 to index
      %get3A_76 = arith.constant 16 : index
      %get3A_77 = tpu.vector_load %arg7[%get3A_74, %get3A_75, %get3A_76] {strides = array<i32>} : memref<1x2x128xi32, #tpu.memory_space<vmem>>, vector<16xi32>,
      %gather3A_78 = tpu.vector_load_idx %arg8[%get3A_71] : memref<10000xf32, #tpu.memory_space<vmem>>[vector<16xi32>], vector<16xf32>,
      %gather3A_79 = tpu.vector_load_idx %arg9[%get3A_77] : memref<10000xf32, #tpu.memory_space<vmem>>[vector<16xi32>], vector<16xf32>,
      %add3A_80 = arith.addf %gather3A_78, %gather3A_79 : vector<16xf32>
      %exp3A_81 = math.exp %add3A_80 : vector<16xf32>
      %add3A_82 = arith.constant 1.000000e+00 : f32
      %add3A_83 = vector.broadcast %add3A_82 : f32 to vector<16xf32>
      %add3A_84 = arith.addf %add3A_83, %exp3A_81 : vector<16xf32>
      %div3A_85 = arith.constant 1.000000e+00 : f32
      %div3A_86 = vector.broadcast %div3A_85 : f32 to vector<16xf32>
      %div3A_87 = arith.divf %div3A_86, %add3A_84 : vector<16xf32>
      %mul3A_88 = arith.mulf %exp3A_81, %div3A_87 : vector<16xf32>
      %swap3A_89 = arith.constant 0 : i32
      %swap3A_90 = arith.constant 0 : i32
      %swap3A_91 = arith.index_cast %swap3A_89 : i32 to index
      %swap3A_92 = arith.index_cast %swap3A_90 : i32 to index
      %swap3A_93 = arith.constant 16 : index
      %swap3A_94 = tpu.vector_load %arg13[%swap3A_91, %swap3A_92, %swap3A_93] {strides = array<i32>} : memref<1x2x128xf32, #tpu.memory_space<vmem>>, vector<16xf32>,
      tpu.vector_store %arg13[%swap3A_91, %swap3A_92, %swap3A_93], %div3A_87 {strides = array<i32>} : memref<1x2x128xf32, #tpu.memory_space<vmem>>, vector<16xf32>,
      %swap3A_95 = arith.constant 0 : i32
      %swap3A_96 = arith.constant 1 : i32
      %swap3A_97 = arith.index_cast %swap3A_95 : i32 to index
      %swap3A_98 = arith.index_cast %swap3A_96 : i32 to index
      %swap3A_99 = arith.constant 16 : index
      %swap3A_100 = tpu.vector_load %arg13[%swap3A_97, %swap3A_98, %swap3A_99] {strides = array<i32>} : memref<1x2x128xf32, #tpu.memory_space<vmem>>, vector<16xf32>,
      tpu.vector_store %arg13[%swap3A_97, %swap3A_98, %swap3A_99], %mul3A_88 {strides = array<i32>} : memref<1x2x128xf32, #tpu.memory_space<vmem>>, vector<16xf32>,
      %get3A_101 = arith.constant 0 : i32
      %get3A_102 = arith.constant 0 : i32
      %get3A_103 = arith.index_cast %get3A_101 : i32 to index
      %get3A_104 = arith.index_cast %get3A_102 : i32 to index
      %get3A_105 = arith.constant 32 : index
      %get3A_106 = tpu.vector_load %arg7[%get3A_103, %get3A_104, %get3A_105] {strides = array<i32>} : memref<1x2x128xi32, #tpu.memory_space<vmem>>, vector<16xi32>,
      %get3A_107 = arith.constant 0 : i32
      %get3A_108 = arith.constant 1 : i32
      %get3A_109 = arith.index_cast %get3A_107 : i32 to index
      %get3A_110 = arith.index_cast %get3A_108 : i32 to index
      %get3A_111 = arith.constant 32 : index
      %get3A_112 = tpu.vector_load %arg7[%get3A_109, %get3A_110, %get3A_111] {strides = array<i32>} : memref<1x2x128xi32, #tpu.memory_space<vmem>>, vector<16xi32>,
      %gather3A_113 = tpu.vector_load_idx %arg8[%get3A_106] : memref<10000xf32, #tpu.memory_space<vmem>>[vector<16xi32>], vector<16xf32>,
      %gather3A_114 = tpu.vector_load_idx %arg9[%get3A_112] : memref<10000xf32, #tpu.memory_space<vmem>>[vector<16xi32>], vector<16xf32>,
      %add3A_115 = arith.addf %gather3A_113, %gather3A_114 : vector<16xf32>
      %exp3A_116 = math.exp %add3A_115 : vector<16xf32>
      %add3A_117 = arith.constant 1.000000e+00 : f32
      %add3A_118 = vector.broadcast %add3A_117 : f32 to vector<16xf32>
      %add3A_119 = arith.addf %add3A_118, %exp3A_116 : vector<16xf32>
      %div3A_120 = arith.constant 1.000000e+00 : f32
      %div3A_121 = vector.broadcast %div3A_120 : f32 to vector<16xf32>
      %div3A_122 = arith.divf %div3A_121, %add3A_119 : vector<16xf32>
      %mul3A_123 = arith.mulf %exp3A_116, %div3A_122 : vector<16xf32>
      %swap3A_124 = arith.constant 0 : i32
      %swap3A_125 = arith.constant 0 : i32
      %swap3A_126 = arith.index_cast %swap3A_124 : i32 to index
      %swap3A_127 = arith.index_cast %swap3A_125 : i32 to index
      %swap3A_128 = arith.constant 32 : index
      %swap3A_129 = tpu.vector_load %arg13[%swap3A_126, %swap3A_127, %swap3A_128] {strides = array<i32>} : memref<1x2x128xf32, #tpu.memory_space<vmem>>, vector<16xf32>,
      tpu.vector_store %arg13[%swap3A_126, %swap3A_127, %swap3A_128], %div3A_122 {strides = array<i32>} : memref<1x2x128xf32, #tpu.memory_space<vmem>>, vector<16xf32>,
      %swap3A_130 = arith.constant 0 : i32
      %swap3A_131 = arith.constant 1 : i32
      %swap3A_132 = arith.index_cast %swap3A_130 : i32 to index
      %swap3A_133 = arith.index_cast %swap3A_131 : i32 to index
      %swap3A_134 = arith.constant 32 : index
      %swap3A_135 = tpu.vector_load %arg13[%swap3A_132, %swap3A_133, %swap3A_134] {strides = array<i32>} : memref<1x2x128xf32, #tpu.memory_space<vmem>>, vector<16xf32>,
      tpu.vector_store %arg13[%swap3A_132, %swap3A_133, %swap3A_134], %mul3A_123 {strides = array<i32>} : memref<1x2x128xf32, #tpu.memory_space<vmem>>, vector<16xf32>,
      %get3A_136 = arith.constant 0 : i32
      %get3A_137 = arith.constant 0 : i32
      %get3A_138 = arith.index_cast %get3A_136 : i32 to index
      %get3A_139 = arith.index_cast %get3A_137 : i32 to index
      %get3A_140 = arith.constant 48 : index
      %get3A_141 = tpu.vector_load %arg7[%get3A_138, %get3A_139, %get3A_140] {strides = array<i32>} : memref<1x2x128xi32, #tpu.memory_space<vmem>>, vector<16xi32>,
      %get3A_142 = arith.constant 0 : i32
      %get3A_143 = arith.constant 1 : i32
      %get3A_144 = arith.index_cast %get3A_142 : i32 to index
      %get3A_145 = arith.index_cast %get3A_143 : i32 to index
      %get3A_146 = arith.constant 48 : index
      %get3A_147 = tpu.vector_load %arg7[%get3A_144, %get3A_145, %get3A_146] {strides = array<i32>} : memref<1x2x128xi32, #tpu.memory_space<vmem>>, vector<16xi32>,
      %gather3A_148 = tpu.vector_load_idx %arg8[%get3A_141] : memref<10000xf32, #tpu.memory_space<vmem>>[vector<16xi32>], vector<16xf32>,
      %gather3A_149 = tpu.vector_load_idx %arg9[%get3A_147] : memref<10000xf32, #tpu.memory_space<vmem>>[vector<16xi32>], vector<16xf32>,
      %add3A_150 = arith.addf %gather3A_148, %gather3A_149 : vector<16xf32>
      %exp3A_151 = math.exp %add3A_150 : vector<16xf32>
      %add3A_152 = arith.constant 1.000000e+00 : f32
      %add3A_153 = vector.broadcast %add3A_152 : f32 to vector<16xf32>
      %add3A_154 = arith.addf %add3A_153, %exp3A_151 : vector<16xf32>
      %div3A_155 = arith.constant 1.000000e+00 : f32
      %div3A_156 = vector.broadcast %div3A_155 : f32 to vector<16xf32>
      %div3A_157 = arith.divf %div3A_156, %add3A_154 : vector<16xf32>
      %mul3A_158 = arith.mulf %exp3A_151, %div3A_157 : vector<16xf32>
      %swap3A_159 = arith.constant 0 : i32
      %swap3A_160 = arith.constant 0 : i32
      %swap3A_161 = arith.index_cast %swap3A_159 : i32 to index
      %swap3A_162 = arith.index_cast %swap3A_160 : i32 to index
      %swap3A_163 = arith.constant 48 : index
      %swap3A_164 = tpu.vector_load %arg13[%swap3A_161, %swap3A_162, %swap3A_163] {strides = array<i32>} : memref<1x2x128xf32, #tpu.memory_space<vmem>>, vector<16xf32>,
      tpu.vector_store %arg13[%swap3A_161, %swap3A_162, %swap3A_163], %div3A_157 {strides = array<i32>} : memref<1x2x128xf32, #tpu.memory_space<vmem>>, vector<16xf32>,
      %swap3A_165 = arith.constant 0 : i32
      %swap3A_166 = arith.constant 1 : i32
      %swap3A_167 = arith.index_cast %swap3A_165 : i32 to index
      %swap3A_168 = arith.index_cast %swap3A_166 : i32 to index
      %swap3A_169 = arith.constant 48 : index
      %swap3A_170 = tpu.vector_load %arg13[%swap3A_167, %swap3A_168, %swap3A_169] {strides = array<i32>} : memref<1x2x128xf32, #tpu.memory_space<vmem>>, vector<16xf32>,
      tpu.vector_store %arg13[%swap3A_167, %swap3A_168, %swap3A_169], %mul3A_158 {strides = array<i32>} : memref<1x2x128xf32, #tpu.memory_space<vmem>>, vector<16xf32>,
      %get3A_171 = arith.constant 0 : i32
      %get3A_172 = arith.constant 0 : i32
      %get3A_173 = arith.index_cast %get3A_171 : i32 to index
      %get3A_174 = arith.index_cast %get3A_172 : i32 to index
      %get3A_175 = arith.constant 64 : index
      %get3A_176 = tpu.vector_load %arg7[%get3A_173, %get3A_174, %get3A_175] {strides = array<i32>} : memref<1x2x128xi32, #tpu.memory_space<vmem>>, vector<16xi32>,
      %get3A_177 = arith.constant 0 : i32
      %get3A_178 = arith.constant 1 : i32
      %get3A_179 = arith.index_cast %get3A_177 : i32 to index
      %get3A_180 = arith.index_cast %get3A_178 : i32 to index
      %get3A_181 = arith.constant 64 : index
      %get3A_182 = tpu.vector_load %arg7[%get3A_179, %get3A_180, %get3A_181] {strides = array<i32>} : memref<1x2x128xi32, #tpu.memory_space<vmem>>, vector<16xi32>,
      %gather3A_183 = tpu.vector_load_idx %arg8[%get3A_176] : memref<10000xf32, #tpu.memory_space<vmem>>[vector<16xi32>], vector<16xf32>,
      %gather3A_184 = tpu.vector_load_idx %arg9[%get3A_182] : memref<10000xf32, #tpu.memory_space<vmem>>[vector<16xi32>], vector<16xf32>,
      %add3A_185 = arith.addf %gather3A_183, %gather3A_184 : vector<16xf32>
      %exp3A_186 = math.exp %add3A_185 : vector<16xf32>
      %add3A_187 = arith.constant 1.000000e+00 : f32
      %add3A_188 = vector.broadcast %add3A_187 : f32 to vector<16xf32>
      %add3A_189 = arith.addf %add3A_188, %exp3A_186 : vector<16xf32>
      %div3A_190 = arith.constant 1.000000e+00 : f32
      %div3A_191 = vector.broadcast %div3A_190 : f32 to vector<16xf32>
      %div3A_192 = arith.divf %div3A_191, %add3A_189 : vector<16xf32>
      %mul3A_193 = arith.mulf %exp3A_186, %div3A_192 : vector<16xf32>
      %swap3A_194 = arith.constant 0 : i32
      %swap3A_195 = arith.constant 0 : i32
      %swap3A_196 = arith.index_cast %swap3A_194 : i32 to index
      %swap3A_197 = arith.index_cast %swap3A_195 : i32 to index
      %swap3A_198 = arith.constant 64 : index
      %swap3A_199 = tpu.vector_load %arg13[%swap3A_196, %swap3A_197, %swap3A_198] {strides = array<i32>} : memref<1x2x128xf32, #tpu.memory_space<vmem>>, vector<16xf32>,
      tpu.vector_store %arg13[%swap3A_196, %swap3A_197, %swap3A_198], %div3A_192 {strides = array<i32>} : memref<1x2x128xf32, #tpu.memory_space<vmem>>, vector<16xf32>,
      %swap3A_200 = arith.constant 0 : i32
      %swap3A_201 = arith.constant 1 : i32
      %swap3A_202 = arith.index_cast %swap3A_200 : i32 to index
      %swap3A_203 = arith.index_cast %swap3A_201 : i32 to index
      %swap3A_204 = arith.constant 64 : index
      %swap3A_205 = tpu.vector_load %arg13[%swap3A_202, %swap3A_203, %swap3A_204] {strides = array<i32>} : memref<1x2x128xf32, #tpu.memory_space<vmem>>, vector<16xf32>,
      tpu.vector_store %arg13[%swap3A_202, %swap3A_203, %swap3A_204], %mul3A_193 {strides = array<i32>} : memref<1x2x128xf32, #tpu.memory_space<vmem>>, vector<16xf32>,
      %get3A_206 = arith.constant 0 : i32
      %get3A_207 = arith.constant 0 : i32
      %get3A_208 = arith.index_cast %get3A_206 : i32 to index
      %get3A_209 = arith.index_cast %get3A_207 : i32 to index
      %get3A_210 = arith.constant 80 : index
      %get3A_211 = tpu.vector_load %arg7[%get3A_208, %get3A_209, %get3A_210] {strides = array<i32>} : memref<1x2x128xi32, #tpu.memory_space<vmem>>, vector<16xi32>,
      %get3A_212 = arith.constant 0 : i32
      %get3A_213 = arith.constant 1 : i32
      %get3A_214 = arith.index_cast %get3A_212 : i32 to index
      %get3A_215 = arith.index_cast %get3A_213 : i32 to index
      %get3A_216 = arith.constant 80 : index
      %get3A_217 = tpu.vector_load %arg7[%get3A_214, %get3A_215, %get3A_216] {strides = array<i32>} : memref<1x2x128xi32, #tpu.memory_space<vmem>>, vector<16xi32>,
      %gather3A_218 = tpu.vector_load_idx %arg8[%get3A_211] : memref<10000xf32, #tpu.memory_space<vmem>>[vector<16xi32>], vector<16xf32>,
      %gather3A_219 = tpu.vector_load_idx %arg9[%get3A_217] : memref<10000xf32, #tpu.memory_space<vmem>>[vector<16xi32>], vector<16xf32>,
      %add3A_220 = arith.addf %gather3A_218, %gather3A_219 : vector<16xf32>
      %exp3A_221 = math.exp %add3A_220 : vector<16xf32>
      %add3A_222 = arith.constant 1.000000e+00 : f32
      %add3A_223 = vector.broadcast %add3A_222 : f32 to vector<16xf32>
      %add3A_224 = arith.addf %add3A_223, %exp3A_221 : vector<16xf32>
      %div3A_225 = arith.constant 1.000000e+00 : f32
      %div3A_226 = vector.broadcast %div3A_225 : f32 to vector<16xf32>
      %div3A_227 = arith.divf %div3A_226, %add3A_224 : vector<16xf32>
      %mul3A_228 = arith.mulf %exp3A_221, %div3A_227 : vector<16xf32>
      %swap3A_229 = arith.constant 0 : i32
      %swap3A_230 = arith.constant 0 : i32
      %swap3A_231 = arith.index_cast %swap3A_229 : i32 to index
      %swap3A_232 = arith.index_cast %swap3A_230 : i32 to index
      %swap3A_233 = arith.constant 80 : index
      %swap3A_234 = tpu.vector_load %arg13[%swap3A_231, %swap3A_232, %swap3A_233] {strides = array<i32>} : memref<1x2x128xf32, #tpu.memory_space<vmem>>, vector<16xf32>,
      tpu.vector_store %arg13[%swap3A_231, %swap3A_232, %swap3A_233], %div3A_227 {strides = array<i32>} : memref<1x2x128xf32, #tpu.memory_space<vmem>>, vector<16xf32>,
      %swap3A_235 = arith.constant 0 : i32
      %swap3A_236 = arith.constant 1 : i32
      %swap3A_237 = arith.index_cast %swap3A_235 : i32 to index
      %swap3A_238 = arith.index_cast %swap3A_236 : i32 to index
      %swap3A_239 = arith.constant 80 : index
      %swap3A_240 = tpu.vector_load %arg13[%swap3A_237, %swap3A_238, %swap3A_239] {strides = array<i32>} : memref<1x2x128xf32, #tpu.memory_space<vmem>>, vector<16xf32>,
      tpu.vector_store %arg13[%swap3A_237, %swap3A_238, %swap3A_239], %mul3A_228 {strides = array<i32>} : memref<1x2x128xf32, #tpu.memory_space<vmem>>, vector<16xf32>,
      %get3A_241 = arith.constant 0 : i32
      %get3A_242 = arith.constant 0 : i32
      %get3A_243 = arith.index_cast %get3A_241 : i32 to index
      %get3A_244 = arith.index_cast %get3A_242 : i32 to index
      %get3A_245 = arith.constant 96 : index
      %get3A_246 = tpu.vector_load %arg7[%get3A_243, %get3A_244, %get3A_245] {strides = array<i32>} : memref<1x2x128xi32, #tpu.memory_space<vmem>>, vector<16xi32>,
      %get3A_247 = arith.constant 0 : i32
      %get3A_248 = arith.constant 1 : i32
      %get3A_249 = arith.index_cast %get3A_247 : i32 to index
      %get3A_250 = arith.index_cast %get3A_248 : i32 to index
      %get3A_251 = arith.constant 96 : index
      %get3A_252 = tpu.vector_load %arg7[%get3A_249, %get3A_250, %get3A_251] {strides = array<i32>} : memref<1x2x128xi32, #tpu.memory_space<vmem>>, vector<16xi32>,
      %gather3A_253 = tpu.vector_load_idx %arg8[%get3A_246] : memref<10000xf32, #tpu.memory_space<vmem>>[vector<16xi32>], vector<16xf32>,
      %gather3A_254 = tpu.vector_load_idx %arg9[%get3A_252] : memref<10000xf32, #tpu.memory_space<vmem>>[vector<16xi32>], vector<16xf32>,
      %add3A_255 = arith.addf %gather3A_253, %gather3A_254 : vector<16xf32>
      %exp3A_256 = math.exp %add3A_255 : vector<16xf32>
      %add3A_257 = arith.constant 1.000000e+00 : f32
      %add3A_258 = vector.broadcast %add3A_257 : f32 to vector<16xf32>
      %add3A_259 = arith.addf %add3A_258, %exp3A_256 : vector<16xf32>
      %div3A_260 = arith.constant 1.000000e+00 : f32
      %div3A_261 = vector.broadcast %div3A_260 : f32 to vector<16xf32>
      %div3A_262 = arith.divf %div3A_261, %add3A_259 : vector<16xf32>
      %mul3A_263 = arith.mulf %exp3A_256, %div3A_262 : vector<16xf32>
      %swap3A_264 = arith.constant 0 : i32
      %swap3A_265 = arith.constant 0 : i32
      %swap3A_266 = arith.index_cast %swap3A_264 : i32 to index
      %swap3A_267 = arith.index_cast %swap3A_265 : i32 to index
      %swap3A_268 = arith.constant 96 : index
      %swap3A_269 = tpu.vector_load %arg13[%swap3A_266, %swap3A_267, %swap3A_268] {strides = array<i32>} : memref<1x2x128xf32, #tpu.memory_space<vmem>>, vector<16xf32>,
      tpu.vector_store %arg13[%swap3A_266, %swap3A_267, %swap3A_268], %div3A_262 {strides = array<i32>} : memref<1x2x128xf32, #tpu.memory_space<vmem>>, vector<16xf32>,
      %swap3A_270 = arith.constant 0 : i32
      %swap3A_271 = arith.constant 1 : i32
      %swap3A_272 = arith.index_cast %swap3A_270 : i32 to index
      %swap3A_273 = arith.index_cast %swap3A_271 : i32 to index
      %swap3A_274 = arith.constant 96 : index
      %swap3A_275 = tpu.vector_load %arg13[%swap3A_272, %swap3A_273, %swap3A_274] {strides = array<i32>} : memref<1x2x128xf32, #tpu.memory_space<vmem>>, vector<16xf32>,
      tpu.vector_store %arg13[%swap3A_272, %swap3A_273, %swap3A_274], %mul3A_263 {strides = array<i32>} : memref<1x2x128xf32, #tpu.memory_space<vmem>>, vector<16xf32>,
      %get3A_276 = arith.constant 0 : i32
      %get3A_277 = arith.constant 0 : i32
      %get3A_278 = arith.index_cast %get3A_276 : i32 to index
      %get3A_279 = arith.index_cast %get3A_277 : i32 to index
      %get3A_280 = arith.constant 112 : index
      %get3A_281 = tpu.vector_load %arg7[%get3A_278, %get3A_279, %get3A_280] {strides = array<i32>} : memref<1x2x128xi32, #tpu.memory_space<vmem>>, vector<16xi32>,
      %get3A_282 = arith.constant 0 : i32
      %get3A_283 = arith.constant 1 : i32
      %get3A_284 = arith.index_cast %get3A_282 : i32 to index
      %get3A_285 = arith.index_cast %get3A_283 : i32 to index
      %get3A_286 = arith.constant 112 : index
      %get3A_287 = tpu.vector_load %arg7[%get3A_284, %get3A_285, %get3A_286] {strides = array<i32>} : memref<1x2x128xi32, #tpu.memory_space<vmem>>, vector<16xi32>,
      %gather3A_288 = tpu.vector_load_idx %arg8[%get3A_281] : memref<10000xf32, #tpu.memory_space<vmem>>[vector<16xi32>], vector<16xf32>,
      %gather3A_289 = tpu.vector_load_idx %arg9[%get3A_287] : memref<10000xf32, #tpu.memory_space<vmem>>[vector<16xi32>], vector<16xf32>,
      %add3A_290 = arith.addf %gather3A_288, %gather3A_289 : vector<16xf32>
      %exp3A_291 = math.exp %add3A_290 : vector<16xf32>
      %add3A_292 = arith.constant 1.000000e+00 : f32
      %add3A_293 = vector.broadcast %add3A_292 : f32 to vector<16xf32>
      %add3A_294 = arith.addf %add3A_293, %exp3A_291 : vector<16xf32>
      %div3A_295 = arith.constant 1.000000e+00 : f32
      %div3A_296 = vector.broadcast %div3A_295 : f32 to vector<16xf32>
      %div3A_297 = arith.divf %div3A_296, %add3A_294 : vector<16xf32>
      %mul3A_298 = arith.mulf %exp3A_291, %div3A_297 : vector<16xf32>
      %swap3A_299 = arith.constant 0 : i32
      %swap3A_300 = arith.constant 0 : i32
      %swap3A_301 = arith.index_cast %swap3A_299 : i32 to index
      %swap3A_302 = arith.index_cast %swap3A_300 : i32 to index
      %swap3A_303 = arith.constant 112 : index
      %swap3A_304 = tpu.vector_load %arg13[%swap3A_301, %swap3A_302, %swap3A_303] {strides = array<i32>} : memref<1x2x128xf32, #tpu.memory_space<vmem>>, vector<16xf32>,
      tpu.vector_store %arg13[%swap3A_301, %swap3A_302, %swap3A_303], %div3A_297 {strides = array<i32>} : memref<1x2x128xf32, #tpu.memory_space<vmem>>, vector<16xf32>,
      %swap3A_305 = arith.constant 0 : i32
      %swap3A_306 = arith.constant 1 : i32
      %swap3A_307 = arith.index_cast %swap3A_305 : i32 to index
      %swap3A_308 = arith.index_cast %swap3A_306 : i32 to index
      %swap3A_309 = arith.constant 112 : index
      %swap3A_310 = tpu.vector_load %arg13[%swap3A_307, %swap3A_308, %swap3A_309] {strides = array<i32>} : memref<1x2x128xf32, #tpu.memory_space<vmem>>, vector<16xf32>,
      tpu.vector_store %arg13[%swap3A_307, %swap3A_308, %swap3A_309], %mul3A_298 {strides = array<i32>} : memref<1x2x128xf32, #tpu.memory_space<vmem>>, vector<16xf32>,
      %get3A_311 = arith.constant 0 : i32
      %get3A_312 = arith.constant 0 : i32
      %get3A_313 = arith.index_cast %get3A_311 : i32 to index
      %get3A_314 = arith.index_cast %get3A_312 : i32 to index
      %get3A_315 = arith.constant 0 : index
      %get3A_316 = tpu.vector_load %arg7[%get3A_313, %get3A_314, %get3A_315] {strides = array<i32>} : memref<1x2x128xi32, #tpu.memory_space<vmem>>, vector<16xi32>,
      %get3A_317 = arith.constant 0 : i32
      %get3A_318 = arith.constant 1 : i32
      %get3A_319 = arith.index_cast %get3A_317 : i32 to index
      %get3A_320 = arith.index_cast %get3A_318 : i32 to index
      %get3A_321 = arith.constant 0 : index
      %get3A_322 = tpu.vector_load %arg7[%get3A_319, %get3A_320, %get3A_321] {strides = array<i32>} : memref<1x2x128xi32, #tpu.memory_space<vmem>>, vector<16xi32>,
      %gather3A_323 = tpu.vector_load_idx %arg10[%get3A_316] : memref<10000xf32, #tpu.memory_space<vmem>>[vector<16xi32>], vector<16xf32>,
      %gather3A_324 = tpu.vector_load_idx %arg11[%get3A_316] : memref<10000xf32, #tpu.memory_space<vmem>>[vector<16xi32>], vector<16xf32>,
      tpu.vector_store_idx %arg14[%get3A_322], %gather3A_323 {add = true} : memref<10000xf32, #tpu.memory_space<vmem>>[vector<16xi32>], vector<16xf32>,
      tpu.vector_store_idx %arg15[%get3A_322], %gather3A_324 {add = true} : memref<10000xf32, #tpu.memory_space<vmem>>[vector<16xi32>], vector<16xf32>,
      %get3A_325 = arith.constant 0 : i32
      %get3A_326 = arith.constant 0 : i32
      %get3A_327 = arith.index_cast %get3A_325 : i32 to index
      %get3A_328 = arith.index_cast %get3A_326 : i32 to index
      %get3A_329 = arith.constant 16 : index
      %get3A_330 = tpu.vector_load %arg7[%get3A_327, %get3A_328, %get3A_329] {strides = array<i32>} : memref<1x2x128xi32, #tpu.memory_space<vmem>>, vector<16xi32>,
      %get3A_331 = arith.constant 0 : i32
      %get3A_332 = arith.constant 1 : i32
      %get3A_333 = arith.index_cast %get3A_331 : i32 to index
      %get3A_334 = arith.index_cast %get3A_332 : i32 to index
      %get3A_335 = arith.constant 16 : index
      %get3A_336 = tpu.vector_load %arg7[%get3A_333, %get3A_334, %get3A_335] {strides = array<i32>} : memref<1x2x128xi32, #tpu.memory_space<vmem>>, vector<16xi32>,
      %gather3A_337 = tpu.vector_load_idx %arg10[%get3A_330] : memref<10000xf32, #tpu.memory_space<vmem>>[vector<16xi32>], vector<16xf32>,
      %gather3A_338 = tpu.vector_load_idx %arg11[%get3A_330] : memref<10000xf32, #tpu.memory_space<vmem>>[vector<16xi32>], vector<16xf32>,
      tpu.vector_store_idx %arg14[%get3A_336], %gather3A_337 {add = true} : memref<10000xf32, #tpu.memory_space<vmem>>[vector<16xi32>], vector<16xf32>,
      tpu.vector_store_idx %arg15[%get3A_336], %gather3A_338 {add = true} : memref<10000xf32, #tpu.memory_space<vmem>>[vector<16xi32>], vector<16xf32>,
      %get3A_339 = arith.constant 0 : i32
      %get3A_340 = arith.constant 0 : i32
      %get3A_341 = arith.index_cast %get3A_339 : i32 to index
      %get3A_342 = arith.index_cast %get3A_340 : i32 to index
      %get3A_343 = arith.constant 32 : index
      %get3A_344 = tpu.vector_load %arg7[%get3A_341, %get3A_342, %get3A_343] {strides = array<i32>} : memref<1x2x128xi32, #tpu.memory_space<vmem>>, vector<16xi32>,
      %get3A_345 = arith.constant 0 : i32
      %get3A_346 = arith.constant 1 : i32
      %get3A_347 = arith.index_cast %get3A_345 : i32 to index
      %get3A_348 = arith.index_cast %get3A_346 : i32 to index
      %get3A_349 = arith.constant 32 : index
      %get3A_350 = tpu.vector_load %arg7[%get3A_347, %get3A_348, %get3A_349] {strides = array<i32>} : memref<1x2x128xi32, #tpu.memory_space<vmem>>, vector<16xi32>,
      %gather3A_351 = tpu.vector_load_idx %arg10[%get3A_344] : memref<10000xf32, #tpu.memory_space<vmem>>[vector<16xi32>], vector<16xf32>,
      %gather3A_352 = tpu.vector_load_idx %arg11[%get3A_344] : memref<10000xf32, #tpu.memory_space<vmem>>[vector<16xi32>], vector<16xf32>,
      tpu.vector_store_idx %arg14[%get3A_350], %gather3A_351 {add = true} : memref<10000xf32, #tpu.memory_space<vmem>>[vector<16xi32>], vector<16xf32>,
      tpu.vector_store_idx %arg15[%get3A_350], %gather3A_352 {add = true} : memref<10000xf32, #tpu.memory_space<vmem>>[vector<16xi32>], vector<16xf32>,
      %get3A_353 = arith.constant 0 : i32
      %get3A_354 = arith.constant 0 : i32
      %get3A_355 = arith.index_cast %get3A_353 : i32 to index
      %get3A_356 = arith.index_cast %get3A_354 : i32 to index
      %get3A_357 = arith.constant 48 : index
      %get3A_358 = tpu.vector_load %arg7[%get3A_355, %get3A_356, %get3A_357] {strides = array<i32>} : memref<1x2x128xi32, #tpu.memory_space<vmem>>, vector<16xi32>,
      %get3A_359 = arith.constant 0 : i32
      %get3A_360 = arith.constant 1 : i32
      %get3A_361 = arith.index_cast %get3A_359 : i32 to index
      %get3A_362 = arith.index_cast %get3A_360 : i32 to index
      %get3A_363 = arith.constant 48 : index
      %get3A_364 = tpu.vector_load %arg7[%get3A_361, %get3A_362, %get3A_363] {strides = array<i32>} : memref<1x2x128xi32, #tpu.memory_space<vmem>>, vector<16xi32>,
      %gather3A_365 = tpu.vector_load_idx %arg10[%get3A_358] : memref<10000xf32, #tpu.memory_space<vmem>>[vector<16xi32>], vector<16xf32>,
      %gather3A_366 = tpu.vector_load_idx %arg11[%get3A_358] : memref<10000xf32, #tpu.memory_space<vmem>>[vector<16xi32>], vector<16xf32>,
      tpu.vector_store_idx %arg14[%get3A_364], %gather3A_365 {add = true} : memref<10000xf32, #tpu.memory_space<vmem>>[vector<16xi32>], vector<16xf32>,
      tpu.vector_store_idx %arg15[%get3A_364], %gather3A_366 {add = true} : memref<10000xf32, #tpu.memory_space<vmem>>[vector<16xi32>], vector<16xf32>,
      %get3A_367 = arith.constant 0 : i32
      %get3A_368 = arith.constant 0 : i32
      %get3A_369 = arith.index_cast %get3A_367 : i32 to index
      %get3A_370 = arith.index_cast %get3A_368 : i32 to index
      %get3A_371 = arith.constant 64 : index
      %get3A_372 = tpu.vector_load %arg7[%get3A_369, %get3A_370, %get3A_371] {strides = array<i32>} : memref<1x2x128xi32, #tpu.memory_space<vmem>>, vector<16xi32>,
      %get3A_373 = arith.constant 0 : i32
      %get3A_374 = arith.constant 1 : i32
      %get3A_375 = arith.index_cast %get3A_373 : i32 to index
      %get3A_376 = arith.index_cast %get3A_374 : i32 to index
      %get3A_377 = arith.constant 64 : index
      %get3A_378 = tpu.vector_load %arg7[%get3A_375, %get3A_376, %get3A_377] {strides = array<i32>} : memref<1x2x128xi32, #tpu.memory_space<vmem>>, vector<16xi32>,
      %gather3A_379 = tpu.vector_load_idx %arg10[%get3A_372] : memref<10000xf32, #tpu.memory_space<vmem>>[vector<16xi32>], vector<16xf32>,
      %gather3A_380 = tpu.vector_load_idx %arg11[%get3A_372] : memref<10000xf32, #tpu.memory_space<vmem>>[vector<16xi32>], vector<16xf32>,
      tpu.vector_store_idx %arg14[%get3A_378], %gather3A_379 {add = true} : memref<10000xf32, #tpu.memory_space<vmem>>[vector<16xi32>], vector<16xf32>,
      tpu.vector_store_idx %arg15[%get3A_378], %gather3A_380 {add = true} : memref<10000xf32, #tpu.memory_space<vmem>>[vector<16xi32>], vector<16xf32>,
      %get3A_381 = arith.constant 0 : i32
      %get3A_382 = arith.constant 0 : i32
      %get3A_383 = arith.index_cast %get3A_381 : i32 to index
      %get3A_384 = arith.index_cast %get3A_382 : i32 to index
      %get3A_385 = arith.constant 80 : index
      %get3A_386 = tpu.vector_load %arg7[%get3A_383, %get3A_384, %get3A_385] {strides = array<i32>} : memref<1x2x128xi32, #tpu.memory_space<vmem>>, vector<16xi32>,
      %get3A_387 = arith.constant 0 : i32
      %get3A_388 = arith.constant 1 : i32
      %get3A_389 = arith.index_cast %get3A_387 : i32 to index
      %get3A_390 = arith.index_cast %get3A_388 : i32 to index
      %get3A_391 = arith.constant 80 : index
      %get3A_392 = tpu.vector_load %arg7[%get3A_389, %get3A_390, %get3A_391] {strides = array<i32>} : memref<1x2x128xi32, #tpu.memory_space<vmem>>, vector<16xi32>,
      %gather3A_393 = tpu.vector_load_idx %arg10[%get3A_386] : memref<10000xf32, #tpu.memory_space<vmem>>[vector<16xi32>], vector<16xf32>,
      %gather3A_394 = tpu.vector_load_idx %arg11[%get3A_386] : memref<10000xf32, #tpu.memory_space<vmem>>[vector<16xi32>], vector<16xf32>,
      tpu.vector_store_idx %arg14[%get3A_392], %gather3A_393 {add = true} : memref<10000xf32, #tpu.memory_space<vmem>>[vector<16xi32>], vector<16xf32>,
      tpu.vector_store_idx %arg15[%get3A_392], %gather3A_394 {add = true} : memref<10000xf32, #tpu.memory_space<vmem>>[vector<16xi32>], vector<16xf32>,
      %get3A_395 = arith.constant 0 : i32
      %get3A_396 = arith.constant 0 : i32
      %get3A_397 = arith.index_cast %get3A_395 : i32 to index
      %get3A_398 = arith.index_cast %get3A_396 : i32 to index
      %get3A_399 = arith.constant 96 : index
      %get3A_400 = tpu.vector_load %arg7[%get3A_397, %get3A_398, %get3A_399] {strides = array<i32>} : memref<1x2x128xi32, #tpu.memory_space<vmem>>, vector<16xi32>,
      %get3A_401 = arith.constant 0 : i32
      %get3A_402 = arith.constant 1 : i32
      %get3A_403 = arith.index_cast %get3A_401 : i32 to index
      %get3A_404 = arith.index_cast %get3A_402 : i32 to index
      %get3A_405 = arith.constant 96 : index
      %get3A_406 = tpu.vector_load %arg7[%get3A_403, %get3A_404, %get3A_405] {strides = array<i32>} : memref<1x2x128xi32, #tpu.memory_space<vmem>>, vector<16xi32>,
      %gather3A_407 = tpu.vector_load_idx %arg10[%get3A_400] : memref<10000xf32, #tpu.memory_space<vmem>>[vector<16xi32>], vector<16xf32>,
      %gather3A_408 = tpu.vector_load_idx %arg11[%get3A_400] : memref<10000xf32, #tpu.memory_space<vmem>>[vector<16xi32>], vector<16xf32>,
      tpu.vector_store_idx %arg14[%get3A_406], %gather3A_407 {add = true} : memref<10000xf32, #tpu.memory_space<vmem>>[vector<16xi32>], vector<16xf32>,
      tpu.vector_store_idx %arg15[%get3A_406], %gather3A_408 {add = true} : memref<10000xf32, #tpu.memory_space<vmem>>[vector<16xi32>], vector<16xf32>,
      %get3A_409 = arith.constant 0 : i32
      %get3A_410 = arith.constant 0 : i32
      %get3A_411 = arith.index_cast %get3A_409 : i32 to index
      %get3A_412 = arith.index_cast %get3A_410 : i32 to index
      %get3A_413 = arith.constant 112 : index
      %get3A_414 = tpu.vector_load %arg7[%get3A_411, %get3A_412, %get3A_413] {strides = array<i32>} : memref<1x2x128xi32, #tpu.memory_space<vmem>>, vector<16xi32>,
      %get3A_415 = arith.constant 0 : i32
      %get3A_416 = arith.constant 1 : i32
      %get3A_417 = arith.index_cast %get3A_415 : i32 to index
      %get3A_418 = arith.index_cast %get3A_416 : i32 to index
      %get3A_419 = arith.constant 112 : index
      %get3A_420 = tpu.vector_load %arg7[%get3A_417, %get3A_418, %get3A_419] {strides = array<i32>} : memref<1x2x128xi32, #tpu.memory_space<vmem>>, vector<16xi32>,
      %gather3A_421 = tpu.vector_load_idx %arg10[%get3A_414] : memref<10000xf32, #tpu.memory_space<vmem>>[vector<16xi32>], vector<16xf32>,
      %gather3A_422 = tpu.vector_load_idx %arg11[%get3A_414] : memref<10000xf32, #tpu.memory_space<vmem>>[vector<16xi32>], vector<16xf32>,
      tpu.vector_store_idx %arg14[%get3A_420], %gather3A_421 {add = true} : memref<10000xf32, #tpu.memory_space<vmem>>[vector<16xi32>], vector<16xf32>,
      tpu.vector_store_idx %arg15[%get3A_420], %gather3A_422 {add = true} : memref<10000xf32, #tpu.memory_space<vmem>>[vector<16xi32>], vector<16xf32>,
    } else {
    }
    %mul3A_27 = arith.constant 78 : i32
    %mul3A_28 = arith.muli %mul3A_27, %add3A : i32
    "tpu.region"() ({
      %run_scoped3A_36 = tpu.sem_alloc : memref<!tpu.dma_semaphore, #tpu.memory_space<semaphore_mem>>
      %dma_start3A = arith.constant 0 : i32
      %dma_start3A_37 = arith.constant 0 : i32
      %dma_start3A_38 = tpu.memref_slice %arg4[%mul3A_28, %dma_start3A, %dma_start3A_37] : memref<2500x2x128xf32, #tpu.memory_space<hbm>> -> memref<78x2x128xf32, #tpu.memory_space<hbm>>
      %dma_start3A_39 = arith.constant 0 : i32
      %dma_start3A_40 = arith.constant 0 : i32
      %dma_start3A_41 = tpu.memref_slice %arg4[%mul3A_28, %dma_start3A_39, %dma_start3A_40] : memref<2500x2x128xf32, #tpu.memory_space<hbm>> -> memref<78x2x128xf32, #tpu.memory_space<hbm>>
      tpu.enqueue_dma source(%arg12 : memref<78x2x128xf32, #tpu.memory_space<vmem>>) target(%dma_start3A_41 : memref<78x2x128xf32, #tpu.memory_space<hbm>>) target_semaphore(%run_scoped3A_36 : memref<!tpu.dma_semaphore, #tpu.memory_space<semaphore_mem>>)
      %dma_wait3A = arith.constant 0 : i32
      %dma_wait3A_42 = arith.constant 0 : i32
      %dma_wait3A_43 = tpu.memref_slice %arg4[%mul3A_28, %dma_wait3A, %dma_wait3A_42] : memref<2500x2x128xf32, #tpu.memory_space<hbm>> -> memref<78x2x128xf32, #tpu.memory_space<hbm>>
      %dma_wait3A_44 = arith.constant 0 : i32
      %dma_wait3A_45 = arith.constant 0 : i32
      %dma_wait3A_46 = tpu.memref_slice %arg4[%mul3A_28, %dma_wait3A_44, %dma_wait3A_45] : memref<2500x2x128xf32, #tpu.memory_space<hbm>> -> memref<78x2x128xf32, #tpu.memory_space<hbm>>
      tpu.wait_dma2 semaphore(%run_scoped3A_36 : memref<!tpu.dma_semaphore, #tpu.memory_space<semaphore_mem>>) src(%arg12 : memref<78x2x128xf32, #tpu.memory_space<vmem>>) dst(%dma_wait3A_46 : memref<78x2x128xf32, #tpu.memory_space<hbm>>)
      tpu.yield
    }) : () -> ()
    %lt3A_29 = arith.constant 4 : i32
    %lt3A_30 = arith.cmpi slt, %add3A, %lt3A_29 : i32
    %convert_element_type3A_31 = arith.extui %lt3A_30 : i1 to i32
    %cond3A_32 = arith.constant 0 : i32
    %cond3A_33 = arith.cmpi ne, %convert_element_type3A_31, %cond3A_32 : i32
    scf.if %cond3A_33 {
      %add3A_36 = arith.constant 2496 : i32
      %add3A_37 = arith.addi %add3A_36, %add3A : i32
      "tpu.region"() ({
        %run_scoped3A_38 = tpu.sem_alloc : memref<!tpu.dma_semaphore, #tpu.memory_space<semaphore_mem>>
        %dma_start3A = arith.constant 0 : i32
        %dma_start3A_39 = arith.constant 0 : i32
        %dma_start3A_40 = tpu.memref_slice %arg4[%add3A_37, %dma_start3A, %dma_start3A_39] : memref<2500x2x128xf32, #tpu.memory_space<hbm>> -> memref<1x2x128xf32, #tpu.memory_space<hbm>>
        %dma_start3A_41 = arith.constant 0 : i32
        %dma_start3A_42 = arith.constant 0 : i32
        %dma_start3A_43 = tpu.memref_slice %arg4[%add3A_37, %dma_start3A_41, %dma_start3A_42] : memref<2500x2x128xf32, #tpu.memory_space<hbm>> -> memref<1x2x128xf32, #tpu.memory_space<hbm>>
        tpu.enqueue_dma source(%arg13 : memref<1x2x128xf32, #tpu.memory_space<vmem>>) target(%dma_start3A_43 : memref<1x2x128xf32, #tpu.memory_space<hbm>>) target_semaphore(%run_scoped3A_38 : memref<!tpu.dma_semaphore, #tpu.memory_space<semaphore_mem>>)
        %dma_wait3A = arith.constant 0 : i32
        %dma_wait3A_44 = arith.constant 0 : i32
        %dma_wait3A_45 = tpu.memref_slice %arg4[%add3A_37, %dma_wait3A, %dma_wait3A_44] : memref<2500x2x128xf32, #tpu.memory_space<hbm>> -> memref<1x2x128xf32, #tpu.memory_space<hbm>>
        %dma_wait3A_46 = arith.constant 0 : i32
        %dma_wait3A_47 = arith.constant 0 : i32
        %dma_wait3A_48 = tpu.memref_slice %arg4[%add3A_37, %dma_wait3A_46, %dma_wait3A_47] : memref<2500x2x128xf32, #tpu.memory_space<hbm>> -> memref<1x2x128xf32, #tpu.memory_space<hbm>>
        tpu.wait_dma2 semaphore(%run_scoped3A_38 : memref<!tpu.dma_semaphore, #tpu.memory_space<semaphore_mem>>) src(%arg13 : memref<1x2x128xf32, #tpu.memory_space<vmem>>) dst(%dma_wait3A_48 : memref<1x2x128xf32, #tpu.memory_space<hbm>>)
        tpu.yield
      }) : () -> ()
    } else {
    }
    "tpu.region"() ({
      %run_scoped3A_36 = tpu.sem_alloc : memref<!tpu.dma_semaphore, #tpu.memory_space<semaphore_mem>>
      %dma_start3A = arith.constant 0 : i32
      %dma_start3A_37 = tpu.memref_slice %arg5[%add3A, %dma_start3A] : memref<64x10000xf32, #tpu.memory_space<hbm>> -> memref<1x10000xf32, #tpu.memory_space<hbm>>
      %dma_start3A_38 = tpu.memref_squeeze %dma_start3A_37 : memref<1x10000xf32, #tpu.memory_space<hbm>> -> memref<10000xf32, #tpu.memory_space<hbm>>
      %dma_start3A_39 = arith.constant 0 : i32
      %dma_start3A_40 = tpu.memref_slice %arg5[%add3A, %dma_start3A_39] : memref<64x10000xf32, #tpu.memory_space<hbm>> -> memref<1x10000xf32, #tpu.memory_space<hbm>>
      %dma_start3A_41 = tpu.memref_squeeze %dma_start3A_40 : memref<1x10000xf32, #tpu.memory_space<hbm>> -> memref<10000xf32, #tpu.memory_space<hbm>>
      tpu.enqueue_dma source(%arg14 : memref<10000xf32, #tpu.memory_space<vmem>>) target(%dma_start3A_41 : memref<10000xf32, #tpu.memory_space<hbm>>) target_semaphore(%run_scoped3A_36 : memref<!tpu.dma_semaphore, #tpu.memory_space<semaphore_mem>>)
      %dma_wait3A = arith.constant 0 : i32
      %dma_wait3A_42 = tpu.memref_slice %arg5[%add3A, %dma_wait3A] : memref<64x10000xf32, #tpu.memory_space<hbm>> -> memref<1x10000xf32, #tpu.memory_space<hbm>>
      %dma_wait3A_43 = tpu.memref_squeeze %dma_wait3A_42 : memref<1x10000xf32, #tpu.memory_space<hbm>> -> memref<10000xf32, #tpu.memory_space<hbm>>
      %dma_wait3A_44 = arith.constant 0 : i32
      %dma_wait3A_45 = tpu.memref_slice %arg5[%add3A, %dma_wait3A_44] : memref<64x10000xf32, #tpu.memory_space<hbm>> -> memref<1x10000xf32, #tpu.memory_space<hbm>>
      %dma_wait3A_46 = tpu.memref_squeeze %dma_wait3A_45 : memref<1x10000xf32, #tpu.memory_space<hbm>> -> memref<10000xf32, #tpu.memory_space<hbm>>
      tpu.wait_dma2 semaphore(%run_scoped3A_36 : memref<!tpu.dma_semaphore, #tpu.memory_space<semaphore_mem>>) src(%arg14 : memref<10000xf32, #tpu.memory_space<vmem>>) dst(%dma_wait3A_46 : memref<10000xf32, #tpu.memory_space<hbm>>)
      tpu.yield
    }) : () -> ()
    %add3A_34 = arith.constant 32 : i32
    %add3A_35 = arith.addi %add3A_34, %add3A : i32
    "tpu.region"() ({
      %run_scoped3A_36 = tpu.sem_alloc : memref<!tpu.dma_semaphore, #tpu.memory_space<semaphore_mem>>
      %dma_start3A = arith.constant 0 : i32
      %dma_start3A_37 = tpu.memref_slice %arg5[%add3A_35, %dma_start3A] : memref<64x10000xf32, #tpu.memory_space<hbm>> -> memref<1x10000xf32, #tpu.memory_space<hbm>>
      %dma_start3A_38 = tpu.memref_squeeze %dma_start3A_37 : memref<1x10000xf32, #tpu.memory_space<hbm>> -> memref<10000xf32, #tpu.memory_space<hbm>>
      %dma_start3A_39 = arith.constant 0 : i32
      %dma_start3A_40 = tpu.memref_slice %arg5[%add3A_35, %dma_start3A_39] : memref<64x10000xf32, #tpu.memory_space<hbm>> -> memref<1x10000xf32, #tpu.memory_space<hbm>>
      %dma_start3A_41 = tpu.memref_squeeze %dma_start3A_40 : memref<1x10000xf32, #tpu.memory_space<hbm>> -> memref<10000xf32, #tpu.memory_space<hbm>>
      tpu.enqueue_dma source(%arg15 : memref<10000xf32, #tpu.memory_space<vmem>>) target(%dma_start3A_41 : memref<10000xf32, #tpu.memory_space<hbm>>) target_semaphore(%run_scoped3A_36 : memref<!tpu.dma_semaphore, #tpu.memory_space<semaphore_mem>>)
      %dma_wait3A = arith.constant 0 : i32
      %dma_wait3A_42 = tpu.memref_slice %arg5[%add3A_35, %dma_wait3A] : memref<64x10000xf32, #tpu.memory_space<hbm>> -> memref<1x10000xf32, #tpu.memory_space<hbm>>
      %dma_wait3A_43 = tpu.memref_squeeze %dma_wait3A_42 : memref<1x10000xf32, #tpu.memory_space<hbm>> -> memref<10000xf32, #tpu.memory_space<hbm>>
      %dma_wait3A_44 = arith.constant 0 : i32
      %dma_wait3A_45 = tpu.memref_slice %arg5[%add3A_35, %dma_wait3A_44] : memref<64x10000xf32, #tpu.memory_space<hbm>> -> memref<1x10000xf32, #tpu.memory_space<hbm>>
      %dma_wait3A_46 = tpu.memref_squeeze %dma_wait3A_45 : memref<1x10000xf32, #tpu.memory_space<hbm>> -> memref<10000xf32, #tpu.memory_space<hbm>>
      tpu.wait_dma2 semaphore(%run_scoped3A_36 : memref<!tpu.dma_semaphore, #tpu.memory_space<semaphore_mem>>) src(%arg15 : memref<10000xf32, #tpu.memory_space<vmem>>) dst(%dma_wait3A_46 : memref<10000xf32, #tpu.memory_space<hbm>>)
      tpu.yield
    }) : () -> ()
    return
  }
}

module attributes {stable_mosaic.version = 14 : i64} {
  func.func @_mm_body(%arg0: memref<10000x128xf32, #tpu.memory_space<vmem>>, %arg1: memref<128x6xf32, #tpu.memory_space<vmem>>, %arg2: memref<6x10000xf32, #tpu.memory_space<vmem>>) attributes {dimension_semantics = [], scalar_prefetch = 0 : i64, scratch_operands = 0 : i64, tpu.core_type = #tpu.core_type<tc>} {
    %get3A = arith.constant 0 : index
    %get3A_0 = arith.constant 0 : index
    %get3A_1 = vector.load %arg1[%get3A, %get3A_0] : memref<128x6xf32, #tpu.memory_space<vmem>>, vector<128x6xf32>
    %get3A_2 = arith.constant 0 : index
    %get3A_3 = arith.constant 0 : index
    %get3A_4 = vector.load %arg0[%get3A_2, %get3A_3] : memref<10000x128xf32, #tpu.memory_space<vmem>>, vector<10000x128xf32>
    %dot_general3A = arith.constant dense<0.000000e+00> : vector<6x10000xf32>
    %dot_general3A_5 = tpu.matmul %get3A_1, %get3A_4, %dot_general3A {dimension_numbers = #tpu.dot_dimension_numbers<[0], [1], [1], [0], [0, 1, 1, 0], [], []>, transpose_lhs_hint = false} : vector<128x6xf32>, vector<10000x128xf32>, vector<6x10000xf32> -> vector<6x10000xf32>
    %swap3A = arith.constant 0 : index
    %swap3A_6 = arith.constant 0 : index
    %swap3A_7 = vector.load %arg2[%swap3A, %swap3A_6] : memref<6x10000xf32, #tpu.memory_space<vmem>>, vector<6x10000xf32>
    tpu.vector_store %arg2[%swap3A, %swap3A_6], %dot_general3A_5 {strides = array<i32>} : memref<6x10000xf32, #tpu.memory_space<vmem>>, vector<6x10000xf32>,
    return
  }
}

module attributes {stable_mosaic.version = 14 : i64} {
  func.func @_tables_body(%arg0: memref<6x10000xf32, #tpu.memory_space<vmem>>, %arg1: memref<3xf32, #tpu.memory_space<smem>>, %arg2: memref<32x10000xf32, #tpu.memory_space<vmem>>, %arg3: memref<4x10000xf32, #tpu.memory_space<vmem>>, %arg4: memref<3x10000xf32, #tpu.memory_space<vmem>>) attributes {dimension_semantics = [], scalar_prefetch = 0 : i64, scratch_operands = 0 : i64, tpu.core_type = #tpu.core_type<tc>} {
    %get3A = arith.constant 0 : index
    %get3A_0 = arith.constant 0 : index
    %get3A_1 = vector.load %arg0[%get3A, %get3A_0] : memref<6x10000xf32, #tpu.memory_space<vmem>>, vector<6x10000xf32>
    %get3A_2 = arith.constant 0 : index
    %get3A_3 = memref.load %arg1[%get3A_2] : memref<3xf32, #tpu.memory_space<smem>>
    %get3A_4 = arith.constant 1 : index
    %get3A_5 = memref.load %arg1[%get3A_4] : memref<3xf32, #tpu.memory_space<smem>>
    %get3A_6 = arith.constant 2 : index
    %get3A_7 = memref.load %arg1[%get3A_6] : memref<3xf32, #tpu.memory_space<smem>>
    %get3A_8 = arith.constant 0 : index
    %get3A_9 = arith.constant 0 : index
    %get3A_10 = vector.load %arg2[%get3A_8, %get3A_9] : memref<32x10000xf32, #tpu.memory_space<vmem>>, vector<32x10000xf32>
    %reduce_sum3A = arith.constant dense<0.000000e+00> : vector<10000xf32>
    %reduce_sum3A_11 = vector.multi_reduction <add>, %get3A_10, %reduce_sum3A [0] : vector<32x10000xf32> to vector<10000xf32>
    %broadcast_in_dim3A = vector.shape_cast %reduce_sum3A_11 : vector<10000xf32> to vector<1x10000xf32>
    %add3A = arith.constant 1.000000e+00 : f32
    %add3A_12 = vector.broadcast %add3A : f32 to vector<1x10000xf32>
    %add3A_13 = arith.addf %broadcast_in_dim3A, %add3A_12 : vector<1x10000xf32>
    %rsqrt3A = math.rsqrt %add3A_13 : vector<1x10000xf32>
    %slice3A = vector.extract_strided_slice %get3A_1 {offsets = [1, 0], sizes = [1, 10000], strides = [1, 1]} : vector<6x10000xf32> to vector<1x10000xf32>
    %slice3A_14 = vector.extract_strided_slice %get3A_1 {offsets = [0, 0], sizes = [1, 10000], strides = [1, 1]} : vector<6x10000xf32> to vector<1x10000xf32>
    %sub3A = arith.subf %slice3A, %slice3A_14 : vector<1x10000xf32>
    %add3A_15 = vector.broadcast %get3A_3 : f32 to vector<1x10000xf32>
    %add3A_16 = arith.addf %sub3A, %add3A_15 : vector<1x10000xf32>
    %slice3A_17 = vector.extract_strided_slice %get3A_1 {offsets = [3, 0], sizes = [1, 10000], strides = [1, 1]} : vector<6x10000xf32> to vector<1x10000xf32>
    %slice3A_18 = vector.extract_strided_slice %get3A_1 {offsets = [2, 0], sizes = [1, 10000], strides = [1, 1]} : vector<6x10000xf32> to vector<1x10000xf32>
    %sub3A_19 = arith.subf %slice3A_17, %slice3A_18 : vector<1x10000xf32>
    %slice3A_20 = vector.extract_strided_slice %get3A_1 {offsets = [4, 0], sizes = [1, 10000], strides = [1, 1]} : vector<6x10000xf32> to vector<1x10000xf32>
    %mul3A = arith.mulf %rsqrt3A, %slice3A_20 : vector<1x10000xf32>
    %slice3A_21 = vector.extract_strided_slice %get3A_1 {offsets = [5, 0], sizes = [1, 10000], strides = [1, 1]} : vector<6x10000xf32> to vector<1x10000xf32>
    %mul3A_22 = arith.mulf %rsqrt3A, %slice3A_21 : vector<1x10000xf32>
    %mul3A_23 = arith.mulf %rsqrt3A, %mul3A : vector<1x10000xf32>
    %add3A_24 = vector.broadcast %get3A_5 : f32 to vector<1x10000xf32>
    %add3A_25 = arith.addf %mul3A_23, %add3A_24 : vector<1x10000xf32>
    %mul3A_26 = arith.mulf %rsqrt3A, %mul3A_22 : vector<1x10000xf32>
    %add3A_27 = vector.broadcast %get3A_7 : f32 to vector<1x10000xf32>
    %add3A_28 = arith.addf %mul3A_26, %add3A_27 : vector<1x10000xf32>
    %concatenate3A = tpu.concatenate %add3A_16, %sub3A_19, %mul3A, %mul3A_22 in 0 : vector<1x10000xf32>, vector<1x10000xf32>, vector<1x10000xf32>, vector<1x10000xf32> -> vector<4x10000xf32>
    %swap3A = arith.constant 0 : index
    %swap3A_29 = arith.constant 0 : index
    %swap3A_30 = vector.load %arg3[%swap3A, %swap3A_29] : memref<4x10000xf32, #tpu.memory_space<vmem>>, vector<4x10000xf32>
    tpu.vector_store %arg3[%swap3A, %swap3A_29], %concatenate3A {strides = array<i32>} : memref<4x10000xf32, #tpu.memory_space<vmem>>, vector<4x10000xf32>,
    %concatenate3A_31 = tpu.concatenate %rsqrt3A, %add3A_25, %add3A_28 in 0 : vector<1x10000xf32>, vector<1x10000xf32>, vector<1x10000xf32> -> vector<3x10000xf32>
    %swap3A_32 = arith.constant 0 : index
    %swap3A_33 = arith.constant 0 : index
    %swap3A_34 = vector.load %arg4[%swap3A_32, %swap3A_33] : memref<3x10000xf32, #tpu.memory_space<vmem>>, vector<3x10000xf32>
    tpu.vector_store %arg4[%swap3A_32, %swap3A_33], %concatenate3A_31 {strides = array<i32>} : memref<3x10000xf32, #tpu.memory_space<vmem>>, vector<3x10000xf32>,
    return
  }
}

module attributes {stable_mosaic.version = 14 : i64} {
  func.func @_final_body(%arg0: memref<3x10000xf32, #tpu.memory_space<vmem>>, %arg1: memref<64x10000xf32, #tpu.memory_space<vmem>>, %arg2: memref<2x10000xf32, #tpu.memory_space<vmem>>) attributes {dimension_semantics = [], scalar_prefetch = 0 : i64, scratch_operands = 0 : i64, tpu.core_type = #tpu.core_type<tc>} {
    %get3A = arith.constant 0 : index
    %get3A_0 = arith.constant 0 : index
    %get3A_1 = vector.load %arg0[%get3A, %get3A_0] : memref<3x10000xf32, #tpu.memory_space<vmem>>, vector<1x10000xf32>
    %get3A_2 = arith.constant 1 : index
    %get3A_3 = arith.constant 0 : index
    %get3A_4 = vector.load %arg0[%get3A_2, %get3A_3] : memref<3x10000xf32, #tpu.memory_space<vmem>>, vector<1x10000xf32>
    %get3A_5 = arith.constant 2 : index
    %get3A_6 = arith.constant 0 : index
    %get3A_7 = vector.load %arg0[%get3A_5, %get3A_6] : memref<3x10000xf32, #tpu.memory_space<vmem>>, vector<1x10000xf32>
    %get3A_8 = arith.constant 0 : index
    %get3A_9 = arith.constant 0 : index
    %get3A_10 = vector.load %arg1[%get3A_8, %get3A_9] : memref<64x10000xf32, #tpu.memory_space<vmem>>, vector<32x10000xf32>
    %reduce_sum3A = arith.constant dense<0.000000e+00> : vector<10000xf32>
    %reduce_sum3A_11 = vector.multi_reduction <add>, %get3A_10, %reduce_sum3A [0] : vector<32x10000xf32> to vector<10000xf32>
    %broadcast_in_dim3A = vector.shape_cast %reduce_sum3A_11 : vector<10000xf32> to vector<1x10000xf32>
    %get3A_12 = arith.constant 32 : index
    %get3A_13 = arith.constant 0 : index
    %get3A_14 = vector.load %arg1[%get3A_12, %get3A_13] : memref<64x10000xf32, #tpu.memory_space<vmem>>, vector<32x10000xf32>
    %reduce_sum3A_15 = arith.constant dense<0.000000e+00> : vector<10000xf32>
    %reduce_sum3A_16 = vector.multi_reduction <add>, %get3A_14, %reduce_sum3A_15 [0] : vector<32x10000xf32> to vector<10000xf32>
    %broadcast_in_dim3A_17 = vector.shape_cast %reduce_sum3A_16 : vector<10000xf32> to vector<1x10000xf32>
    %mul3A = arith.mulf %get3A_1, %broadcast_in_dim3A : vector<1x10000xf32>
    %add3A = arith.addf %mul3A, %get3A_4 : vector<1x10000xf32>
    %mul3A_18 = arith.mulf %get3A_1, %broadcast_in_dim3A_17 : vector<1x10000xf32>
    %add3A_19 = arith.addf %mul3A_18, %get3A_7 : vector<1x10000xf32>
    %sub3A = arith.subf %add3A_19, %add3A : vector<1x10000xf32>
    %exp3A = math.exp %sub3A : vector<1x10000xf32>
    %add3A_20 = arith.constant 1.000000e+00 : f32
    %add3A_21 = vector.broadcast %add3A_20 : f32 to vector<1x10000xf32>
    %add3A_22 = arith.addf %add3A_21, %exp3A : vector<1x10000xf32>
    %div3A = arith.constant 1.000000e+00 : f32
    %div3A_23 = vector.broadcast %div3A : f32 to vector<1x10000xf32>
    %div3A_24 = arith.divf %div3A_23, %add3A_22 : vector<1x10000xf32>
    %mul3A_25 = arith.mulf %exp3A, %div3A_24 : vector<1x10000xf32>
    %concatenate3A = tpu.concatenate %div3A_24, %mul3A_25 in 0 : vector<1x10000xf32>, vector<1x10000xf32> -> vector<2x10000xf32>
    %swap3A = arith.constant 0 : index
    %swap3A_26 = arith.constant 0 : index
    %swap3A_27 = vector.load %arg2[%swap3A, %swap3A_26] : memref<2x10000xf32, #tpu.memory_space<vmem>>, vector<2x10000xf32>
    tpu.vector_store %arg2[%swap3A, %swap3A_26], %concatenate3A {strides = array<i32>} : memref<2x10000xf32, #tpu.memory_space<vmem>>, vector<2x10000xf32>,
    return
  }
}

</mosaic_0001>

<sc_bundles>
// kernel: kernel.10.cloned.1.call-start
scs
__scs_entry_jumppad:
0x0: {  	(pc) =	sbr.rel $0x88, $3  }
0x1: {  	(tag) =	ssettag $0x0;
	lr =	simm.s32 $0x1  }
0x2: {  	[smem:$0x3F9B] =	sst lr;
	_ =	strace $0xD0000000  }
0x3: {  	_ = 	snop  }
0x4: {  	_ = 	snop  }
0x5: {  	_ = 	snop  }
0x6: {  	_ = 	snop  }
0x7: {  	_ = 	snop  }
__scs_overlays_trampoline_lowered:
0x8: {  	[smem:$0x3FAA] =	sst s0  }
0x9: {  	[smem:$0x3FAB] =	sst s1  }
0xa: {  	[smem:$0x3FAC] =	sst s2  }
0xb: {  	[smem:$0x3FAD] =	sst s3  }
0xc: {  	[smem:$0x3FAE] =	sst s4  }
0xd: {  	[smem:$0x3FAF] =	sst s5  }
0xe: {  	[smem:$0x3FB0] =	sst s6  }
0xf: {  	[smem:$0x3FB1] =	sst s7  }
0x10: {  	[smem:$0x3FB2] =	sst s8  }
0x11: {  	[smem:$0x3FB3] =	sst s9;
	s0 =	simm.s32 @!p0 $0x0  }
0x12: {  	s1 =	sld [smem:$0x3F99];
	s0 =	simm.s32 @p0 $0x1  }
0x13: {  	[smem:$0x3FB4] =	sst s0;
	s0 =	simm.s32 @!p1 $0x0  }
0x14: {  	s2 =	sld [smem:$0x3F98];
	s0 =	simm.s32 @p1 $0x1  }
0x15: {  	[smem:$0x3FB5] =	sst s0;
	s0 =	simm.s32 @!p2 $0x0  }
0x16: {  	s3 =	sld [smem:$0x3FDB];
	s0 =	simm.s32 @p2 $0x1  }
0x17: {  	s4 =	simm.s32 $0x1BF5;
	[smem:$0x3FB7] =	sst s0  }
0x18: {  	s0 =	sld [smem:$0x3F9A];
	_ =	swait.ge [sflag:s4], $0x0  }
0x19: {  	s7 =	sld [smem:$0x3F9B]  }
0x1a: {  	s8 =	sadd.s32 $0xFFFFE003, lr  }
0x1b: {  	s9 =	sadd.s32 $0xFFFFFEF7, lr;
	s5 =	simm.s32 $0xFFFFFFFF;
	p2 =	slt.u32 s8, $0xFFFFF086  }
0x1c: {  	p1 =	slt.u32 s9, $0xF7A;
	s5 =	simm.s32 @!p2 $0x0  }
0x1d: {  	s5 =	simm.s32 @p1 $0x1;
	p0 =	seq.s32 s7, s2  }
0x1e: {  	s7 =	smul.u32 @!p0 $0xF7A, s2;
	p2 =	seq.s32 @!p0 s5, $0x0  }
0x1f: {  	s9 =	smul.u32 $0xF7A, s1;
	s8 =	simm.s32 @!p0 $0x1BF5;
	p2 =	por !p2, p0  }
0x20: {  	[sflag:s8] =	ssyncset.s32 @!p0 $0xFFFFF086;
	s6 =	sadd.s32 @!p0 s3, s7;
	s7 =	simm.s32 @!p0 $0x108  }
0x21: {  	s3 =	sadd.s32 s3, s9;
	s6 =	sadd.s32 @!p0 $0x88, s6;
	s7 =	simm.s32 @p2 $0x1082  }
0x22: {  	[simem:s7], [sflag:s8] =	dma.local @!p0 [hbm:s6], $0xF7A  }
0x23: {  	s9 =	sor.u32 $0xD0000000, s2;
	s6 =	simm.s32 $0x108;
	_ =	swait.ge @!p0 [sflag:s8], $0x0  }
0x24: {  	s3 =	sadd.s32 $0x88, s3;
	s6 =	simm.s32 @!p1 $0x1082;
	[sflag:s4] =	ssyncset.s32 $0xFFFFF086  }
0x25: {  	[simem:s6], [sflag:s4] =	dma.local [hbm:s3], $0xF7A  }
0x26: {  	[smem:$0x3F9B] =	sst s1;
	(tag) =	ssettag s2;
	_ =	strace s9  }
0x27: {  	s1 =	sld [smem:$0x3FAB]  }
0x28: {  	s2 =	sld [smem:$0x3FAC]  }
0x29: {  	s4 =	sld [smem:$0x3FAE]  }
0x2a: {  	p0 =	seq.s32 s5, $0x0;
	s5 =	sld [smem:$0x3FAF]  }
0x2b: {  	s6 =	sld [smem:$0x3FB0]  }
0x2c: {  	s7 =	sld [smem:$0x3FB1]  }
0x2d: {  	s3 =	simm.s32 $0x108;
	s8 =	sld [smem:$0x3FB2]  }
0x2e: {  	s3 =	simm.s32 @!p0 $0x1082;
	s9 =	sld [smem:$0x3FB3]  }
0x2f: {  	lr =	sadd.s32 s0, s3;
	s0 =	sld [smem:$0x3FAA]  }
0x30: {  	s3 =	sld [smem:$0x3FAD]  }
0x31: {  	[smem:$0x3FB6] =	sst s10  }
0x32: {  	s10 =	sld [smem:$0x3FB4];
	_ =	sdelay $0x3  }
0x33: {  	p0 =	seq.s32 s10, $0x1;
	s10 =	sld [smem:$0x3FB6];
	_ =	sdelay $0x3  }
0x34: {  	[smem:$0x3FB6] =	sst s10  }
0x35: {  	s10 =	sld [smem:$0x3FB5];
	_ =	sdelay $0x3  }
0x36: {  	p1 =	seq.s32 s10, $0x1;
	s10 =	sld [smem:$0x3FB6];
	_ =	sdelay $0x3  }
0x37: {  	[smem:$0x3FB6] =	sst s10  }
0x38: {  	s10 =	sld [smem:$0x3FB7]  }
0x39: {  	_ = 	snop;
	(pc) =	sbr.ind lr, $3  }
0x3a: {  	_ = 	snop  }
0x3b: {  	_ = 	snop  }
0x3c: {  	p2 =	seq.s32 s10, $0x1;
	s10 =	sld [smem:$0x3FB6]  }
0x3d: {  	_ =	shalt  }
0x3e: {  	_ =	shalt  }
0x3f: {  	_ =	shalt  }
0x40: {  	_ =	shalt  }
0x41: {  	_ =	shalt  }
0x42: {  	_ =	shalt  }
0x43: {  	_ =	shalt  }
0x44: {  	_ =	shalt  }
0x45: {  	_ =	shalt  }
0x46: {  	_ =	shalt  }
0x47: {  	_ =	shalt  }
0x48: {  	_ =	shalt  }
0x49: {  	_ =	shalt  }
0x4a: {  	_ =	shalt  }
0x4b: {  	_ =	shalt  }
0x4c: {  	_ =	shalt  }
0x4d: {  	_ =	shalt  }
0x4e: {  	_ =	shalt  }
0x4f: {  	_ =	shalt  }
0x50: {  	_ =	shalt  }
0x51: {  	_ =	shalt  }
0x52: {  	_ =	shalt  }
0x53: {  	_ =	shalt  }
0x54: {  	_ =	shalt  }
0x55: {  	_ =	shalt  }
0x56: {  	_ =	shalt  }
0x57: {  	_ =	shalt  }
0x58: {  	_ =	shalt  }
0x59: {  	_ =	shalt  }
0x5a: {  	_ =	shalt  }
0x5b: {  	_ =	shalt  }
0x5c: {  	_ =	shalt  }
0x5d: {  	_ =	shalt  }
0x5e: {  	_ =	shalt  }
0x5f: {  	_ =	shalt  }
0x60: {  	_ =	shalt  }
0x61: {  	_ =	shalt  }
0x62: {  	_ =	shalt  }
0x63: {  	_ =	shalt  }
0x64: {  	_ =	shalt  }
0x65: {  	_ =	shalt  }
0x66: {  	_ =	shalt  }
0x67: {  	_ =	shalt  }
0x68: {  	_ =	shalt  }
0x69: {  	_ =	shalt  }
0x6a: {  	_ =	shalt  }
0x6b: {  	_ =	shalt  }
0x6c: {  	_ =	shalt  }
0x6d: {  	_ =	shalt  }
0x6e: {  	_ =	shalt  }
0x6f: {  	_ =	shalt  }
0x70: {  	_ =	shalt  }
0x71: {  	_ =	shalt  }
0x72: {  	_ =	shalt  }
0x73: {  	_ =	shalt  }
0x74: {  	_ =	shalt  }
0x75: {  	_ =	shalt  }
0x76: {  	_ =	shalt  }
0x77: {  	_ =	shalt  }
0x78: {  	_ =	shalt  }
0x79: {  	_ =	shalt  }
0x7a: {  	_ =	shalt  }
0x7b: {  	_ =	shalt  }
0x7c: {  	_ =	shalt  }
0x7d: {  	_ =	shalt  }
0x7e: {  	_ =	shalt  }
0x7f: {  	_ =	shalt  }
0x80: {  	_ =	shalt  }
0x81: {  	_ =	shalt  }
0x82: {  	_ =	shalt  }
0x83: {  	_ =	shalt  }
0x84: {  	_ =	shalt  }
0x85: {  	_ =	shalt  }
0x86: {  	_ =	shalt  }
0x87: {  	_ =	shalt  }
.Lfunc_end0:
.L_simem_size_0:
called_computation.1_lowered:
.L_overlay_start_0:
0x88: {  	s2 =	sld [smem:$0x3FD9]  }
0x89: {  	s3 =	sld [smem:$0x3FFE];
	_ =	sdelay $0x1  }
0x8a: {  	s1 =	srdreg.scid  }
0x8b: {  	s0 =	sand.u32 $0x1, s1  }
0x8c: {  	s14 =	sshll.u32 s0, $0xA;
	s2 =	sadd.s32 s3, s2  }
0x8d: {  	s2 =	sadd.s32 s2, s14  }
0x8e: {  	[smem:$0x3FC2] =	sst s2  }
0x8f: {  	_ = 	snop  }
0x90: {  	s2 =	sld [smem:$0x3FD0];
	_ =	sdelay $0x2  }
0x91: {  	s4 =	simm.s32 $0xA;
	s5 =	simm.s32 $0x10;
	s15 =	sld [smem:$0x3FC8]  }
0x92: {  	[smem:s5], [sflag:s4] =	dma.local [hbm:s2], $0x1  }
0x93: {  	_ =	swait.eq [sflag:s4], $0x1  }
0x94: {  	[sflag:s4] =	ssyncset.done $0x0  }
0x95: {  	[sflag:s4] =	ssyncadd.s32 $0xFFFFFFFF  }
0x96: {  	s16 =	sld [smem:$0x10];
	(tm) =	ssettm $0x1  }
0x97: {  	s17 =	sld [smem:$0x3FFB];
	_ =	sdelay $0x3  }
0x98: {  	_ =	strace s17  }
0x99: {  	s4 =	sld [smem:$0x3FFC];
	_ =	sdelay $0x3  }
0x9a: {  	_ =	strace s4  }
0x9b: {  	s4 =	sld [smem:$0x3FFD];
	_ =	sdelay $0x3  }
0x9c: {  	_ =	strace s4  }
0x9d: {  	_ =	strace $0x8FFFFFFF  }
0x9e: {  	s18 =	sld [smem:$0x3FDB];
	_ =	sdelay $0x1  }
0x9f: {  	s19 =	simm.s32 $_scs_section_size  }
0xa0: {  	s6 =	simm.s32 $_size__tile_overlayer_lowered;
	s7 =	simm.s32 $_tile_overlayer_lowered  }
0xa1: {  	s22 =	simm.s32 $0x1BFF;
	s21 =	sshll.u32 s7, $0x1;
	s4 =	sadd.s32 s19, s18  }
0xa2: {  	s8 =	simm.s32 $0x0;
	s20 =	sshll.u32 s6, $0x1;
	s6 =	sadd.s32 s21, s4  }
0xa3: {  	[timem:s8], [sflag:s22] =	dma.local [hbm:s6], s20  }
0xa4: {  	_ =	swait.ge [sflag:s22], s20  }
0xa5: {  	s5 =	ssub.s32 $0x0, s20;
	[sflag:s22] =	ssyncset.done $0x0  }
0xa6: {  	[sflag:s22] =	ssyncadd.s32 s5;
	_ =	sdelay $0x1  }
0xa7: {  	s23 =	simm.s32 $0x1B8B  }
0xa8: {  	_ =	swait.ge [sflag:s23], $0x1  }
0xa9: {  	[sflag:s23] =	ssyncset.done $0x0  }
0xaa: {  	s25 =	simm.s32 $0x1B8E;
	s24 =	sld [smem:$0x3FFE];
	[sflag:s23] =	ssyncadd.s32 $0xFFFFFFFF  }
0xab: {  	s26 =	simm.s32 $execute0_lowered;
	[smem:$0x3FD2] =	sst s25  }
0xac: {  	s6 =	sshll.u32 s26, $0x1;
	_ =	strace $0x80000049;
	[dreg:$0x1] =	wrdreg $0xFFFFFFFF  }
0xad: {  	s28 =	simm.s32 $_size_execute0_lowered;
	s4 =	sadd.s32 s4, s6;
	[dreg:$0x0] =	wrdreg $0x0  }
0xae: {  	s6 =	sshll.u32 s28, $0x1;
	[dreg:$0x2] =	wrdreg s4  }
0xaf: {  	[dreg:$0x3] =	wrdreg s6  }
0xb0: {  	[dreg:$0x4] =	wrdreg $0xC0  }
0xb1: {  	_ =	task [dreg:s8], $0x5FFFF  }
0xb2: {  	[dreg:$0x1] =	wrdreg $0xFFFFFFFF  }
0xb3: {  	[dreg:$0x0] =	wrdreg $0x60  }
0xb4: {  	[dreg:$0x2] =	wrdreg s15  }
0xb5: {  	[dreg:$0x3] =	wrdreg s24  }
0xb6: {  	[dreg:$0x4] =	wrdreg s16  }
0xb7: {  	[dreg:$0x5] =	wrdreg $0x9  }
0xb8: {  	_ =	task.clear_ibuf [dreg:s8], $0x6FFFF;
	_ =	strace $0x90000049  }
0xb9: {  	s29 =	simm.s32 $0x9;
	_ =	strace $0x8000004B  }
0xba: {  	_ =	swait.ge [sflag:s29], $0x1  }
0xbb: {  	[sflag:s29] =	ssyncadd.s32 $0xFFFFFFFF  }
0xbc: {  	_ =	strace $0x9000004B  }
0xbd: {  	_ =	sfence  }
0xbe: {  	s30 =	sld [smem:$0x0];
	_ =	sdelay $0x2  }
0xbf: {  	s31 =	sshll.u32 s1, $0xD;
	s1 =	sshrl.u32 s1, $0x2  }
0xc0: {  	s3 =	sand.u32 $0x4000, s31;
	s1 =	sadd.s32 s1, s30  }
0xc1: {  	s0 =	sor.u32 s3, s0;
	s1 =	sshll.u32 s1, $0x11  }
0xc2: {  	s0 =	sor.u32 s1, s0  }
0xc3: {  	s0 =	sadd.s32 $0x8F2B, s0  }
0xc4: {  	[sflag:s0] =	ssyncadd.remote.s32 $0x1  }
0xc5: {  	_ =	sfence.sel $0xFFFF  }
0xc6: {  	[dreg:$0x0] =	wrdreg $0xFFFFFFFF;
	(pc) =	sbr.abs _section_cstart, $3  }
0xc7: {  	[dreg:$0x1] =	wrdreg $0xFFFFFFFF  }
0xc8: {  	_ =	task.clear_ibuf [dreg:s8], $0x2FFFF;
	_ =	strace $0x9FFFFFFF  }
0xc9: {  	(tm) =	ssettm $0x7FFFFFFF  }
tec
execute0_lowered:
.L_overlay_start_1:
0x0: {  	(tag) =	ssettag $0x1  }
0x1: {  	s0 =	rddreg [dreg:$0x0]  }
0x2: {  	s2 =	rddreg [dreg:$0x1]  }
0x3: {  	s3 =	rddreg [dreg:$0x2];
	s1 =	simm.s32 $0x0  }
0x4: {  	s4 =	srdreg.scid;
	s14 =	stileid.u32;
	s15 =	simm.s32 $0x80  }
0x5: {  	s16 =	simm.s32 $0x200;
	s17 =	simm.s32 $0x4F00;
	s18 =	simm.s32 $0x7680  }
0x6: {  	s19 =	simm.s32 $0x9E00;
	s20 =	simm.s32 $0xC580;
	s21 =	simm.s32 $0x13C00  }
0x7: {  	s22 =	simm.s32 $0x16380;
	[smem:$0x7FF] =	sst s1;
	s4 =	sand.u32 $0x1, s4  }
0x8: {  	s6 =	sadd.s32 $0x2800, s2;
	s7 =	sshll.u32 s14, $0x1;
	s10 =	sadd.s32 $0x3C00, s2  }
0x9: {  	s26 =	sshrl.u32 s14, $0x2;
	p0 =	sgt.u32 s14, $0x1;
	s14 =	simm.s32 $0x1  }
0xa: {  	_ =	strace $0x8000004A;
	s5 =	ssub.s32 $0x2, s4;
	[dreg:$0x4] =	wrdreg s6  }
0xb: {  	s4 =	sor.u32 s4, s7;
	s8 =	smul.u32 $0x13C00, s26;
	s6 =	sadd.s32 $0x2810, s2  }
0xc: {  	s7 =	sadd.s32 $0x2820, s2;
	s26 =	simm.s32 $0x0;
	s25 =	sshrl.u32 s5, $0x1  }
0xd: {  	s9 =	smul.u32 $0x9C0, s4;
	s11 =	sshll.u32 s4, $0x5;
	s4 =	sshll.u32 s4, $0x7  }
0xe: {  	s5 =	ssub.s32 s5, s25;
	s28 =	sadd.s32 s11, s0;
	s30 =	sand.u32 $0x380, s4  }
0xf: {  	s25 =	simm.s32 $0x400;
	s0 =	sadd.s32 s0, s9;
	s29 =	sadd.s32 $0x13800, s28  }
.Ltmp0:
0x10: {  	s9 =	sadd.s32 s3, s9;
	s3 =	sadd.s32 s11, s3;
	(pc) =	sbr.rel .LBB2_1-.Ltmp0, $4  }
0x11: {  	s13 =	smax.u32 s5, $0x1;
	[dreg:$0x5] =	wrdreg s0;
	s0 =	sor.u32 s8, s30  }
0x12: {  	[dreg:$0x6] =	wrdreg s29;
	s8 =	sadd.s32 $0x2830, s2;
	s31 =	sadd.s32 $0x4F000, s0  }
0x13: {  	s3 =	sadd.s32 $0x13800, s3;
	s0 =	sshrl.u32 s0, $0x3;
	s2 =	sshrl.u32 s31, $0x3  }
0x14: {  	v0 =	vimm.f32 $0.0e+00;
	[dreg:$0x7] =	wrdreg s3;
	s11 =	sadd.s32 s10, s0;
	s12 =	sadd.s32 s10, s2  }
.LBB2_9:
0x15: {  	s0 =	simm.s32 $0xED00  }
0x16: {  	[hbm4b:s9+s1] =	stream.linear.scatter [tilespmem:s0], [sflag:$0x1], $0x4E00, $0x38;
	[tilespmem:$0x18B00] =	vst v63  }
0x17: {  	_ =	swait.ge [sflag:s14], $0x4E00  }
0x18: {  	[sflag:s14] =	ssyncset.done $0x0  }
0x19: {  	[sflag:s14] =	ssyncadd.s32 $0xFFFFB200  }
.LBB2_10:
0x1a: {  	[hbm4b:s11+s15] =	stream.strided.scatter [tilespmem:s21], [sflag:$0x1], $0x2780, s25, s15, $0x38;
	[tilespmem:$0x18B00] =	vst v63  }
0x1b: {  	s26 =	sadd.s32 $0x1, s26;
	_ =	swait.ge [sflag:s14], $0x2780  }
0x1c: {  	p1 =	sne.s32 s26, s13;
	[sflag:s14] =	ssyncset.done $0x0  }
.Ltmp1:
0x1d: {  	[sflag:s14] =	ssyncadd.s32 $0xFFFFD880;
	(pc) =	sbr.rel @!p1 .LBB2_11-.Ltmp1, $4  }
0x1e: {  	[hbm4b:s12+s15] =	stream.strided.scatter [tilespmem:s22], [sflag:$0x1], $0x2780, s25, s15, $0x38;
	[tilespmem:$0x18B00] =	vst v63  }
0x1f: {  	_ =	swait.ge [sflag:s14], $0x2780  }
0x20: {  	[sflag:s14] =	ssyncset.done $0x0  }
0x21: {  	[sflag:s14] =	ssyncadd.s32 $0xFFFFD880  }
.LBB2_1:
0x22: {  	s0 =	rddreg [dreg:$0x5]  }
0x23: {  	[tilespmem:s1], [sflag:$0x1] =	stream.linear.gather [hbm4b:s0+s1], $0x4E00, $0x38;
	[tilespmem:$0x18B00] =	vst v63  }
0x24: {  	_ =	swait.ge [sflag:s14], $0x4E00  }
0x25: {  	s2 =	simm.s32 @!p0 $0x4E00;
	[sflag:s14] =	ssyncset.done $0x0  }
0x26: {  	s0 =	simm.s32 @!p0 $0x0;
	s3 =	rddreg [dreg:$0x6];
	[sflag:s14] =	ssyncadd.s32 $0xFFFFB200  }
0x27: {  	[tilespmem:s2], [sflag:$0x1] =	stream.linear.gather @!p0 [hbm4b:s3+s0], $0x100, $0x38;
	[tilespmem:$0x18B00] =	vst v63  }
0x28: {  	s0 =	simm.s32 @!p0 $0x1  }
0x29: {  	_ =	swait.ge @!p0 [sflag:s0], $0x100  }
0x2a: {  	[sflag:s0] =	ssyncset.done @!p0 $0x0  }
0x2b: {  	s31 =	rddreg [dreg:$0x4];
	[sflag:s0] =	ssyncadd.s32 @!p0 $0xFFFFFF00  }
0x2c: {  	[tilespmem:s17], [sflag:$0x1] =	stream.strided.gather [hbm4b:s31+s15], $0x2780, s16, s15, $0x38;
	[tilespmem:$0x18B00] =	vst v63  }
0x2d: {  	_ =	swait.ge [sflag:s14], $0x2780  }
0x2e: {  	[sflag:s14] =	ssyncset.done $0x0  }
0x2f: {  	[sflag:s14] =	ssyncadd.s32 $0xFFFFD880  }
0x30: {  	[tilespmem:s18], [sflag:$0x1] =	stream.strided.gather [hbm4b:s6+s15], $0x2780, s16, s15, $0x38;
	[tilespmem:$0x18B00] =	vst v63  }
0x31: {  	_ =	swait.ge [sflag:s14], $0x2780  }
0x32: {  	[sflag:s14] =	ssyncset.done $0x0  }
0x33: {  	[sflag:s14] =	ssyncadd.s32 $0xFFFFD880  }
0x34: {  	[tilespmem:s19], [sflag:$0x1] =	stream.strided.gather [hbm4b:s7+s15], $0x2780, s16, s15, $0x38;
	[tilespmem:$0x18B00] =	vst v63  }
0x35: {  	_ =	swait.ge [sflag:s14], $0x2780  }
0x36: {  	[sflag:s14] =	ssyncset.done $0x0  }
0x37: {  	[sflag:s14] =	ssyncadd.s32 $0xFFFFD880  }
0x38: {  	[tilespmem:s20], [sflag:$0x1] =	stream.strided.gather [hbm4b:s8+s15], $0x2780, s16, s15, $0x38;
	[tilespmem:$0x18B00] =	vst v63  }
0x39: {  	_ =	swait.ge [sflag:s14], $0x2780  }
0x3a: {  	[sflag:s14] =	ssyncset.done $0x0  }
0x3b: {  	s2 =	simm.s32 $0x0;
	s0 =	simm.s32 $0x40;
	[sflag:s14] =	ssyncadd.s32 $0xFFFFD880  }
.LBB2_2:
0x3c: {  	p1 =	sne.s32 s0, $0x9C00;
	[tilespmem:s2+$0x13C00] =	vst v0;
	s3 =	smov.u32 s0;
	s0 =	sadd.s32 $0x40, s0  }
.Ltmp2:
0x3d: {  	[tilespmem:s2+$0x16380] =	vst v0;
	(pc) =	sbr.rel @p1 .LBB2_2-.Ltmp2, $2  }
0x3e: {  	_ =	sdelay $0x2  }
0x3f: {  	s2 =	sshra.s32 s3, $0x2  }
0x40: {  	[tilespmem:s2+$0x13C00] =	vst v0  }
0x41: {  	[tilespmem:s2+$0x16380] =	vst v0;
	s28 =	simm.s32 $0x0  }
0x42: {  	v1 =	vld [tilespmem:s28+$0x0]  }
0x43: {  	v2 =	vld [tilespmem:s28+$0x80];
	_ =	sdelay $0x6  }
0x44: {  	v1 =	vld.idx.msk [tilespmem:v1+s17+$0x0], $0xffff  }
0x45: {  	v2 =	vld.idx.msk [tilespmem:v2+s18+$0x0], $0xffff;
	_ =	sdelay $0x4  }
0x46: {  	v1 =	vadd.f32 v2, v1;
	_ =	sdelay $0x1  }
0x47: {  	v1 =	vmul.f32 $1.442695020e+00, v1;
	_ =	sdelay $0x1  }
0x48: {  	(erf) = vpow2.f32 v1;
	_ =	sdelay $0x8  }
0x49: {  	v1 =	vpop (erf)  }
0x4a: {  	v2 =	vadd.f32 $1.000000000e+00, v1  }
0x4b: {  	s29 =	simm.s32 $0x100  }
0x4c: {  	v3 =	vld [tilespmem:s29+$0x80];
	(erf) = vrcp.f32 v2  }
0x4d: {  	v2 =	vld [tilespmem:s29+$0x0];
	_ =	sdelay $0x3  }
0x4e: {  	v4 =	vld [tilespmem:s28+$0x10]  }
0x4f: {  	v5 =	vld [tilespmem:s28+$0x90];
	_ =	sdelay $0x1  }
0x50: {  	v3 =	vld.idx.msk [tilespmem:v3+s18+$0x0], $0xffff  }
0x51: {  	v2 =	vld.idx.msk [tilespmem:v2+s17+$0x0], $0xffff;
	v6 =	vpop (erf)  }
0x52: {  	v1 =	vmul.f32 v6, v1  }
0x53: {  	[tilespmem:s28+$0xED00] =	vst v6  }
0x54: {  	[tilespmem:s28+$0xED80] =	vst v1  }
0x55: {  	v1 =	vld.idx.msk [tilespmem:v4+s17+$0x0], $0xffff  }
0x56: {  	v4 =	vld.idx.msk [tilespmem:v5+s18+$0x0], $0xffff;
	v2 =	vadd.f32 v3, v2;
	_ =	sdelay $0x1  }
0x57: {  	v2 =	vmul.f32 $1.442695020e+00, v2;
	_ =	sdelay $0x1  }
0x58: {  	(erf) = vpow2.f32 v2  }
0x59: {  	v1 =	vadd.f32 v4, v1;
	_ =	sdelay $0x1  }
0x5a: {  	v1 =	vmul.f32 $1.442695020e+00, v1;
	_ =	sdelay $0x1  }
0x5b: {  	(erf) = vpow2.f32 v1;
	_ =	sdelay $0x3  }
0x5c: {  	v1 =	vpop (erf)  }
0x5d: {  	v2 =	vadd.f32 $1.000000000e+00, v1  }
0x5e: {  	s30 =	simm.s32 $0x200  }
0x5f: {  	v4 =	vld [tilespmem:s30+$0x80];
	(erf) = vrcp.f32 v2  }
0x60: {  	v2 =	vld [tilespmem:s30+$0x0]  }
0x61: {  	v3 =	vpop (erf)  }
0x62: {  	v5 =	vadd.f32 $1.000000000e+00, v3;
	_ =	sdelay $0x1  }
0x63: {  	(erf) = vrcp.f32 v5;
	v5 =	vld [tilespmem:s29+$0x10]  }
0x64: {  	v6 =	vld [tilespmem:s29+$0x90];
	_ =	sdelay $0x1  }
0x65: {  	v4 =	vld.idx.msk [tilespmem:v4+s18+$0x0], $0xffff  }
0x66: {  	v2 =	vld.idx.msk [tilespmem:v2+s17+$0x0], $0xffff;
	v8 =	vpop (erf)  }
0x67: {  	v7 =	vld [tilespmem:s28+$0x20];
	v1 =	vmul.f32 v8, v1  }
0x68: {  	v9 =	vld [tilespmem:s28+$0xA0];
	[tilespmem:s29+$0xED00] =	vst v8  }
0x69: {  	[tilespmem:s29+$0xED80] =	vst v1  }
0x6a: {  	v1 =	vld.idx.msk [tilespmem:v5+s17+$0x0], $0xffff  }
0x6b: {  	v6 =	vld.idx.msk [tilespmem:v6+s18+$0x0], $0xffff;
	v2 =	vadd.f32 v4, v2;
	v5 =	vpop (erf)  }
0x6c: {  	v3 =	vmul.f32 v5, v3  }
0x6d: {  	[tilespmem:s28+$0xED10] =	vst v5;
	v2 =	vmul.f32 $1.442695020e+00, v2  }
0x6e: {  	[tilespmem:s28+$0xED90] =	vst v3  }
0x6f: {  	(erf) = vpow2.f32 v2;
	v3 =	vld.idx.msk [tilespmem:v7+s17+$0x0], $0xffff  }
0x70: {  	v4 =	vld.idx.msk [tilespmem:v9+s18+$0x0], $0xffff;
	v1 =	vadd.f32 v6, v1;
	_ =	sdelay $0x1  }
0x71: {  	v1 =	vmul.f32 $1.442695020e+00, v1;
	_ =	sdelay $0x1  }
0x72: {  	(erf) = vpow2.f32 v1  }
0x73: {  	v1 =	vadd.f32 v4, v3;
	_ =	sdelay $0x1  }
0x74: {  	v1 =	vmul.f32 $1.442695020e+00, v1  }
0x75: {  	v2 =	vpop (erf)  }
0x76: {  	(erf) = vpow2.f32 v1;
	v1 =	vadd.f32 $1.000000000e+00, v2;
	_ =	sdelay $0x1  }
0x77: {  	s31 =	simm.s32 $0x300;
	(erf) = vrcp.f32 v1  }
0x78: {  	v4 =	vld [tilespmem:s31+$0x80]  }
0x79: {  	v1 =	vld [tilespmem:s31+$0x0];
	v3 =	vpop (erf)  }
0x7a: {  	v5 =	vadd.f32 $1.000000000e+00, v3;
	_ =	sdelay $0x1  }
0x7b: {  	(erf) = vrcp.f32 v5;
	v5 =	vld [tilespmem:s30+$0x10]  }
0x7c: {  	v6 =	vld [tilespmem:s30+$0x90]  }
0x7d: {  	v7 =	vpop (erf)  }
0x7e: {  	v9 =	vld [tilespmem:s29+$0x20];
	v8 =	vadd.f32 $1.000000000e+00, v7  }
0x7f: {  	v4 =	vld.idx.msk [tilespmem:v4+s18+$0x0], $0xffff;
	v10 =	vpop (erf)  }
0x80: {  	v1 =	vld.idx.msk [tilespmem:v1+s17+$0x0], $0xffff;
	(erf) = vrcp.f32 v8;
	v2 =	vmul.f32 v10, v2  }
0x81: {  	[tilespmem:s30+$0xED00] =	vst v10;
	v8 =	vld [tilespmem:s29+$0xA0]  }
0x82: {  	[tilespmem:s30+$0xED80] =	vst v2  }
0x83: {  	v5 =	vld.idx.msk [tilespmem:v5+s17+$0x0], $0xffff  }
0x84: {  	v6 =	vld.idx.msk [tilespmem:v6+s18+$0x0], $0xffff;
	v10 =	vpop (erf)  }
0x85: {  	v2 =	vld [tilespmem:s28+$0x30];
	v1 =	vadd.f32 v4, v1;
	v3 =	vmul.f32 v10, v3  }
0x86: {  	v11 =	vld [tilespmem:s28+$0xB0];
	[tilespmem:s29+$0xED10] =	vst v10  }
0x87: {  	v1 =	vmul.f32 $1.442695020e+00, v1;
	[tilespmem:s29+$0xED90] =	vst v3  }
0x88: {  	v3 =	vld.idx.msk [tilespmem:v9+s17+$0x0], $0xffff  }
0x89: {  	(erf) = vpow2.f32 v1;
	v8 =	vld.idx.msk [tilespmem:v8+s18+$0x0], $0xffff;
	v1 =	vadd.f32 v6, v5;
	v4 =	vpop (erf)  }
0x8a: {  	v7 =	vmul.f32 v4, v7  }
0x8b: {  	[tilespmem:s28+$0xED20] =	vst v4;
	v1 =	vmul.f32 $1.442695020e+00, v1  }
0x8c: {  	[tilespmem:s28+$0xEDA0] =	vst v7  }
0x8d: {  	(erf) = vpow2.f32 v1;
	v2 =	vld.idx.msk [tilespmem:v2+s17+$0x0], $0xffff  }
0x8e: {  	v4 =	vld.idx.msk [tilespmem:v11+s18+$0x0], $0xffff;
	v1 =	vadd.f32 v8, v3;
	_ =	sdelay $0x1  }
0x8f: {  	v1 =	vmul.f32 $1.442695020e+00, v1;
	_ =	sdelay $0x1  }
0x90: {  	v3 =	vpop (erf);
	(erf) = vpow2.f32 v1  }
0x91: {  	v1 =	vadd.f32 v4, v2;
	v2 =	vadd.f32 $1.000000000e+00, v3;
	_ =	sdelay $0x1  }
0x92: {  	s0 =	simm.s32 $0x400;
	v1 =	vmul.f32 $1.442695020e+00, v1;
	(erf) = vrcp.f32 v2  }
0x93: {  	v2 =	vld [tilespmem:s0+$0x0];
	v4 =	vpop (erf)  }
0x94: {  	(erf) = vpow2.f32 v1;
	v1 =	vld [tilespmem:s0+$0x80];
	v5 =	vadd.f32 $1.000000000e+00, v4;
	_ =	sdelay $0x1  }
0x95: {  	(erf) = vrcp.f32 v5  }
0x96: {  	v5 =	vld [tilespmem:s31+$0x10]  }
0x97: {  	v6 =	vld [tilespmem:s31+$0x90];
	v7 =	vpop (erf)  }
0x98: {  	v8 =	vld [tilespmem:s30+$0x20];
	v9 =	vadd.f32 $1.000000000e+00, v7  }
0x99: {  	v11 =	vld [tilespmem:s30+$0xA0]  }
0x9a: {  	v2 =	vld.idx.msk [tilespmem:v2+s17+$0x0], $0xffff;
	v10 =	vpop (erf);
	(erf) = vrcp.f32 v9  }
0x9b: {  	v1 =	vld.idx.msk [tilespmem:v1+s18+$0x0], $0xffff;
	v3 =	vmul.f32 v10, v3  }
0x9c: {  	[tilespmem:s31+$0xED00] =	vst v10;
	v9 =	vpop (erf)  }
0x9d: {  	v10 =	vadd.f32 $1.000000000e+00, v9;
	[tilespmem:s31+$0xED80] =	vst v3;
	v3 =	vld [tilespmem:s29+$0x30]  }
0x9e: {  	v5 =	vld.idx.msk [tilespmem:v5+s17+$0x0], $0xffff;
	v12 =	vpop (erf)  }
0x9f: {  	v6 =	vld.idx.msk [tilespmem:v6+s18+$0x0], $0xffff;
	(erf) = vrcp.f32 v10;
	v4 =	vmul.f32 v12, v4  }
0xa0: {  	[tilespmem:s30+$0xED10] =	vst v12;
	v1 =	vadd.f32 v1, v2;
	v2 =	vld [tilespmem:s29+$0xB0]  }
0xa1: {  	[tilespmem:s30+$0xED90] =	vst v4  }
0xa2: {  	v1 =	vmul.f32 $1.442695020e+00, v1;
	v4 =	vld.idx.msk [tilespmem:v8+s17+$0x0], $0xffff  }
0xa3: {  	v11 =	vld.idx.msk [tilespmem:v11+s18+$0x0], $0xffff;
	v8 =	vpop (erf)  }
0xa4: {  	v10 =	vld [tilespmem:s28+$0x40];
	v5 =	vadd.f32 v6, v5;
	(erf) = vpow2.f32 v1;
	v7 =	vmul.f32 v8, v7  }
0xa5: {  	v1 =	vld [tilespmem:s28+$0xC0];
	[tilespmem:s29+$0xED20] =	vst v8  }
0xa6: {  	v5 =	vmul.f32 $1.442695020e+00, v5;
	[tilespmem:s29+$0xEDA0] =	vst v7  }
0xa7: {  	v3 =	vld.idx.msk [tilespmem:v3+s17+$0x0], $0xffff  }
0xa8: {  	(erf) = vpow2.f32 v5;
	v4 =	vadd.f32 v11, v4;
	v6 =	vpop (erf);
	v2 =	vld.idx.msk [tilespmem:v2+s18+$0x0], $0xffff  }
0xa9: {  	v7 =	vmul.f32 v6, v9  }
0xaa: {  	[tilespmem:s28+$0xED30] =	vst v6;
	v4 =	vmul.f32 $1.442695020e+00, v4  }
0xab: {  	[tilespmem:s28+$0xEDB0] =	vst v7  }
0xac: {  	(erf) = vpow2.f32 v4;
	v5 =	vld.idx.msk [tilespmem:v10+s17+$0x0], $0xffff  }
0xad: {  	v1 =	vld.idx.msk [tilespmem:v1+s18+$0x0], $0xffff;
	v6 =	vpop (erf);
	v2 =	vadd.f32 v2, v3  }
0xae: {  	v3 =	vadd.f32 $1.000000000e+00, v6  }
0xaf: {  	v2 =	vmul.f32 $1.442695020e+00, v2  }
0xb0: {  	s2 =	simm.s32 $0x500;
	(erf) = vrcp.f32 v3  }
0xb1: {  	v3 =	vld [tilespmem:s2+$0x0];
	v4 =	vpop (erf);
	(erf) = vpow2.f32 v2  }
0xb2: {  	v1 =	vadd.f32 v1, v5;
	v5 =	vadd.f32 $1.000000000e+00, v4  }
0xb3: {  	v2 =	vld [tilespmem:s2+$0x80]  }
0xb4: {  	v1 =	vmul.f32 $1.442695020e+00, v1;
	(erf) = vrcp.f32 v5  }
0xb5: {  	v7 =	vpop (erf)  }
0xb6: {  	v5 =	vld [tilespmem:s0+$0x10];
	(erf) = vpow2.f32 v1;
	v8 =	vadd.f32 $1.000000000e+00, v7  }
0xb7: {  	v1 =	vld [tilespmem:s0+$0x90]  }
0xb8: {  	v9 =	vld [tilespmem:s31+$0x20]  }
0xb9: {  	(erf) = vrcp.f32 v8;
	v3 =	vld.idx.msk [tilespmem:v3+s17+$0x0], $0xffff;
	v10 =	vpop (erf)  }
0xba: {  	v6 =	vmul.f32 v10, v6;
	v8 =	vpop (erf);
	[tilespmem:s0+$0xED00] =	vst v10;
	v10 =	vld [tilespmem:s31+$0xA0]  }
0xbb: {  	v2 =	vld.idx.msk [tilespmem:v2+s18+$0x0], $0xffff;
	v11 =	vadd.f32 $1.000000000e+00, v8  }
0xbc: {  	v13 =	vld [tilespmem:s30+$0xB0]  }
0xbd: {  	[tilespmem:s0+$0xED80] =	vst v6;
	v6 =	vld [tilespmem:s30+$0x30];
	v12 =	vpop (erf);
	(erf) = vrcp.f32 v11  }
0xbe: {  	v5 =	vld.idx.msk [tilespmem:v5+s17+$0x0], $0xffff;
	v4 =	vmul.f32 v12, v4  }
0xbf: {  	v1 =	vld.idx.msk [tilespmem:v1+s18+$0x0], $0xffff;
	[tilespmem:s31+$0xED10] =	vst v12;
	v11 =	vpop (erf)  }
0xc0: {  	v2 =	vadd.f32 v2, v3;
	v3 =	vld [tilespmem:s29+$0x40];
	[tilespmem:s31+$0xED90] =	vst v4;
	v14 =	vadd.f32 $1.000000000e+00, v11  }
0xc1: {  	v4 =	vld.idx.msk [tilespmem:v9+s17+$0x0], $0xffff  }
0xc2: {  	v2 =	vmul.f32 $1.442695020e+00, v2;
	v9 =	vpop (erf);
	(erf) = vrcp.f32 v14;
	v10 =	vld.idx.msk [tilespmem:v10+s18+$0x0], $0xffff  }
0xc3: {  	v12 =	vld [tilespmem:s29+$0xC0];
	v7 =	vmul.f32 v9, v7  }
0xc4: {  	[tilespmem:s30+$0xED20] =	vst v9;
	v1 =	vadd.f32 v1, v5;
	(erf) = vpow2.f32 v2  }
0xc5: {  	[tilespmem:s30+$0xEDA0] =	vst v7;
	v2 =	vld [tilespmem:s28+$0x50]  }
0xc6: {  	v1 =	vmul.f32 $1.442695020e+00, v1;
	v5 =	vld.idx.msk [tilespmem:v6+s17+$0x0], $0xffff;
	v6 =	vpop (erf)  }
0xc7: {  	v7 =	vld.idx.msk [tilespmem:v13+s18+$0x0], $0xffff;
	v8 =	vmul.f32 v6, v8;
	v4 =	vadd.f32 v10, v4  }
0xc8: {  	(erf) = vpow2.f32 v1;
	v1 =	vld [tilespmem:s28+$0xD0];
	[tilespmem:s29+$0xED30] =	vst v6  }
0xc9: {  	[tilespmem:s29+$0xEDB0] =	vst v8;
	v4 =	vmul.f32 $1.442695020e+00, v4  }
0xca: {  	v3 =	vld.idx.msk [tilespmem:v3+s17+$0x0], $0xffff  }
0xcb: {  	v8 =	vld.idx.msk [tilespmem:v12+s18+$0x0], $0xffff;
	v6 =	vpop (erf)  }
0xcc: {  	v9 =	vmul.f32 v6, v11  }
0xcd: {  	v5 =	vadd.f32 v7, v5;
	(erf) = vpow2.f32 v4;
	[tilespmem:s28+$0xED40] =	vst v6;
	v4 =	vpop (erf)  }
0xce: {  	v6 =	vadd.f32 $1.000000000e+00, v4;
	[tilespmem:s28+$0xEDC0] =	vst v9  }
0xcf: {  	v5 =	vmul.f32 $1.442695020e+00, v5;
	v2 =	vld.idx.msk [tilespmem:v2+s17+$0x0], $0xffff  }
0xd0: {  	s24 =	simm.s32 $0x600;
	v1 =	vld.idx.msk [tilespmem:v1+s18+$0x0], $0xffff;
	v3 =	vadd.f32 v8, v3;
	(erf) = vrcp.f32 v6  }
0xd1: {  	v6 =	vld [tilespmem:s24+$0x0];
	(erf) = vpow2.f32 v5  }
0xd2: {  	v7 =	vpop (erf);
	v5 =	vld [tilespmem:s24+$0x80];
	v3 =	vmul.f32 $1.442695020e+00, v3  }
0xd3: {  	v8 =	vadd.f32 $1.000000000e+00, v7;
	_ =	sdelay $0x1  }
0xd4: {  	(erf) = vrcp.f32 v8  }
0xd5: {  	(erf) = vpow2.f32 v3;
	v1 =	vadd.f32 v1, v2;
	v3 =	vpop (erf)  }
0xd6: {  	v8 =	vld [tilespmem:s2+$0x10];
	v2 =	vadd.f32 $1.000000000e+00, v3  }
0xd7: {  	v9 =	vld [tilespmem:s2+$0x90];
	v1 =	vmul.f32 $1.442695020e+00, v1  }
0xd8: {  	(erf) = vrcp.f32 v2;
	v2 =	vld.idx.msk [tilespmem:v6+s17+$0x0], $0xffff;
	v6 =	vpop (erf)  }
0xd9: {  	(erf) = vpow2.f32 v1;
	v1 =	vld.idx.msk [tilespmem:v5+s18+$0x0], $0xffff;
	v5 =	vpop (erf)  }
0xda: {  	v10 =	vld [tilespmem:s0+$0x20];
	v11 =	vadd.f32 $1.000000000e+00, v5  }
0xdb: {  	v4 =	vmul.f32 v6, v4;
	[tilespmem:s2+$0xED00] =	vst v6;
	v6 =	vld [tilespmem:s0+$0xA0]  }
0xdc: {  	v13 =	vld [tilespmem:s31+$0xB0]  }
0xdd: {  	v12 =	vpop (erf);
	[tilespmem:s2+$0xED80] =	vst v4;
	v4 =	vld [tilespmem:s31+$0x30]  }
0xde: {  	v8 =	vld.idx.msk [tilespmem:v8+s17+$0x0], $0xffff;
	(erf) = vrcp.f32 v11;
	v11 =	vpop (erf)  }
0xdf: {  	v7 =	vmul.f32 v12, v7;
	v9 =	vld.idx.msk [tilespmem:v9+s18+$0x0], $0xffff;
	v1 =	vadd.f32 v1, v2;
	v14 =	vadd.f32 $1.000000000e+00, v11  }
0xe0: {  	[tilespmem:s0+$0xED10] =	vst v12  }
0xe1: {  	v2 =	vld [tilespmem:s30+$0x40];
	[tilespmem:s0+$0xED90] =	vst v7;
	v1 =	vmul.f32 $1.442695020e+00, v1  }
0xe2: {  	v10 =	vld.idx.msk [tilespmem:v10+s17+$0x0], $0xffff;
	v12 =	vpop (erf);
	(erf) = vrcp.f32 v14  }
0xe3: {  	v3 =	vmul.f32 v12, v3;
	v6 =	vld.idx.msk [tilespmem:v6+s18+$0x0], $0xffff;
	(erf) = vpow2.f32 v1;
	v14 =	vpop (erf)  }
0xe4: {  	v7 =	vld [tilespmem:s30+$0xC0];
	[tilespmem:s31+$0xED20] =	vst v12;
	v8 =	vadd.f32 v9, v8;
	v1 =	vadd.f32 $1.000000000e+00, v14  }
0xe5: {  	[tilespmem:s31+$0xEDA0] =	vst v3;
	v3 =	vld [tilespmem:s29+$0x50]  }
0xe6: {  	v4 =	vld.idx.msk [tilespmem:v4+s17+$0x0], $0xffff;
	(erf) = vrcp.f32 v1;
	v1 =	vmul.f32 $1.442695020e+00, v8  }
0xe7: {  	v9 =	vld.idx.msk [tilespmem:v13+s18+$0x0], $0xffff  }
0xe8: {  	v12 =	vld [tilespmem:s29+$0xD0];
	v8 =	vpop (erf);
	(erf) = vpow2.f32 v1;
	v1 =	vadd.f32 v6, v10  }
0xe9: {  	v5 =	vmul.f32 v8, v5  }
0xea: {  	[tilespmem:s30+$0xED30] =	vst v8;
	v10 =	vld [tilespmem:s28+$0xE0];
	v1 =	vmul.f32 $1.442695020e+00, v1  }
0xeb: {  	[tilespmem:s30+$0xEDB0] =	vst v5;
	v5 =	vld [tilespmem:s28+$0x60];
	v6 =	vpop (erf)  }
0xec: {  	v2 =	vld.idx.msk [tilespmem:v2+s17+$0x0], $0xffff;
	v8 =	vmul.f32 v6, v11;
	v11 =	vpop (erf);
	(erf) = vpow2.f32 v1;
	v1 =	vadd.f32 v9, v4  }
0xed: {  	v7 =	vld.idx.msk [tilespmem:v7+s18+$0x0], $0xffff;
	[tilespmem:s29+$0xED40] =	vst v6;
	v4 =	vadd.f32 $1.000000000e+00, v11  }
0xee: {  	[tilespmem:s29+$0xEDC0] =	vst v8;
	v1 =	vmul.f32 $1.442695020e+00, v1  }
0xef: {  	v3 =	vld.idx.msk [tilespmem:v3+s17+$0x0], $0xffff;
	(erf) = vrcp.f32 v4;
	v6 =	vpop (erf)  }
0xf0: {  	s23 =	simm.s32 $0x700;
	v4 =	vld.idx.msk [tilespmem:v12+s18+$0x0], $0xffff;
	v8 =	vmul.f32 v6, v14;
	(erf) = vpow2.f32 v1  }
0xf1: {  	[tilespmem:s28+$0xED50] =	vst v6;
	v6 =	vld [tilespmem:s23+$0x80]  }
0xf2: {  	v9 =	vld [tilespmem:s23+$0x0];
	v2 =	vadd.f32 v7, v2;
	v1 =	vpop (erf);
	[tilespmem:s28+$0xEDD0] =	vst v8  }
0xf3: {  	v7 =	vadd.f32 $1.000000000e+00, v1;
	v5 =	vld.idx.msk [tilespmem:v5+s17+$0x0], $0xffff  }
0xf4: {  	v2 =	vmul.f32 $1.442695020e+00, v2;
	v8 =	vld.idx.msk [tilespmem:v10+s18+$0x0], $0xffff  }
0xf5: {  	v3 =	vadd.f32 v4, v3;
	(erf) = vrcp.f32 v7;
	v10 =	vpop (erf)  }
0xf6: {  	(erf) = vpow2.f32 v2;
	v4 =	vadd.f32 $1.000000000e+00, v10  }
0xf7: {  	v7 =	vld [tilespmem:s24+$0x10];
	v3 =	vmul.f32 $1.442695020e+00, v3  }
0xf8: {  	v2 =	vld [tilespmem:s24+$0x90];
	v13 =	vpop (erf);
	(erf) = vrcp.f32 v4  }
0xf9: {  	v4 =	vld.idx.msk [tilespmem:v6+s18+$0x0], $0xffff;
	v6 =	vmul.f32 v13, v11;
	v11 =	vpop (erf);
	(erf) = vpow2.f32 v3;
	v3 =	vadd.f32 v8, v5  }
0xfa: {  	v12 =	vld [tilespmem:s2+$0x20];
	v8 =	vadd.f32 $1.000000000e+00, v11  }
0xfb: {  	v9 =	vld.idx.msk [tilespmem:v9+s17+$0x0], $0xffff;
	v3 =	vmul.f32 $1.442695020e+00, v3  }
0xfc: {  	v5 =	vld [tilespmem:s2+$0xA0]  }
0xfd: {  	[tilespmem:s24+$0xED00] =	vst v13;
	v13 =	vld [tilespmem:s0+$0xB0]  }
0xfe: {  	[tilespmem:s24+$0xED80] =	vst v6;
	v6 =	vld [tilespmem:s0+$0x30];
	(erf) = vrcp.f32 v8;
	v8 =	vpop (erf)  }
0xff: {  	v7 =	vld.idx.msk [tilespmem:v7+s17+$0x0], $0xffff;
	(erf) = vpow2.f32 v3;
	v3 =	vpop (erf);
	v1 =	vmul.f32 v8, v1  }
0x100: {  	v4 =	vadd.f32 v4, v9;
	v2 =	vld.idx.msk [tilespmem:v2+s18+$0x0], $0xffff;
	[tilespmem:s2+$0xED10] =	vst v8;
	v14 =	vadd.f32 $1.000000000e+00, v3  }
0x101: {  	[tilespmem:s2+$0xED90] =	vst v1  }
0x102: {  	v4 =	vmul.f32 $1.442695020e+00, v4;
	v9 =	vld.idx.msk [tilespmem:v12+s17+$0x0], $0xffff;
	v12 =	vpop (erf)  }
0x103: {  	v8 =	vld [tilespmem:s31+$0x40];
	(erf) = vrcp.f32 v14;
	v10 =	vmul.f32 v12, v10  }
0x104: {  	v5 =	vld.idx.msk [tilespmem:v5+s18+$0x0], $0xffff;
	v14 =	vpop (erf)  }
0x105: {  	v1 =	vld [tilespmem:s31+$0xC0];
	(erf) = vpow2.f32 v4;
	[tilespmem:s0+$0xED20] =	vst v12;
	v2 =	vadd.f32 v2, v7;
	v4 =	vadd.f32 $1.000000000e+00, v14  }
0x106: {  	v7 =	vld [tilespmem:s30+$0x50];
	[tilespmem:s0+$0xEDA0] =	vst v10  }
0x107: {  	v2 =	vmul.f32 $1.442695020e+00, v2;
	v6 =	vld.idx.msk [tilespmem:v6+s17+$0x0], $0xffff;
	v10 =	vpop (erf);
	(erf) = vrcp.f32 v4  }
0x108: {  	v4 =	vld.idx.msk [tilespmem:v13+s18+$0x0], $0xffff;
	v11 =	vmul.f32 v10, v11;
	v13 =	vpop (erf)  }
0x109: {  	[tilespmem:s31+$0xED30] =	vst v10;
	v10 =	vld [tilespmem:s30+$0xD0];
	(erf) = vpow2.f32 v2;
	v2 =	vadd.f32 v5, v9;
	v15 =	vadd.f32 $1.000000000e+00, v13  }
0x10a: {  	v12 =	vld [tilespmem:s28+$0x70]  }
0x10b: {  	v5 =	vld [tilespmem:s29+$0x60];
	[tilespmem:s31+$0xEDB0] =	vst v11;
	v2 =	vmul.f32 $1.442695020e+00, v2;
	(erf) = vrcp.f32 v15  }
0x10c: {  	v8 =	vld.idx.msk [tilespmem:v8+s17+$0x0], $0xffff;
	v9 =	vpop (erf)  }
0x10d: {  	v11 =	vld.idx.msk [tilespmem:v1+s18+$0x0], $0xffff;
	v3 =	vmul.f32 v9, v3;
	(erf) = vpow2.f32 v2;
	v2 =	vadd.f32 v4, v6  }
0x10e: {  	v15 =	vld [tilespmem:s29+$0xE0];
	v16 =	vpop (erf);
	[tilespmem:s30+$0xED40] =	vst v9  }
0x10f: {  	v4 =	vld [tilespmem:s28+$0xF0];
	v6 =	vadd.f32 $1.000000000e+00, v16;
	[tilespmem:s30+$0xEDC0] =	vst v3;
	v2 =	vmul.f32 $1.442695020e+00, v2  }
0x110: {  	v3 =	vld.idx.msk [tilespmem:v7+s17+$0x0], $0xffff;
	v7 =	vpop (erf)  }
0x111: {  	s3 =	simm.s32 $0x800;
	(erf) = vrcp.f32 v6;
	v9 =	vld.idx.msk [tilespmem:v10+s18+$0x0], $0xffff;
	v6 =	vmul.f32 v7, v14  }
0x112: {  	v10 =	vld [tilespmem:s3+$0x0];
	[tilespmem:s29+$0xED50] =	vst v7  }
0x113: {  	(erf) = vpow2.f32 v2;
	v14 =	vld [tilespmem:s3+$0x80];
	v7 =	vadd.f32 v11, v8;
	v2 =	vpop (erf);
	[tilespmem:s29+$0xEDD0] =	vst v6  }
0x114: {  	v11 =	vadd.f32 $1.000000000e+00, v2;
	v17 =	vld.idx.msk [tilespmem:v5+s17+$0x0], $0xffff;
	v5 =	vpop (erf)  }
0x115: {  	v1 =	vld [tilespmem:s24+$0x20];
	v8 =	vmul.f32 v5, v13;
	v13 =	vmul.f32 $1.442695020e+00, v7  }
0x116: {  	v6 =	vld [tilespmem:s23+$0x10];
	(erf) = vrcp.f32 v11  }
0x117: {  	v15 =	vld.idx.msk [tilespmem:v15+s18+$0x0], $0xffff;
	[tilespmem:s28+$0xED60] =	vst v5;
	(erf) = vpow2.f32 v13  }
0x118: {  	v5 =	vld [tilespmem:s23+$0x90];
	v9 =	vadd.f32 v9, v3;
	v3 =	vpop (erf);
	[tilespmem:s28+$0xEDE0] =	vst v8  }
0x119: {  	v18 =	vadd.f32 $1.000000000e+00, v3;
	v7 =	vld.idx.msk [tilespmem:v12+s17+$0x0], $0xffff  }
0x11a: {  	v13 =	vmul.f32 $1.442695020e+00, v9;
	v9 =	vld.idx.msk [tilespmem:v4+s18+$0x0], $0xffff  }
0x11b: {  	v8 =	vld.idx.msk [tilespmem:v10+s17+$0x0], $0xffff;
	v11 =	vpop (erf);
	(erf) = vrcp.f32 v18  }
0x11c: {  	s10 =	simm.s32 $0x0;
	s4 =	simm.s32 $0x2400;
	v10 =	vld.idx.msk [tilespmem:v14+s18+$0x0], $0xffff;
	v12 =	vmul.f32 v11, v16;
	v4 =	vpop (erf);
	(erf) = vpow2.f32 v13;
	v13 =	vadd.f32 v15, v17  }
.LBB2_4:
0x11d: {  	p1 =	sne.s32 s4, $0x13400;
	[tilespmem:s23+$0xED00] =	vst v11;
	v11 =	vld [tilespmem:s24+$0xA0];
	v16 =	vadd.f32 $1.000000000e+00, v4;
	s5 =	smov.u32 s30;
	s30 =	smov.u32 s31  }
0x11e: {  	s31 =	smov.u32 s0;
	s0 =	smov.u32 s2;
	[tilespmem:s23+$0xED80] =	vst v12;
	v12 =	vld [tilespmem:s2+$0x30];
	v13 =	vmul.f32 $1.442695020e+00, v13;
	s2 =	smov.u32 s24  }
0x11f: {  	s24 =	smov.u32 s23;
	s23 =	smov.u32 s3;
	v6 =	vld.idx.msk [tilespmem:v6+s17+$0x0], $0xffff;
	v15 =	vpop (erf);
	(erf) = vrcp.f32 v16  }
0x120: {  	v7 =	vadd.f32 v9, v7;
	v5 =	vld.idx.msk [tilespmem:v5+s18+$0x0], $0xffff;
	v14 =	vpop (erf);
	(erf) = vpow2.f32 v13  }
0x121: {  	v2 =	vmul.f32 v15, v2;
	v9 =	vld [tilespmem:s0+$0xB0];
	v16 =	vadd.f32 $1.000000000e+00, v14  }
0x122: {  	v8 =	vadd.f32 v10, v8;
	v7 =	vmul.f32 $1.442695020e+00, v7;
	[tilespmem:s2+$0xED10] =	vst v15;
	v10 =	vld [tilespmem:s31+$0x40]  }
0x123: {  	[tilespmem:s2+$0xED90] =	vst v2;
	v2 =	vld [tilespmem:s31+$0xC0];
	(erf) = vrcp.f32 v16  }
0x124: {  	v8 =	vmul.f32 $1.442695020e+00, v8;
	v1 =	vld.idx.msk [tilespmem:v1+s17+$0x0], $0xffff;
	v13 =	vpop (erf);
	(erf) = vpow2.f32 v7  }
0x125: {  	v7 =	vld.idx.msk [tilespmem:v11+s18+$0x0], $0xffff;
	v3 =	vmul.f32 v13, v3;
	v11 =	vpop (erf)  }
0x126: {  	v5 =	vadd.f32 v5, v6;
	(erf) = vpow2.f32 v8;
	[tilespmem:s0+$0xED20] =	vst v13;
	v6 =	vadd.f32 $1.000000000e+00, v11;
	v8 =	vld [tilespmem:s29+$0x70]  }
0x127: {  	[tilespmem:s0+$0xEDA0] =	vst v3;
	v3 =	vld [tilespmem:s30+$0x50]  }
0x128: {  	v5 =	vmul.f32 $1.442695020e+00, v5;
	v12 =	vld.idx.msk [tilespmem:v12+s17+$0x0], $0xffff;
	v13 =	vpop (erf);
	(erf) = vrcp.f32 v6  }
0x129: {  	v6 =	vld.idx.msk [tilespmem:v9+s18+$0x0], $0xffff;
	v4 =	vmul.f32 v13, v4;
	v9 =	vpop (erf)  }
0x12a: {  	(erf) = vpow2.f32 v5;
	[tilespmem:s31+$0xED30] =	vst v13;
	v5 =	vld [tilespmem:s30+$0xD0];
	v13 =	vadd.f32 $1.000000000e+00, v9  }
0x12b: {  	v1 =	vadd.f32 v7, v1;
	[tilespmem:s31+$0xEDB0] =	vst v4;
	v4 =	vld [tilespmem:s5+$0x60]  }
0x12c: {  	v7 =	vld.idx.msk [tilespmem:v10+s17+$0x0], $0xffff;
	v10 =	vpop (erf);
	(erf) = vrcp.f32 v13  }
0x12d: {  	v1 =	vmul.f32 $1.442695020e+00, v1;
	v13 =	vld.idx.msk [tilespmem:v2+s18+$0x0], $0xffff;
	v15 =	vpop (erf)  }
0x12e: {  	v2 =	vmul.f32 v10, v14;
	v14 =	vld [tilespmem:s5+$0xE0];
	v16 =	vadd.f32 $1.000000000e+00, v15  }
0x12f: {  	v6 =	vadd.f32 v6, v12;
	v17 =	vpop (erf);
	(erf) = vpow2.f32 v1;
	[tilespmem:s30+$0xED40] =	vst v10;
	v10 =	vld [tilespmem:s29+$0xF0]  }
0x130: {  	v12 =	vadd.f32 $1.000000000e+00, v17;
	v1 =	vld [tilespmem:s24+$0x20];
	[tilespmem:s30+$0xEDC0] =	vst v2;
	(erf) = vrcp.f32 v16  }
0x131: {  	v6 =	vmul.f32 $1.442695020e+00, v6;
	v16 =	vld.idx.msk [tilespmem:v3+s17+$0x0], $0xffff;
	v3 =	vpop (erf)  }
0x132: {  	s3 =	sshra.s32 s4, $0x2;
	(erf) = vrcp.f32 v12;
	v12 =	vld.idx.msk [tilespmem:v5+s18+$0x0], $0xffff;
	v5 =	vmul.f32 v3, v11  }
0x133: {  	v11 =	vld [tilespmem:s3+$0x0];
	v2 =	vpop (erf);
	(erf) = vpow2.f32 v6;
	v6 =	vadd.f32 v13, v7;
	[tilespmem:s5+$0xED50] =	vst v3  }
0x134: {  	v13 =	vld [tilespmem:s3+$0x80];
	v3 =	vadd.f32 $1.000000000e+00, v2;
	[tilespmem:s5+$0xEDD0] =	vst v5  }
0x135: {  	v5 =	vmul.f32 $1.442695020e+00, v6;
	v18 =	vld.idx.msk [tilespmem:v4+s17+$0x0], $0xffff;
	v4 =	vpop (erf)  }
0x136: {  	(erf) = vrcp.f32 v3;
	v14 =	vld.idx.msk [tilespmem:v14+s18+$0x0], $0xffff;
	v7 =	vmul.f32 v4, v9  }
0x137: {  	v6 =	vld [tilespmem:s23+$0x10];
	(erf) = vpow2.f32 v5;
	[tilespmem:s29+$0xED60] =	vst v4  }
.Ltmp3:
0x138: {  	v4 =	vadd.f32 v12, v16;
	v5 =	vld [tilespmem:s23+$0x90];
	v3 =	vpop (erf);
	[tilespmem:s29+$0xEDE0] =	vst v7;
	(pc) =	sbr.rel @p1 .LBB2_4-.Ltmp3, $4  }
0x139: {  	v12 =	vadd.f32 $1.000000000e+00, v3;
	v7 =	vld.idx.msk [tilespmem:v8+s17+$0x0], $0xffff;
	v8 =	vpop (erf)  }
0x13a: {  	v16 =	vmul.f32 $1.442695020e+00, v4;
	v9 =	vld.idx.msk [tilespmem:v10+s18+$0x0], $0xffff;
	v15 =	vmul.f32 v8, v15;
	[tilespmem:s28+$0xED70] =	vst v8  }
0x13b: {  	v8 =	vld.idx.msk [tilespmem:v11+s17+$0x0], $0xffff;
	v11 =	vpop (erf);
	(erf) = vrcp.f32 v12  }
0x13c: {  	s4 =	sadd.s32 $0x400, s4;
	v10 =	vld.idx.msk [tilespmem:v13+s18+$0x0], $0xffff;
	v12 =	vmul.f32 v11, v17;
	v4 =	vpop (erf);
	(erf) = vpow2.f32 v16;
	v13 =	vadd.f32 v14, v18;
	[tilespmem:s28+$0xEDF0] =	vst v15;
	s28 =	smov.u32 s29;
	s29 =	smov.u32 s5  }
0x13d: {  	v14 =	vld [tilespmem:s24+$0xA0];
	_ =	sdelay $0x1  }
0x13e: {  	v15 =	vadd.f32 $1.000000000e+00, v4;
	[tilespmem:s23+$0xED00] =	vst v11  }
0x13f: {  	v55 =	vld [tilespmem:s2+$0x30];
	v54 =	vmul.f32 $1.442695020e+00, v13;
	[tilespmem:s23+$0xED80] =	vst v12;
	v56 =	vpop (erf)  }
0x140: {  	(erf) = vrcp.f32 v15;
	v6 =	vld.idx.msk [tilespmem:v6+s17+$0x0], $0xffff;
	v7 =	vadd.f32 v9, v7;
	v57 =	vpop (erf);
	v2 =	vmul.f32 v56, v2  }
0x141: {  	v5 =	vld.idx.msk [tilespmem:v5+s18+$0x0], $0xffff;
	(erf) = vpow2.f32 v54;
	[tilespmem:s24+$0xED10] =	vst v56;
	v58 =	vadd.f32 $1.000000000e+00, v57;
	v8 =	vadd.f32 v10, v8  }
0x142: {  	v59 =	vld [tilespmem:s2+$0xB0];
	v7 =	vmul.f32 $1.442695020e+00, v7;
	[tilespmem:s24+$0xED90] =	vst v2  }
0x143: {  	(erf) = vrcp.f32 v58;
	v2 =	vmul.f32 $1.442695020e+00, v8;
	v1 =	vld.idx.msk [tilespmem:v1+s17+$0x0], $0xffff  }
0x144: {  	v61 =	vpop (erf);
	(erf) = vpow2.f32 v7;
	v62 =	vld.idx.msk [tilespmem:v14+s18+$0x0], $0xffff  }
0x145: {  	v60 =	vld [tilespmem:s0+$0x40];
	v63 =	vpop (erf);
	(erf) = vpow2.f32 v2  }
0x146: {  	v5 =	vadd.f32 v5, v6;
	v2 =	vld [tilespmem:s0+$0xC0]  }
0x147: {  	v3 =	vmul.f32 v61, v3;
	v19 =	vadd.f32 $1.000000000e+00, v63  }
0x148: {  	v24 =	vld [tilespmem:s31+$0xD0];
	[tilespmem:s2+$0xED20] =	vst v61;
	v5 =	vmul.f32 $1.442695020e+00, v5  }
0x149: {  	[tilespmem:s2+$0xEDA0] =	vst v3;
	v3 =	vld [tilespmem:s31+$0x50];
	(erf) = vrcp.f32 v19;
	v21 =	vpop (erf);
	v1 =	vadd.f32 v62, v1  }
0x14a: {  	v20 =	vld.idx.msk [tilespmem:v55+s17+$0x0], $0xffff;
	v22 =	vmul.f32 v21, v4;
	v23 =	vpop (erf);
	(erf) = vpow2.f32 v5  }
0x14b: {  	v25 =	vld.idx.msk [tilespmem:v59+s18+$0x0], $0xffff;
	[tilespmem:s0+$0xED30] =	vst v21;
	v26 =	vadd.f32 $1.000000000e+00, v23  }
0x14c: {  	v27 =	vld [tilespmem:s30+$0x60];
	[tilespmem:s0+$0xEDB0] =	vst v22;
	v28 =	vpop (erf);
	v29 =	vmul.f32 $1.442695020e+00, v1  }
0x14d: {  	v11 =	vld.idx.msk [tilespmem:v60+s17+$0x0], $0xffff;
	(erf) = vrcp.f32 v26;
	v1 =	vpop (erf)  }
0x14e: {  	v2 =	vld.idx.msk [tilespmem:v2+s18+$0x0], $0xffff;
	v30 =	vmul.f32 v28, v57;
	(erf) = vpow2.f32 v29;
	v31 =	vadd.f32 $1.000000000e+00, v1;
	v32 =	vpop (erf)  }
0x14f: {  	v33 =	vld [tilespmem:s29+$0x70];
	[tilespmem:s31+$0xED40] =	vst v28;
	v34 =	vadd.f32 $1.000000000e+00, v32  }
0x150: {  	v16 =	vld [tilespmem:s30+$0xE0];
	v6 =	vadd.f32 v25, v20;
	[tilespmem:s31+$0xEDC0] =	vst v30;
	(erf) = vrcp.f32 v31  }
0x151: {  	v3 =	vld.idx.msk [tilespmem:v3+s17+$0x0], $0xffff;
	(erf) = vrcp.f32 v34  }
0x152: {  	v6 =	vmul.f32 $1.442695020e+00, v6;
	v5 =	vld.idx.msk [tilespmem:v24+s18+$0x0], $0xffff;
	v35 =	vpop (erf)  }
0x153: {  	v37 =	vld [tilespmem:s29+$0xF0];
	v38 =	vpop (erf);
	v2 =	vadd.f32 v2, v11  }
0x154: {  	v36 =	vmul.f32 v35, v63;
	(erf) = vpow2.f32 v6;
	v39 =	vadd.f32 $1.000000000e+00, v38  }
0x155: {  	v41 =	vld [tilespmem:s3+$0x10];
	[tilespmem:s30+$0xED50] =	vst v35;
	v2 =	vmul.f32 $1.442695020e+00, v2  }
0x156: {  	v43 =	vld [tilespmem:s3+$0x90];
	[tilespmem:s30+$0xEDD0] =	vst v36;
	v40 =	vpop (erf);
	(erf) = vrcp.f32 v39  }
0x157: {  	v4 =	vld.idx.msk [tilespmem:v27+s17+$0x0], $0xffff;
	v3 =	vadd.f32 v5, v3;
	v42 =	vmul.f32 v40, v23;
	(erf) = vpow2.f32 v2;
	v44 =	vpop (erf)  }
0x158: {  	v45 =	vld.idx.msk [tilespmem:v16+s18+$0x0], $0xffff;
	[tilespmem:s29+$0xED60] =	vst v40;
	v46 =	vadd.f32 $1.000000000e+00, v44  }
0x159: {  	v47 =	vld [tilespmem:s23+$0x20];
	v3 =	vmul.f32 $1.442695020e+00, v3;
	[tilespmem:s29+$0xEDE0] =	vst v42;
	v2 =	vpop (erf)  }
0x15a: {  	v8 =	vld.idx.msk [tilespmem:v33+s17+$0x0], $0xffff;
	(erf) = vrcp.f32 v46;
	v48 =	vpop (erf)  }
0x15b: {  	v49 =	vld.idx.msk [tilespmem:v37+s18+$0x0], $0xffff;
	(erf) = vpow2.f32 v3;
	v50 =	vmul.f32 v48, v32  }
0x15c: {  	v3 =	vld [tilespmem:s23+$0xA0];
	[tilespmem:s3+$0xED00] =	vst v48  }
0x15d: {  	v52 =	vld [tilespmem:s24+$0x30];
	v4 =	vadd.f32 v45, v4;
	v51 =	vpop (erf);
	[tilespmem:s3+$0xED80] =	vst v50  }
0x15e: {  	v53 =	vadd.f32 $1.000000000e+00, v51;
	v6 =	vld.idx.msk [tilespmem:v41+s17+$0x0], $0xffff  }
0x15f: {  	v4 =	vmul.f32 $1.442695020e+00, v4;
	v54 =	vpop (erf);
	v11 =	vld.idx.msk [tilespmem:v43+s18+$0x0], $0xffff  }
0x160: {  	v56 =	vld [tilespmem:s24+$0xB0];
	v7 =	vadd.f32 v49, v8;
	(erf) = vrcp.f32 v53;
	v55 =	vpop (erf);
	v57 =	vmul.f32 v54, v38  }
0x161: {  	[tilespmem:s23+$0xED10] =	vst v54;
	(erf) = vpow2.f32 v4;
	v58 =	vadd.f32 $1.000000000e+00, v55  }
0x162: {  	v7 =	vmul.f32 $1.442695020e+00, v7;
	[tilespmem:s23+$0xED90] =	vst v57  }
0x163: {  	(erf) = vrcp.f32 v58;
	v61 =	vld.idx.msk [tilespmem:v47+s17+$0x0], $0xffff;
	v60 =	vpop (erf)  }
0x164: {  	(erf) = vpow2.f32 v7;
	v3 =	vld.idx.msk [tilespmem:v3+s18+$0x0], $0xffff;
	v62 =	vmul.f32 v60, v44;
	v63 =	vpop (erf);
	v6 =	vadd.f32 v11, v6  }
0x165: {  	v59 =	vld [tilespmem:s2+$0x40];
	[tilespmem:s24+$0xED20] =	vst v60;
	v19 =	vadd.f32 $1.000000000e+00, v63  }
0x166: {  	v20 =	vld [tilespmem:s2+$0xC0];
	[tilespmem:s24+$0xEDA0] =	vst v62;
	v6 =	vmul.f32 $1.442695020e+00, v6  }
0x167: {  	v5 =	vld.idx.msk [tilespmem:v52+s17+$0x0], $0xffff;
	(erf) = vrcp.f32 v19  }
0x168: {  	v21 =	vld.idx.msk [tilespmem:v56+s18+$0x0], $0xffff;
	(erf) = vpow2.f32 v6  }
0x169: {  	v22 =	vld [tilespmem:s0+$0x50];
	v23 =	vpop (erf);
	v3 =	vadd.f32 v3, v61  }
0x16a: {  	v25 =	vld [tilespmem:s0+$0xD0];
	v24 =	vpop (erf)  }
0x16b: {  	v26 =	vmul.f32 v23, v51;
	v27 =	vadd.f32 $1.000000000e+00, v24  }
0x16c: {  	v28 =	vld [tilespmem:s31+$0x60];
	[tilespmem:s2+$0xED30] =	vst v23;
	v17 =	vmul.f32 $1.442695020e+00, v3;
	v29 =	vpop (erf)  }
0x16d: {  	v30 =	vld [tilespmem:s31+$0xE0];
	[tilespmem:s2+$0xEDB0] =	vst v26;
	(erf) = vrcp.f32 v27;
	v3 =	vpop (erf);
	v4 =	vadd.f32 v21, v5  }
0x16e: {  	v31 =	vld.idx.msk [tilespmem:v59+s17+$0x0], $0xffff;
	v9 =	vmul.f32 v29, v55;
	v32 =	vadd.f32 $1.000000000e+00, v3;
	(erf) = vpow2.f32 v17  }
0x16f: {  	v11 =	vld.idx.msk [tilespmem:v20+s18+$0x0], $0xffff;
	[tilespmem:s0+$0xED40] =	vst v29;
	v4 =	vmul.f32 $1.442695020e+00, v4  }
0x170: {  	v33 =	vld [tilespmem:s30+$0x70];
	[tilespmem:s0+$0xEDC0] =	vst v9;
	(erf) = vrcp.f32 v32;
	v34 =	vpop (erf)  }
0x171: {  	v6 =	vld.idx.msk [tilespmem:v22+s17+$0x0], $0xffff;
	(erf) = vpow2.f32 v4;
	v12 =	vmul.f32 v34, v63;
	v35 =	vpop (erf)  }
0x172: {  	v36 =	vld.idx.msk [tilespmem:v25+s18+$0x0], $0xffff;
	[tilespmem:s31+$0xED50] =	vst v34;
	v37 =	vadd.f32 $1.000000000e+00, v35  }
0x173: {  	v38 =	vld [tilespmem:s30+$0xF0];
	[tilespmem:s31+$0xEDD0] =	vst v12  }
0x174: {  	v5 =	vadd.f32 v11, v31;
	v7 =	vld.idx.msk [tilespmem:v28+s17+$0x0], $0xffff;
	(erf) = vrcp.f32 v37  }
0x175: {  	v39 =	vld.idx.msk [tilespmem:v30+s18+$0x0], $0xffff  }
0x176: {  	v5 =	vmul.f32 $1.442695020e+00, v5;
	v40 =	vpop (erf)  }
0x177: {  	v6 =	vadd.f32 v36, v6;
	v41 =	vpop (erf)  }
0x178: {  	v8 =	vmul.f32 v40, v24;
	(erf) = vpow2.f32 v5;
	v42 =	vadd.f32 $1.000000000e+00, v41  }
0x179: {  	v43 =	vld [tilespmem:s3+$0x20];
	[tilespmem:s30+$0xED60] =	vst v40;
	v6 =	vmul.f32 $1.442695020e+00, v6;
	v4 =	vpop (erf)  }
0x17a: {  	v45 =	vld [tilespmem:s3+$0xA0];
	[tilespmem:s30+$0xEDE0] =	vst v8;
	(erf) = vrcp.f32 v42;
	v44 =	vpop (erf);
	v7 =	vadd.f32 v39, v7  }
0x17b: {  	v46 =	vld.idx.msk [tilespmem:v33+s17+$0x0], $0xffff;
	(erf) = vpow2.f32 v6;
	v47 =	vadd.f32 $1.000000000e+00, v44  }
0x17c: {  	v10 =	vld.idx.msk [tilespmem:v38+s18+$0x0], $0xffff;
	v7 =	vmul.f32 $1.442695020e+00, v7  }
0x17d: {  	(erf) = vrcp.f32 v47;
	v48 =	vpop (erf)  }
0x17e: {  	v49 =	vld [tilespmem:s23+$0x30];
	(erf) = vpow2.f32 v7;
	v50 =	vmul.f32 v48, v35  }
0x17f: {  	v52 =	vld [tilespmem:s24+$0x40];
	[tilespmem:s3+$0xED10] =	vst v48  }
0x180: {  	v51 =	vld [tilespmem:s23+$0xB0];
	[tilespmem:s3+$0xED90] =	vst v50  }
0x181: {  	v9 =	vadd.f32 v10, v46;
	v53 =	vpop (erf);
	v54 =	vld.idx.msk [tilespmem:v43+s17+$0x0], $0xffff  }
0x182: {  	v55 =	vadd.f32 $1.000000000e+00, v53;
	v8 =	vld.idx.msk [tilespmem:v45+s18+$0x0], $0xffff  }
0x183: {  	v56 =	vld [tilespmem:s24+$0xC0];
	v9 =	vmul.f32 $1.442695020e+00, v9;
	v57 =	vpop (erf)  }
0x184: {  	(erf) = vrcp.f32 v55;
	v58 =	vpop (erf)  }
0x185: {  	(erf) = vpow2.f32 v9;
	v59 =	vmul.f32 v57, v41;
	v60 =	vadd.f32 $1.000000000e+00, v58  }
0x186: {  	[tilespmem:s23+$0xED20] =	vst v57;
	v61 =	vpop (erf)  }
0x187: {  	v62 =	vld [tilespmem:s2+$0x50];
	[tilespmem:s23+$0xEDA0] =	vst v59;
	(erf) = vrcp.f32 v60;
	v5 =	vmul.f32 v61, v44;
	v63 =	vpop (erf);
	v8 =	vadd.f32 v8, v54  }
0x188: {  	v6 =	vld.idx.msk [tilespmem:v49+s17+$0x0], $0xffff;
	[tilespmem:s24+$0xED30] =	vst v61;
	v23 =	vadd.f32 $1.000000000e+00, v63  }
0x189: {  	v13 =	vld.idx.msk [tilespmem:v51+s18+$0x0], $0xffff;
	[tilespmem:s24+$0xEDB0] =	vst v5;
	v24 =	vmul.f32 $1.442695020e+00, v8  }
0x18a: {  	v25 =	vld.idx.msk [tilespmem:v52+s17+$0x0], $0xffff;
	(erf) = vrcp.f32 v23  }
0x18b: {  	v26 =	vld.idx.msk [tilespmem:v56+s18+$0x0], $0xffff;
	(erf) = vpow2.f32 v24  }
0x18c: {  	v27 =	vld [tilespmem:s2+$0xD0]  }
0x18d: {  	v28 =	vld [tilespmem:s0+$0x60];
	v29 =	vpop (erf)  }
0x18e: {  	v30 =	vld [tilespmem:s0+$0xE0];
	v6 =	vadd.f32 v13, v6;
	v5 =	vpop (erf)  }
0x18f: {  	v31 =	vld [tilespmem:s31+$0x70];
	v18 =	vadd.f32 $1.000000000e+00, v5  }
0x190: {  	v19 =	vld [tilespmem:s31+$0xF0];
	v7 =	vmul.f32 v29, v53;
	v6 =	vmul.f32 $1.442695020e+00, v6;
	v8 =	vadd.f32 v26, v25;
	v20 =	vpop (erf)  }
0x191: {  	[tilespmem:s2+$0xED40] =	vst v29;
	(erf) = vrcp.f32 v18;
	v32 =	vmul.f32 v20, v58  }
0x192: {  	[tilespmem:s2+$0xEDC0] =	vst v7;
	(erf) = vpow2.f32 v6;
	v33 =	vmul.f32 $1.442695020e+00, v8  }
0x193: {  	v7 =	vld.idx.msk [tilespmem:v62+s17+$0x0], $0xffff;
	[tilespmem:s0+$0xED50] =	vst v20;
	v34 =	vpop (erf)  }
0x194: {  	v35 =	vld.idx.msk [tilespmem:v27+s18+$0x0], $0xffff;
	[tilespmem:s0+$0xEDD0] =	vst v32;
	(erf) = vpow2.f32 v33;
	v36 =	vmul.f32 v34, v63;
	v37 =	vpop (erf)  }
0x195: {  	v38 =	vld.idx.msk [tilespmem:v28+s17+$0x0], $0xffff;
	[tilespmem:s31+$0xED60] =	vst v34;
	v39 =	vadd.f32 $1.000000000e+00, v37  }
0x196: {  	v40 =	vld.idx.msk [tilespmem:v30+s18+$0x0], $0xffff;
	[tilespmem:s31+$0xEDE0] =	vst v36  }
0x197: {  	v10 =	vld.idx.msk [tilespmem:v31+s17+$0x0], $0xffff;
	(erf) = vrcp.f32 v39  }
0x198: {  	v41 =	vld.idx.msk [tilespmem:v19+s18+$0x0], $0xffff  }
0x199: {  	v7 =	vadd.f32 v35, v7  }
0x19a: {  	v6 =	vpop (erf)  }
0x19b: {  	v7 =	vmul.f32 $1.442695020e+00, v7;
	v8 =	vadd.f32 v40, v38;
	v42 =	vpop (erf)  }
0x19c: {  	v44 =	vld [tilespmem:s3+$0x30];
	v43 =	vadd.f32 $1.000000000e+00, v42  }
0x19d: {  	v47 =	vld [tilespmem:s3+$0xB0];
	(erf) = vpow2.f32 v7;
	v45 =	vmul.f32 $1.442695020e+00, v8;
	v46 =	vpop (erf);
	v10 =	vadd.f32 v41, v10  }
0x19e: {  	(erf) = vrcp.f32 v43;
	v48 =	vadd.f32 $1.000000000e+00, v46  }
0x19f: {  	(erf) = vpow2.f32 v45;
	v49 =	vmul.f32 $1.442695020e+00, v10  }
0x1a0: {  	(erf) = vrcp.f32 v48;
	v50 =	vpop (erf)  }
0x1a1: {  	(erf) = vpow2.f32 v49;
	v51 =	vmul.f32 v50, v37  }
0x1a2: {  	v55 =	vld [tilespmem:s23+$0xC0];
	[tilespmem:s3+$0xED20] =	vst v50  }
0x1a3: {  	v52 =	vld [tilespmem:s23+$0x40];
	[tilespmem:s3+$0xEDA0] =	vst v51  }
0x1a4: {  	v53 =	vld.idx.msk [tilespmem:v44+s17+$0x0], $0xffff  }
0x1a5: {  	v54 =	vld.idx.msk [tilespmem:v47+s18+$0x0], $0xffff  }
0x1a6: {  	v56 =	vpop (erf)  }
0x1a7: {  	v57 =	vld [tilespmem:s24+$0x50];
	v58 =	vpop (erf)  }
0x1a8: {  	v61 =	vld [tilespmem:s24+$0xD0];
	v60 =	vpop (erf)  }
0x1a9: {  	v59 =	vadd.f32 $1.000000000e+00, v56;
	v9 =	vmul.f32 v58, v42;
	v63 =	vpop (erf)  }
0x1aa: {  	[tilespmem:s23+$0xED30] =	vst v58;
	v62 =	vadd.f32 $1.000000000e+00, v60;
	v7 =	vpop (erf);
	v11 =	vadd.f32 v54, v53  }
0x1ab: {  	(erf) = vrcp.f32 v59;
	[tilespmem:s23+$0xEDB0] =	vst v9;
	v8 =	vmul.f32 v63, v46;
	v21 =	vadd.f32 $1.000000000e+00, v7  }
0x1ac: {  	(erf) = vrcp.f32 v62;
	v10 =	vld.idx.msk [tilespmem:v52+s17+$0x0], $0xffff;
	v11 =	vmul.f32 $1.442695020e+00, v11  }
0x1ad: {  	[tilespmem:s24+$0xED40] =	vst v63;
	v23 =	vld.idx.msk [tilespmem:v55+s18+$0x0], $0xffff;
	(erf) = vrcp.f32 v21  }
0x1ae: {  	v22 =	vld [tilespmem:s2+$0x60];
	[tilespmem:s24+$0xEDC0] =	vst v8;
	(erf) = vpow2.f32 v11  }
0x1af: {  	v8 =	vld.idx.msk [tilespmem:v57+s17+$0x0], $0xffff  }
0x1b0: {  	v24 =	vld.idx.msk [tilespmem:v61+s18+$0x0], $0xffff  }
0x1b1: {  	v25 =	vld [tilespmem:s2+$0xE0]  }
0x1b2: {  	v26 =	vld [tilespmem:s0+$0x70];
	v10 =	vadd.f32 v23, v10  }
0x1b3: {  	v27 =	vld [tilespmem:s0+$0xF0]  }
0x1b4: {  	v28 =	vpop (erf);
	v10 =	vmul.f32 $1.442695020e+00, v10  }
0x1b5: {  	v14 =	vmul.f32 v28, v56;
	v11 =	vadd.f32 v24, v8;
	v29 =	vpop (erf)  }
0x1b6: {  	[tilespmem:s2+$0xED50] =	vst v28;
	(erf) = vpow2.f32 v10;
	v8 =	vpop (erf)  }
0x1b7: {  	[tilespmem:s2+$0xEDD0] =	vst v14;
	v31 =	vmul.f32 $1.442695020e+00, v11;
	v30 =	vmul.f32 v29, v60;
	v32 =	vpop (erf)  }
0x1b8: {  	v9 =	vld.idx.msk [tilespmem:v22+s17+$0x0], $0xffff;
	[tilespmem:s0+$0xED60] =	vst v29;
	v33 =	vadd.f32 $1.000000000e+00, v32  }
0x1b9: {  	v13 =	vld.idx.msk [tilespmem:v25+s18+$0x0], $0xffff;
	(erf) = vpow2.f32 v31;
	[tilespmem:s0+$0xEDE0] =	vst v30  }
0x1ba: {  	v34 =	vld.idx.msk [tilespmem:v26+s17+$0x0], $0xffff;
	(erf) = vrcp.f32 v33  }
0x1bb: {  	v12 =	vld.idx.msk [tilespmem:v27+s18+$0x0], $0xffff;
	_ =	sdelay $0x2  }
0x1bc: {  	v9 =	vadd.f32 v13, v9  }
0x1bd: {  	v35 =	vld [tilespmem:s3+$0x40]  }
0x1be: {  	v37 =	vld [tilespmem:s3+$0xC0];
	v9 =	vmul.f32 $1.442695020e+00, v9;
	v36 =	vpop (erf);
	v10 =	vadd.f32 v12, v34  }
0x1bf: {  	v38 =	vadd.f32 $1.000000000e+00, v36  }
0x1c0: {  	(erf) = vpow2.f32 v9;
	v39 =	vmul.f32 $1.442695020e+00, v10;
	v40 =	vpop (erf)  }
0x1c1: {  	(erf) = vrcp.f32 v38;
	v41 =	vadd.f32 $1.000000000e+00, v40;
	v42 =	vpop (erf)  }
0x1c2: {  	(erf) = vpow2.f32 v39;
	v43 =	vmul.f32 v42, v32  }
0x1c3: {  	(erf) = vrcp.f32 v41;
	[tilespmem:s3+$0xED30] =	vst v42  }
0x1c4: {  	v44 =	vld [tilespmem:s23+$0x50];
	[tilespmem:s3+$0xEDB0] =	vst v43  }
0x1c5: {  	v13 =	vld.idx.msk [tilespmem:v35+s17+$0x0], $0xffff  }
0x1c6: {  	v12 =	vld.idx.msk [tilespmem:v37+s18+$0x0], $0xffff  }
0x1c7: {  	v45 =	vld [tilespmem:s23+$0xD0]  }
0x1c8: {  	v46 =	vld [tilespmem:s24+$0x60]  }
0x1c9: {  	v48 =	vld [tilespmem:s24+$0xE0];
	v47 =	vpop (erf)  }
0x1ca: {  	v49 =	vadd.f32 $1.000000000e+00, v47;
	v50 =	vpop (erf)  }
0x1cb: {  	v9 =	vpop (erf);
	v14 =	vmul.f32 v50, v36;
	v12 =	vadd.f32 v12, v13  }
0x1cc: {  	(erf) = vrcp.f32 v49;
	[tilespmem:s23+$0xED40] =	vst v50;
	v51 =	vadd.f32 $1.000000000e+00, v9;
	v52 =	vpop (erf)  }
0x1cd: {  	v53 =	vld [tilespmem:s2+$0x70];
	[tilespmem:s23+$0xEDC0] =	vst v14;
	v10 =	vmul.f32 v52, v40;
	v12 =	vmul.f32 $1.442695020e+00, v12  }
0x1ce: {  	(erf) = vrcp.f32 v51;
	v11 =	vld.idx.msk [tilespmem:v44+s17+$0x0], $0xffff;
	[tilespmem:s24+$0xED50] =	vst v52  }
0x1cf: {  	v54 =	vld.idx.msk [tilespmem:v45+s18+$0x0], $0xffff;
	[tilespmem:s24+$0xEDD0] =	vst v10;
	(erf) = vpow2.f32 v12  }
0x1d0: {  	v10 =	vld.idx.msk [tilespmem:v46+s17+$0x0], $0xffff  }
0x1d1: {  	v55 =	vld.idx.msk [tilespmem:v48+s18+$0x0], $0xffff  }
0x1d2: {  	v56 =	vld [tilespmem:s2+$0xF0];
	_ =	sdelay $0x1  }
0x1d3: {  	v11 =	vadd.f32 v54, v11  }
0x1d4: {  	v57 =	vpop (erf)  }
0x1d5: {  	v58 =	vmul.f32 v57, v47;
	v11 =	vmul.f32 $1.442695020e+00, v11;
	v10 =	vadd.f32 v55, v10  }
0x1d6: {  	[tilespmem:s2+$0xED60] =	vst v57;
	v12 =	vpop (erf)  }
0x1d7: {  	[tilespmem:s2+$0xEDE0] =	vst v58;
	(erf) = vpow2.f32 v11;
	v10 =	vmul.f32 $1.442695020e+00, v10;
	v59 =	vpop (erf)  }
0x1d8: {  	v13 =	vld.idx.msk [tilespmem:v53+s17+$0x0], $0xffff;
	v60 =	vadd.f32 $1.000000000e+00, v59  }
0x1d9: {  	v14 =	vld.idx.msk [tilespmem:v56+s18+$0x0], $0xffff;
	(erf) = vpow2.f32 v10  }
0x1da: {  	(erf) = vrcp.f32 v60;
	_ =	sdelay $0x3  }
0x1db: {  	v61 =	vadd.f32 v14, v13  }
0x1dc: {  	v62 =	vld [tilespmem:s3+$0x50]  }
0x1dd: {  	v24 =	vld [tilespmem:s3+$0xD0];
	v10 =	vmul.f32 $1.442695020e+00, v61;
	v63 =	vpop (erf)  }
0x1de: {  	v25 =	vadd.f32 $1.000000000e+00, v63  }
0x1df: {  	(erf) = vpow2.f32 v10;
	v26 =	vpop (erf)  }
0x1e0: {  	(erf) = vrcp.f32 v25;
	v27 =	vadd.f32 $1.000000000e+00, v26;
	v28 =	vpop (erf)  }
0x1e1: {  	v11 =	vmul.f32 v28, v59  }
0x1e2: {  	(erf) = vrcp.f32 v27;
	[tilespmem:s3+$0xED40] =	vst v28  }
0x1e3: {  	v29 =	vld [tilespmem:s23+$0x60];
	[tilespmem:s3+$0xEDC0] =	vst v11  }
0x1e4: {  	v11 =	vld.idx.msk [tilespmem:v62+s17+$0x0], $0xffff  }
0x1e5: {  	v30 =	vld.idx.msk [tilespmem:v24+s18+$0x0], $0xffff  }
0x1e6: {  	v31 =	vld [tilespmem:s23+$0xE0]  }
0x1e7: {  	v32 =	vld [tilespmem:s24+$0x70]  }
0x1e8: {  	v34 =	vld [tilespmem:s24+$0xF0];
	v33 =	vpop (erf)  }
0x1e9: {  	v35 =	vpop (erf)  }
0x1ea: {  	v14 =	vmul.f32 v35, v63;
	v11 =	vadd.f32 v30, v11  }
0x1eb: {  	v36 =	vadd.f32 $1.000000000e+00, v33;
	[tilespmem:s23+$0xED50] =	vst v35;
	v37 =	vpop (erf)  }
0x1ec: {  	[tilespmem:s23+$0xEDD0] =	vst v14;
	v10 =	vmul.f32 v37, v26;
	v11 =	vmul.f32 $1.442695020e+00, v11  }
0x1ed: {  	(erf) = vrcp.f32 v36;
	v38 =	vld.idx.msk [tilespmem:v29+s17+$0x0], $0xffff;
	[tilespmem:s24+$0xED60] =	vst v37  }
0x1ee: {  	v14 =	vld.idx.msk [tilespmem:v31+s18+$0x0], $0xffff;
	[tilespmem:s24+$0xEDE0] =	vst v10;
	(erf) = vpow2.f32 v11  }
0x1ef: {  	v10 =	vld.idx.msk [tilespmem:v32+s17+$0x0], $0xffff  }
0x1f0: {  	v39 =	vld.idx.msk [tilespmem:v34+s18+$0x0], $0xffff;
	_ =	sdelay $0x3  }
0x1f1: {  	v13 =	vadd.f32 v14, v38  }
0x1f2: {  	v10 =	vadd.f32 v39, v10  }
0x1f3: {  	v40 =	vpop (erf);
	v13 =	vmul.f32 $1.442695020e+00, v13  }
0x1f4: {  	v10 =	vmul.f32 $1.442695020e+00, v10;
	v41 =	vpop (erf)  }
0x1f5: {  	(erf) = vpow2.f32 v13;
	v42 =	vadd.f32 $1.000000000e+00, v41  }
0x1f6: {  	(erf) = vpow2.f32 v10  }
0x1f7: {  	(erf) = vrcp.f32 v42;
	_ =	sdelay $0x4  }
0x1f8: {  	v43 =	vld [tilespmem:s3+$0x60]  }
0x1f9: {  	v44 =	vld [tilespmem:s3+$0xE0]  }
0x1fa: {  	v45 =	vpop (erf)  }
0x1fb: {  	v46 =	vpop (erf)  }
0x1fc: {  	v47 =	vadd.f32 $1.000000000e+00, v45;
	v48 =	vpop (erf)  }
0x1fd: {  	v14 =	vmul.f32 v48, v41  }
0x1fe: {  	(erf) = vrcp.f32 v47;
	[tilespmem:s3+$0xED50] =	vst v48  }
0x1ff: {  	[tilespmem:s3+$0xEDD0] =	vst v14  }
0x200: {  	v10 =	vld.idx.msk [tilespmem:v43+s17+$0x0], $0xffff  }
0x201: {  	v13 =	vld.idx.msk [tilespmem:v44+s18+$0x0], $0xffff;
	_ =	sdelay $0x1  }
0x202: {  	v49 =	vld [tilespmem:s23+$0x70]  }
0x203: {  	v50 =	vld [tilespmem:s23+$0xF0];
	_ =	sdelay $0x1  }
0x204: {  	v10 =	vadd.f32 v13, v10  }
0x205: {  	v51 =	vadd.f32 $1.000000000e+00, v46;
	v52 =	vpop (erf)  }
0x206: {  	v15 =	vmul.f32 v52, v45;
	v10 =	vmul.f32 $1.442695020e+00, v10  }
0x207: {  	(erf) = vrcp.f32 v51;
	[tilespmem:s23+$0xED60] =	vst v52  }
0x208: {  	[tilespmem:s23+$0xEDE0] =	vst v15;
	(erf) = vpow2.f32 v10  }
0x209: {  	v53 =	vld.idx.msk [tilespmem:v49+s17+$0x0], $0xffff  }
0x20a: {  	v54 =	vld.idx.msk [tilespmem:v50+s18+$0x0], $0xffff;
	_ =	sdelay $0x4  }
0x20b: {  	v10 =	vadd.f32 v54, v53  }
0x20c: {  	v55 =	vpop (erf)  }
0x20d: {  	v10 =	vmul.f32 $1.442695020e+00, v10;
	v56 =	vpop (erf)  }
0x20e: {  	v57 =	vadd.f32 $1.000000000e+00, v56  }
0x20f: {  	(erf) = vpow2.f32 v10  }
0x210: {  	(erf) = vrcp.f32 v57;
	_ =	sdelay $0x4  }
0x211: {  	v58 =	vld [tilespmem:s3+$0x70]  }
0x212: {  	v59 =	vld [tilespmem:s3+$0xF0];
	_ =	sdelay $0x1  }
0x213: {  	v60 =	vpop (erf)  }
0x214: {  	v61 =	vpop (erf)  }
0x215: {  	v14 =	vmul.f32 v61, v56  }
0x216: {  	[tilespmem:s3+$0xED60] =	vst v61  }
0x217: {  	[tilespmem:s3+$0xEDE0] =	vst v14  }
0x218: {  	v10 =	vld.idx.msk [tilespmem:v58+s17+$0x0], $0xffff  }
0x219: {  	v14 =	vld.idx.msk [tilespmem:v59+s18+$0x0], $0xffff;
	_ =	sdelay $0x4  }
0x21a: {  	v10 =	vadd.f32 v14, v10  }
0x21b: {  	v62 =	vadd.f32 $1.000000000e+00, v60  }
0x21c: {  	v10 =	vmul.f32 $1.442695020e+00, v10  }
0x21d: {  	(erf) = vrcp.f32 v62  }
0x21e: {  	(erf) = vpow2.f32 v10;
	_ =	sdelay $0x5  }
0x21f: {  	v1 =	vmul.f32 v2, v1  }
0x220: {  	[tilespmem:s28+$0xED70] =	vst v2  }
0x221: {  	[tilespmem:s28+$0xEDF0] =	vst v1;
	v1 =	vmul.f32 v4, v3;
	v2 =	vpop (erf)  }
0x222: {  	[tilespmem:s29+$0xED70] =	vst v4;
	v3 =	vpop (erf)  }
0x223: {  	[tilespmem:s29+$0xEDF0] =	vst v1;
	v1 =	vmul.f32 v6, v5;
	v63 =	vadd.f32 $1.000000000e+00, v3  }
0x224: {  	[tilespmem:s30+$0xED70] =	vst v6  }
0x225: {  	[tilespmem:s30+$0xEDF0] =	vst v1;
	v1 =	vmul.f32 v8, v7;
	(erf) = vrcp.f32 v63  }
0x226: {  	[tilespmem:s31+$0xED70] =	vst v8  }
0x227: {  	[tilespmem:s31+$0xEDF0] =	vst v1;
	v1 =	vmul.f32 v12, v9  }
0x228: {  	[tilespmem:s0+$0xED70] =	vst v12  }
0x229: {  	[tilespmem:s0+$0xEDF0] =	vst v1;
	v1 =	vmul.f32 v40, v33  }
0x22a: {  	[tilespmem:s2+$0xED70] =	vst v40  }
0x22b: {  	[tilespmem:s2+$0xEDF0] =	vst v1;
	v1 =	vmul.f32 v55, v46  }
0x22c: {  	[tilespmem:s24+$0xED70] =	vst v55  }
0x22d: {  	[tilespmem:s24+$0xEDF0] =	vst v1;
	v1 =	vmul.f32 v2, v60  }
0x22e: {  	[tilespmem:s23+$0xED70] =	vst v2;
	v2 =	vpop (erf)  }
0x22f: {  	[tilespmem:s23+$0xEDF0] =	vst v1;
	v1 =	vmul.f32 v2, v3  }
0x230: {  	[tilespmem:s3+$0xED70] =	vst v2  }
0x231: {  	[tilespmem:s3+$0xEDF0] =	vst v1  }
.LBB2_6:
0x232: {  	s0 =	sshra.s32 s10, $0x2  }
0x233: {  	v1 =	vld [tilespmem:s0+$0x0];
	_ =	sdelay $0x4  }
0x234: {  	v2 =	vld [tilespmem:s0+$0x80];
	_ =	sdelay $0x2  }
0x235: {  	v3 =	vld.idx.msk [tilespmem:v1+s19+$0x0], $0xffff  }
0x236: {  	v1 =	vld.idx.msk [tilespmem:v1+s20+$0x0], $0xffff;
	_ =	sdelay $0x3  }
0x237: {  	[tilespmem:v2+s21+$0x0] =	vst.idx.add.f32.msk $0xffff, v3  }
0x238: {  	[tilespmem:v2+s22+$0x0] =	vst.idx.add.f32.msk $0xffff, v1  }
0x239: {  	v1 =	vld [tilespmem:s0+$0x10];
	_ =	sdelay $0x4  }
0x23a: {  	v2 =	vld [tilespmem:s0+$0x90];
	_ =	sdelay $0x2  }
0x23b: {  	v3 =	vld.idx.msk [tilespmem:v1+s19+$0x0], $0xffff  }
0x23c: {  	v1 =	vld.idx.msk [tilespmem:v1+s20+$0x0], $0xffff;
	_ =	sdelay $0x3  }
0x23d: {  	[tilespmem:v2+s21+$0x0] =	vst.idx.add.f32.msk $0xffff, v3  }
0x23e: {  	[tilespmem:v2+s22+$0x0] =	vst.idx.add.f32.msk $0xffff, v1  }
0x23f: {  	v1 =	vld [tilespmem:s0+$0x20];
	_ =	sdelay $0x4  }
0x240: {  	v2 =	vld [tilespmem:s0+$0xA0];
	_ =	sdelay $0x2  }
0x241: {  	v3 =	vld.idx.msk [tilespmem:v1+s19+$0x0], $0xffff  }
0x242: {  	v1 =	vld.idx.msk [tilespmem:v1+s20+$0x0], $0xffff;
	_ =	sdelay $0x3  }
0x243: {  	[tilespmem:v2+s21+$0x0] =	vst.idx.add.f32.msk $0xffff, v3  }
0x244: {  	[tilespmem:v2+s22+$0x0] =	vst.idx.add.f32.msk $0xffff, v1  }
0x245: {  	v1 =	vld [tilespmem:s0+$0x30];
	_ =	sdelay $0x4  }
0x246: {  	v2 =	vld [tilespmem:s0+$0xB0];
	_ =	sdelay $0x2  }
0x247: {  	v3 =	vld.idx.msk [tilespmem:v1+s19+$0x0], $0xffff  }
0x248: {  	v1 =	vld.idx.msk [tilespmem:v1+s20+$0x0], $0xffff;
	_ =	sdelay $0x3  }
0x249: {  	[tilespmem:v2+s21+$0x0] =	vst.idx.add.f32.msk $0xffff, v3  }
0x24a: {  	[tilespmem:v2+s22+$0x0] =	vst.idx.add.f32.msk $0xffff, v1  }
0x24b: {  	v1 =	vld [tilespmem:s0+$0x40];
	_ =	sdelay $0x4  }
0x24c: {  	v2 =	vld [tilespmem:s0+$0xC0];
	_ =	sdelay $0x2  }
0x24d: {  	v3 =	vld.idx.msk [tilespmem:v1+s19+$0x0], $0xffff  }
0x24e: {  	v1 =	vld.idx.msk [tilespmem:v1+s20+$0x0], $0xffff;
	_ =	sdelay $0x3  }
0x24f: {  	[tilespmem:v2+s21+$0x0] =	vst.idx.add.f32.msk $0xffff, v3  }
0x250: {  	[tilespmem:v2+s22+$0x0] =	vst.idx.add.f32.msk $0xffff, v1  }
0x251: {  	v1 =	vld [tilespmem:s0+$0x50];
	_ =	sdelay $0x4  }
0x252: {  	v2 =	vld [tilespmem:s0+$0xD0];
	_ =	sdelay $0x2  }
0x253: {  	v3 =	vld.idx.msk [tilespmem:v1+s19+$0x0], $0xffff  }
0x254: {  	v1 =	vld.idx.msk [tilespmem:v1+s20+$0x0], $0xffff;
	_ =	sdelay $0x3  }
0x255: {  	[tilespmem:v2+s21+$0x0] =	vst.idx.add.f32.msk $0xffff, v3  }
0x256: {  	[tilespmem:v2+s22+$0x0] =	vst.idx.add.f32.msk $0xffff, v1  }
0x257: {  	v1 =	vld [tilespmem:s0+$0x60];
	_ =	sdelay $0x4  }
0x258: {  	v2 =	vld [tilespmem:s0+$0xE0];
	_ =	sdelay $0x2  }
0x259: {  	v3 =	vld.idx.msk [tilespmem:v1+s19+$0x0], $0xffff  }
0x25a: {  	v1 =	vld.idx.msk [tilespmem:v1+s20+$0x0], $0xffff;
	_ =	sdelay $0x3  }
0x25b: {  	[tilespmem:v2+s21+$0x0] =	vst.idx.add.f32.msk $0xffff, v3  }
0x25c: {  	[tilespmem:v2+s22+$0x0] =	vst.idx.add.f32.msk $0xffff, v1  }
0x25d: {  	v1 =	vld [tilespmem:s0+$0x70];
	_ =	sdelay $0x4  }
0x25e: {  	v2 =	vld [tilespmem:s0+$0xF0];
	_ =	sdelay $0x2  }
0x25f: {  	v3 =	vld.idx.msk [tilespmem:v1+s19+$0x0], $0xffff  }
0x260: {  	p1 =	sne.s32 s10, $0x13400;
	v1 =	vld.idx.msk [tilespmem:v1+s20+$0x0], $0xffff  }
.Ltmp4:
0x261: {  	_ = 	snop;
	(pc) =	sbr.rel @p1 .LBB2_6-.Ltmp4, $3  }
0x262: {  	_ =	sdelay $0x1  }
0x263: {  	[tilespmem:v2+s21+$0x0] =	vst.idx.add.f32.msk $0xffff, v3  }
0x264: {  	s10 =	sadd.s32 $0x400, s10;
	[tilespmem:v2+s22+$0x0] =	vst.idx.add.f32.msk $0xffff, v1  }
.Ltmp5:
0x265: {  	(pc) =	sbr.rel @p0 .LBB2_9-.Ltmp5, $1  }
0x266: {  	_ =	sdelay $0x3  }
0x267: {  	v1 =	vld [tilespmem:$0x4E00]  }
0x268: {  	v2 =	vld [tilespmem:$0x4E80];
	_ =	sdelay $0x6  }
0x269: {  	v1 =	vld.idx.msk [tilespmem:v1+s17+$0x0], $0xffff  }
0x26a: {  	v2 =	vld.idx.msk [tilespmem:v2+s18+$0x0], $0xffff;
	_ =	sdelay $0x4  }
0x26b: {  	v1 =	vadd.f32 v2, v1;
	_ =	sdelay $0x1  }
0x26c: {  	v1 =	vmul.f32 $1.442695020e+00, v1;
	_ =	sdelay $0x1  }
0x26d: {  	(erf) = vpow2.f32 v1;
	_ =	sdelay $0x8  }
0x26e: {  	v1 =	vpop (erf)  }
0x26f: {  	v2 =	vadd.f32 $1.000000000e+00, v1;
	_ =	sdelay $0x1  }
0x270: {  	(erf) = vrcp.f32 v2;
	_ =	sdelay $0x4  }
0x271: {  	v2 =	vld [tilespmem:$0x4E10]  }
0x272: {  	v3 =	vld [tilespmem:$0x4E90];
	_ =	sdelay $0x2  }
0x273: {  	v4 =	vpop (erf)  }
0x274: {  	v1 =	vmul.f32 v4, v1  }
0x275: {  	[tilespmem:$0x13B00] =	vst v4  }
0x276: {  	[tilespmem:$0x13B80] =	vst v1  }
0x277: {  	v1 =	vld.idx.msk [tilespmem:v2+s17+$0x0], $0xffff  }
0x278: {  	v2 =	vld.idx.msk [tilespmem:v3+s18+$0x0], $0xffff;
	_ =	sdelay $0x4  }
0x279: {  	v1 =	vadd.f32 v2, v1;
	_ =	sdelay $0x1  }
0x27a: {  	v1 =	vmul.f32 $1.442695020e+00, v1;
	_ =	sdelay $0x1  }
0x27b: {  	(erf) = vpow2.f32 v1;
	_ =	sdelay $0x8  }
0x27c: {  	v1 =	vpop (erf)  }
0x27d: {  	v2 =	vadd.f32 $1.000000000e+00, v1;
	_ =	sdelay $0x1  }
0x27e: {  	(erf) = vrcp.f32 v2;
	_ =	sdelay $0x4  }
0x27f: {  	v2 =	vld [tilespmem:$0x4E20]  }
0x280: {  	v3 =	vld [tilespmem:$0x4EA0];
	_ =	sdelay $0x2  }
0x281: {  	v57 =	vpop (erf)  }
0x282: {  	v1 =	vmul.f32 v57, v1  }
0x283: {  	[tilespmem:$0x13B10] =	vst v57  }
0x284: {  	[tilespmem:$0x13B90] =	vst v1  }
0x285: {  	v1 =	vld.idx.msk [tilespmem:v2+s17+$0x0], $0xffff  }
0x286: {  	v2 =	vld.idx.msk [tilespmem:v3+s18+$0x0], $0xffff;
	_ =	sdelay $0x4  }
0x287: {  	v1 =	vadd.f32 v2, v1;
	_ =	sdelay $0x1  }
0x288: {  	v1 =	vmul.f32 $1.442695020e+00, v1;
	_ =	sdelay $0x1  }
0x289: {  	(erf) = vpow2.f32 v1;
	_ =	sdelay $0x8  }
0x28a: {  	v1 =	vpop (erf)  }
0x28b: {  	v2 =	vadd.f32 $1.000000000e+00, v1;
	_ =	sdelay $0x1  }
0x28c: {  	(erf) = vrcp.f32 v2;
	_ =	sdelay $0x4  }
0x28d: {  	v2 =	vld [tilespmem:$0x4E30]  }
0x28e: {  	v3 =	vld [tilespmem:$0x4EB0];
	_ =	sdelay $0x2  }
0x28f: {  	v58 =	vpop (erf)  }
0x290: {  	v1 =	vmul.f32 v58, v1  }
0x291: {  	[tilespmem:$0x13B20] =	vst v58  }
0x292: {  	[tilespmem:$0x13BA0] =	vst v1  }
0x293: {  	v1 =	vld.idx.msk [tilespmem:v2+s17+$0x0], $0xffff  }
0x294: {  	v2 =	vld.idx.msk [tilespmem:v3+s18+$0x0], $0xffff;
	_ =	sdelay $0x4  }
0x295: {  	v1 =	vadd.f32 v2, v1;
	_ =	sdelay $0x1  }
0x296: {  	v1 =	vmul.f32 $1.442695020e+00, v1;
	_ =	sdelay $0x1  }
0x297: {  	(erf) = vpow2.f32 v1;
	_ =	sdelay $0x8  }
0x298: {  	v1 =	vpop (erf)  }
0x299: {  	v2 =	vadd.f32 $1.000000000e+00, v1;
	_ =	sdelay $0x1  }
0x29a: {  	(erf) = vrcp.f32 v2;
	_ =	sdelay $0x4  }
0x29b: {  	v2 =	vld [tilespmem:$0x4E40]  }
0x29c: {  	v3 =	vld [tilespmem:$0x4EC0];
	_ =	sdelay $0x2  }
0x29d: {  	v59 =	vpop (erf)  }
0x29e: {  	v1 =	vmul.f32 v59, v1  }
0x29f: {  	[tilespmem:$0x13B30] =	vst v59  }
0x2a0: {  	[tilespmem:$0x13BB0] =	vst v1  }
0x2a1: {  	v1 =	vld.idx.msk [tilespmem:v2+s17+$0x0], $0xffff  }
0x2a2: {  	v2 =	vld.idx.msk [tilespmem:v3+s18+$0x0], $0xffff;
	_ =	sdelay $0x4  }
0x2a3: {  	v1 =	vadd.f32 v2, v1;
	_ =	sdelay $0x1  }
0x2a4: {  	v1 =	vmul.f32 $1.442695020e+00, v1;
	_ =	sdelay $0x1  }
0x2a5: {  	(erf) = vpow2.f32 v1;
	_ =	sdelay $0x8  }
0x2a6: {  	v1 =	vpop (erf)  }
0x2a7: {  	v2 =	vadd.f32 $1.000000000e+00, v1;
	_ =	sdelay $0x1  }
0x2a8: {  	(erf) = vrcp.f32 v2;
	_ =	sdelay $0x4  }
0x2a9: {  	v2 =	vld [tilespmem:$0x4E50]  }
0x2aa: {  	v3 =	vld [tilespmem:$0x4ED0];
	_ =	sdelay $0x2  }
0x2ab: {  	v60 =	vpop (erf)  }
0x2ac: {  	v1 =	vmul.f32 v60, v1  }
0x2ad: {  	[tilespmem:$0x13B40] =	vst v60  }
0x2ae: {  	[tilespmem:$0x13BC0] =	vst v1  }
0x2af: {  	v1 =	vld.idx.msk [tilespmem:v2+s17+$0x0], $0xffff  }
0x2b0: {  	v2 =	vld.idx.msk [tilespmem:v3+s18+$0x0], $0xffff;
	_ =	sdelay $0x4  }
0x2b1: {  	v1 =	vadd.f32 v2, v1;
	_ =	sdelay $0x1  }
0x2b2: {  	v1 =	vmul.f32 $1.442695020e+00, v1;
	_ =	sdelay $0x1  }
0x2b3: {  	(erf) = vpow2.f32 v1;
	_ =	sdelay $0x8  }
0x2b4: {  	v1 =	vpop (erf)  }
0x2b5: {  	v2 =	vadd.f32 $1.000000000e+00, v1;
	_ =	sdelay $0x1  }
0x2b6: {  	(erf) = vrcp.f32 v2;
	_ =	sdelay $0x4  }
0x2b7: {  	v2 =	vld [tilespmem:$0x4E60]  }
0x2b8: {  	v3 =	vld [tilespmem:$0x4EE0];
	_ =	sdelay $0x2  }
0x2b9: {  	v61 =	vpop (erf)  }
0x2ba: {  	v1 =	vmul.f32 v61, v1  }
0x2bb: {  	[tilespmem:$0x13B50] =	vst v61  }
0x2bc: {  	[tilespmem:$0x13BD0] =	vst v1  }
0x2bd: {  	v1 =	vld.idx.msk [tilespmem:v2+s17+$0x0], $0xffff  }
0x2be: {  	v2 =	vld.idx.msk [tilespmem:v3+s18+$0x0], $0xffff;
	_ =	sdelay $0x4  }
0x2bf: {  	v1 =	vadd.f32 v2, v1;
	_ =	sdelay $0x1  }
0x2c0: {  	v1 =	vmul.f32 $1.442695020e+00, v1;
	_ =	sdelay $0x1  }
0x2c1: {  	(erf) = vpow2.f32 v1;
	_ =	sdelay $0x8  }
0x2c2: {  	v1 =	vpop (erf)  }
0x2c3: {  	v2 =	vadd.f32 $1.000000000e+00, v1;
	_ =	sdelay $0x1  }
0x2c4: {  	(erf) = vrcp.f32 v2;
	_ =	sdelay $0x4  }
0x2c5: {  	v2 =	vld [tilespmem:$0x4E70]  }
0x2c6: {  	v3 =	vld [tilespmem:$0x4EF0];
	_ =	sdelay $0x2  }
0x2c7: {  	v62 =	vpop (erf)  }
0x2c8: {  	v1 =	vmul.f32 v62, v1  }
0x2c9: {  	[tilespmem:$0x13B60] =	vst v62  }
0x2ca: {  	[tilespmem:$0x13BE0] =	vst v1  }
0x2cb: {  	v1 =	vld.idx.msk [tilespmem:v2+s17+$0x0], $0xffff  }
0x2cc: {  	v2 =	vld.idx.msk [tilespmem:v3+s18+$0x0], $0xffff;
	_ =	sdelay $0x4  }
0x2cd: {  	v1 =	vadd.f32 v2, v1;
	_ =	sdelay $0x1  }
0x2ce: {  	v1 =	vmul.f32 $1.442695020e+00, v1;
	_ =	sdelay $0x1  }
0x2cf: {  	(erf) = vpow2.f32 v1;
	_ =	sdelay $0x8  }
0x2d0: {  	v1 =	vpop (erf)  }
0x2d1: {  	v2 =	vadd.f32 $1.000000000e+00, v1;
	_ =	sdelay $0x1  }
0x2d2: {  	(erf) = vrcp.f32 v2;
	_ =	sdelay $0x4  }
0x2d3: {  	v2 =	vld [tilespmem:$0x4E00];
	_ =	sdelay $0x3  }
0x2d4: {  	v3 =	vpop (erf)  }
0x2d5: {  	v63 =	vld [tilespmem:$0x4E80];
	v1 =	vmul.f32 v3, v1  }
0x2d6: {  	[tilespmem:$0x13B70] =	vst v3  }
0x2d7: {  	[tilespmem:$0x13BF0] =	vst v1  }
0x2d8: {  	v1 =	vld.idx.msk [tilespmem:v2+s19+$0x0], $0xffff  }
0x2d9: {  	v2 =	vld.idx.msk [tilespmem:v2+s20+$0x0], $0xffff;
	_ =	sdelay $0x3  }
0x2da: {  	[tilespmem:v63+s21+$0x0] =	vst.idx.add.f32.msk $0xffff, v1  }
0x2db: {  	[tilespmem:v63+s22+$0x0] =	vst.idx.add.f32.msk $0xffff, v2  }
0x2dc: {  	v1 =	vld [tilespmem:$0x4E10];
	_ =	sdelay $0x4  }
0x2dd: {  	v2 =	vld [tilespmem:$0x4E90];
	_ =	sdelay $0x2  }
0x2de: {  	v3 =	vld.idx.msk [tilespmem:v1+s19+$0x0], $0xffff  }
0x2df: {  	v1 =	vld.idx.msk [tilespmem:v1+s20+$0x0], $0xffff;
	_ =	sdelay $0x3  }
0x2e0: {  	[tilespmem:v2+s21+$0x0] =	vst.idx.add.f32.msk $0xffff, v3  }
0x2e1: {  	[tilespmem:v2+s22+$0x0] =	vst.idx.add.f32.msk $0xffff, v1  }
0x2e2: {  	v1 =	vld [tilespmem:$0x4E20];
	_ =	sdelay $0x4  }
0x2e3: {  	v2 =	vld [tilespmem:$0x4EA0];
	_ =	sdelay $0x2  }
0x2e4: {  	v3 =	vld.idx.msk [tilespmem:v1+s19+$0x0], $0xffff  }
0x2e5: {  	v1 =	vld.idx.msk [tilespmem:v1+s20+$0x0], $0xffff;
	_ =	sdelay $0x3  }
0x2e6: {  	[tilespmem:v2+s21+$0x0] =	vst.idx.add.f32.msk $0xffff, v3  }
0x2e7: {  	[tilespmem:v2+s22+$0x0] =	vst.idx.add.f32.msk $0xffff, v1  }
0x2e8: {  	v1 =	vld [tilespmem:$0x4E30];
	_ =	sdelay $0x4  }
0x2e9: {  	v2 =	vld [tilespmem:$0x4EB0];
	_ =	sdelay $0x2  }
0x2ea: {  	v3 =	vld.idx.msk [tilespmem:v1+s19+$0x0], $0xffff  }
0x2eb: {  	v1 =	vld.idx.msk [tilespmem:v1+s20+$0x0], $0xffff;
	_ =	sdelay $0x3  }
0x2ec: {  	[tilespmem:v2+s21+$0x0] =	vst.idx.add.f32.msk $0xffff, v3  }
0x2ed: {  	[tilespmem:v2+s22+$0x0] =	vst.idx.add.f32.msk $0xffff, v1  }
0x2ee: {  	v1 =	vld [tilespmem:$0x4E40];
	_ =	sdelay $0x4  }
0x2ef: {  	v2 =	vld [tilespmem:$0x4EC0];
	_ =	sdelay $0x2  }
0x2f0: {  	v3 =	vld.idx.msk [tilespmem:v1+s19+$0x0], $0xffff  }
0x2f1: {  	v1 =	vld.idx.msk [tilespmem:v1+s20+$0x0], $0xffff;
	_ =	sdelay $0x3  }
0x2f2: {  	[tilespmem:v2+s21+$0x0] =	vst.idx.add.f32.msk $0xffff, v3  }
0x2f3: {  	[tilespmem:v2+s22+$0x0] =	vst.idx.add.f32.msk $0xffff, v1  }
0x2f4: {  	v1 =	vld [tilespmem:$0x4E50];
	_ =	sdelay $0x4  }
0x2f5: {  	v2 =	vld [tilespmem:$0x4ED0];
	_ =	sdelay $0x2  }
0x2f6: {  	v3 =	vld.idx.msk [tilespmem:v1+s19+$0x0], $0xffff  }
0x2f7: {  	v1 =	vld.idx.msk [tilespmem:v1+s20+$0x0], $0xffff;
	_ =	sdelay $0x3  }
0x2f8: {  	[tilespmem:v2+s21+$0x0] =	vst.idx.add.f32.msk $0xffff, v3  }
0x2f9: {  	[tilespmem:v2+s22+$0x0] =	vst.idx.add.f32.msk $0xffff, v1  }
0x2fa: {  	v1 =	vld [tilespmem:$0x4E60];
	_ =	sdelay $0x4  }
0x2fb: {  	v2 =	vld [tilespmem:$0x4EE0];
	_ =	sdelay $0x2  }
0x2fc: {  	v3 =	vld.idx.msk [tilespmem:v1+s19+$0x0], $0xffff  }
0x2fd: {  	v1 =	vld.idx.msk [tilespmem:v1+s20+$0x0], $0xffff;
	_ =	sdelay $0x3  }
0x2fe: {  	[tilespmem:v2+s21+$0x0] =	vst.idx.add.f32.msk $0xffff, v3  }
0x2ff: {  	[tilespmem:v2+s22+$0x0] =	vst.idx.add.f32.msk $0xffff, v1  }
0x300: {  	v1 =	vld [tilespmem:$0x4E70];
	_ =	sdelay $0x4  }
0x301: {  	v2 =	vld [tilespmem:$0x4EF0];
	_ =	sdelay $0x2  }
0x302: {  	v3 =	vld.idx.msk [tilespmem:v1+s19+$0x0], $0xffff  }
0x303: {  	v1 =	vld.idx.msk [tilespmem:v1+s20+$0x0], $0xffff;
	_ =	sdelay $0x3  }
0x304: {  	[tilespmem:v2+s21+$0x0] =	vst.idx.add.f32.msk $0xffff, v3  }
0x305: {  	s0 =	simm.s32 $0xED00;
	[tilespmem:v2+s22+$0x0] =	vst.idx.add.f32.msk $0xffff, v1  }
0x306: {  	[hbm4b:s9+s1] =	stream.linear.scatter [tilespmem:s0], [sflag:$0x1], $0x4E00, $0x38;
	[tilespmem:$0x18B00] =	vst v63  }
0x307: {  	_ =	swait.ge [sflag:s14], $0x4E00  }
0x308: {  	s2 =	simm.s32 $0x13B00;
	[sflag:s14] =	ssyncset.done $0x0  }
.Ltmp6:
0x309: {  	s31 =	rddreg [dreg:$0x7];
	[sflag:s14] =	ssyncadd.s32 $0xFFFFB200;
	(pc) =	sbr.rel .LBB2_10-.Ltmp6, $4  }
0x30a: {  	[hbm4b:s31+s1] =	stream.linear.scatter [tilespmem:s2], [sflag:$0x1], $0x100, $0x38;
	[tilespmem:$0x18B00] =	vst v63  }
0x30b: {  	_ =	swait.ge [sflag:s14], $0x100  }
0x30c: {  	[sflag:s14] =	ssyncset.done $0x0  }
0x30d: {  	[sflag:s14] =	ssyncadd.s32 $0xFFFFFF00  }
.LBB2_11:
0x30e: {  	_ =	sfence.sel $0x180000  }
0x30f: {  	[bflag:$0x0] =	sbarrier.arrive $0xFFFF  }
0x310: {  	_ =	strace $0x9000004A  }
0x311: {  	s0 =	stileid.u32;
	[bflag:$0x2] =	sbarrier.arrive $0xFFFF  }
0x312: {  	p0 =	sne.s32 s0, $0x0;
	s0 =	rddreg [dreg:$0x3]  }
0x313: {  	s0 =	sadd.s32 @!p0 $0x100000, s0  }
0x314: {  	[sflag:s0] =	ssyncadd.tile.s32 @!p0 $0x1;
	_ =	shalt  }
.Lfunc_end2:
_tile_overlayer_lowered:
.L_overlay_start_2:
0x315: {  	(tag) =	ssettag $0x2  }
0x316: {  	s0 =	rddreg [dreg:$0x0];
	s2 =	stileid.u32  }
0x317: {  	s1 =	rddreg [dreg:$0x1];
	p0 =	sne.s32 s2, $0x0  }
0x318: {  	s3 =	rddreg [dreg:$0x2];
	[bflag:$0x3] =	sbarrier.arrive $0xFFFF;
	s2 =	simm.s32 @!p0 $0x1C01  }
0x319: {  	[timem:s3], [sflag:s2] =	dma.local @!p0 [hbm:s0], s1  }
0x31a: {  	s0 =	simm.s32 @!p0 $0x1  }
0x31b: {  	_ =	swait.ge @!p0 [sflag:s0], s1  }
0x31c: {  	s1 =	ssub.s32 @!p0 $0x0, s1;
	[sflag:s0] =	ssyncset.done @!p0 $0x0  }
0x31d: {  	[sflag:s0] =	ssyncadd.s32 @!p0 s1  }
0x31e: {  	[bflag:$0x3] =	sbarrier.arrive $0xFFFF  }
0x31f: {  	_ =	shalt  }

// kernel: kernel.7.cloned.1.call-start
scs
__scs_entry_jumppad:
0x0: {  	(pc) =	sbr.rel $0x88, $3  }
0x1: {  	(tag) =	ssettag $0x0;
	lr =	simm.s32 $0x1  }
0x2: {  	[smem:$0x3F9B] =	sst lr;
	_ =	strace $0xD0000000  }
0x3: {  	_ = 	snop  }
0x4: {  	_ = 	snop  }
0x5: {  	_ = 	snop  }
0x6: {  	_ = 	snop  }
0x7: {  	_ = 	snop  }
__scs_overlays_trampoline_lowered:
0x8: {  	[smem:$0x3FAA] =	sst s0  }
0x9: {  	[smem:$0x3FAB] =	sst s1  }
0xa: {  	[smem:$0x3FAC] =	sst s2  }
0xb: {  	[smem:$0x3FAD] =	sst s3  }
0xc: {  	[smem:$0x3FAE] =	sst s4  }
0xd: {  	[smem:$0x3FAF] =	sst s5  }
0xe: {  	[smem:$0x3FB0] =	sst s6  }
0xf: {  	[smem:$0x3FB1] =	sst s7  }
0x10: {  	[smem:$0x3FB2] =	sst s8  }
0x11: {  	[smem:$0x3FB3] =	sst s9;
	s0 =	simm.s32 @!p0 $0x0  }
0x12: {  	s1 =	sld [smem:$0x3F99];
	s0 =	simm.s32 @p0 $0x1  }
0x13: {  	[smem:$0x3FB4] =	sst s0;
	s0 =	simm.s32 @!p1 $0x0  }
0x14: {  	s2 =	sld [smem:$0x3F98];
	s0 =	simm.s32 @p1 $0x1  }
0x15: {  	[smem:$0x3FB5] =	sst s0;
	s0 =	simm.s32 @!p2 $0x0  }
0x16: {  	s3 =	sld [smem:$0x3FDB];
	s0 =	simm.s32 @p2 $0x1  }
0x17: {  	s4 =	simm.s32 $0x1BF5;
	[smem:$0x3FB7] =	sst s0  }
0x18: {  	s0 =	sld [smem:$0x3F9A];
	_ =	swait.ge [sflag:s4], $0x0  }
0x19: {  	s7 =	sld [smem:$0x3F9B]  }
0x1a: {  	s8 =	sadd.s32 $0xFFFFE003, lr  }
0x1b: {  	s9 =	sadd.s32 $0xFFFFFEF7, lr;
	s5 =	simm.s32 $0xFFFFFFFF;
	p2 =	slt.u32 s8, $0xFFFFF086  }
0x1c: {  	p1 =	slt.u32 s9, $0xF7A;
	s5 =	simm.s32 @!p2 $0x0  }
0x1d: {  	s5 =	simm.s32 @p1 $0x1;
	p0 =	seq.s32 s7, s2  }
0x1e: {  	s7 =	smul.u32 @!p0 $0xF7A, s2;
	p2 =	seq.s32 @!p0 s5, $0x0  }
0x1f: {  	s9 =	smul.u32 $0xF7A, s1;
	s8 =	simm.s32 @!p0 $0x1BF5;
	p2 =	por !p2, p0  }
0x20: {  	[sflag:s8] =	ssyncset.s32 @!p0 $0xFFFFF086;
	s6 =	sadd.s32 @!p0 s3, s7;
	s7 =	simm.s32 @!p0 $0x108  }
0x21: {  	s3 =	sadd.s32 s3, s9;
	s6 =	sadd.s32 @!p0 $0x88, s6;
	s7 =	simm.s32 @p2 $0x1082  }
0x22: {  	[simem:s7], [sflag:s8] =	dma.local @!p0 [hbm:s6], $0xF7A  }
0x23: {  	s9 =	sor.u32 $0xD0000000, s2;
	s6 =	simm.s32 $0x108;
	_ =	swait.ge @!p0 [sflag:s8], $0x0  }
0x24: {  	s3 =	sadd.s32 $0x88, s3;
	s6 =	simm.s32 @!p1 $0x1082;
	[sflag:s4] =	ssyncset.s32 $0xFFFFF086  }
0x25: {  	[simem:s6], [sflag:s4] =	dma.local [hbm:s3], $0xF7A  }
0x26: {  	[smem:$0x3F9B] =	sst s1;
	(tag) =	ssettag s2;
	_ =	strace s9  }
0x27: {  	s1 =	sld [smem:$0x3FAB]  }
0x28: {  	s2 =	sld [smem:$0x3FAC]  }
0x29: {  	s4 =	sld [smem:$0x3FAE]  }
0x2a: {  	p0 =	seq.s32 s5, $0x0;
	s5 =	sld [smem:$0x3FAF]  }
0x2b: {  	s6 =	sld [smem:$0x3FB0]  }
0x2c: {  	s7 =	sld [smem:$0x3FB1]  }
0x2d: {  	s3 =	simm.s32 $0x108;
	s8 =	sld [smem:$0x3FB2]  }
0x2e: {  	s3 =	simm.s32 @!p0 $0x1082;
	s9 =	sld [smem:$0x3FB3]  }
0x2f: {  	lr =	sadd.s32 s0, s3;
	s0 =	sld [smem:$0x3FAA]  }
0x30: {  	s3 =	sld [smem:$0x3FAD]  }
0x31: {  	[smem:$0x3FB6] =	sst s10  }
0x32: {  	s10 =	sld [smem:$0x3FB4];
	_ =	sdelay $0x3  }
0x33: {  	p0 =	seq.s32 s10, $0x1;
	s10 =	sld [smem:$0x3FB6];
	_ =	sdelay $0x3  }
0x34: {  	[smem:$0x3FB6] =	sst s10  }
0x35: {  	s10 =	sld [smem:$0x3FB5];
	_ =	sdelay $0x3  }
0x36: {  	p1 =	seq.s32 s10, $0x1;
	s10 =	sld [smem:$0x3FB6];
	_ =	sdelay $0x3  }
0x37: {  	[smem:$0x3FB6] =	sst s10  }
0x38: {  	s10 =	sld [smem:$0x3FB7]  }
0x39: {  	_ = 	snop;
	(pc) =	sbr.ind lr, $3  }
0x3a: {  	_ = 	snop  }
0x3b: {  	_ = 	snop  }
0x3c: {  	p2 =	seq.s32 s10, $0x1;
	s10 =	sld [smem:$0x3FB6]  }
0x3d: {  	_ =	shalt  }
0x3e: {  	_ =	shalt  }
0x3f: {  	_ =	shalt  }
0x40: {  	_ =	shalt  }
0x41: {  	_ =	shalt  }
0x42: {  	_ =	shalt  }
0x43: {  	_ =	shalt  }
0x44: {  	_ =	shalt  }
0x45: {  	_ =	shalt  }
0x46: {  	_ =	shalt  }
0x47: {  	_ =	shalt  }
0x48: {  	_ =	shalt  }
0x49: {  	_ =	shalt  }
0x4a: {  	_ =	shalt  }
0x4b: {  	_ =	shalt  }
0x4c: {  	_ =	shalt  }
0x4d: {  	_ =	shalt  }
0x4e: {  	_ =	shalt  }
0x4f: {  	_ =	shalt  }
0x50: {  	_ =	shalt  }
0x51: {  	_ =	shalt  }
0x52: {  	_ =	shalt  }
0x53: {  	_ =	shalt  }
0x54: {  	_ =	shalt  }
0x55: {  	_ =	shalt  }
0x56: {  	_ =	shalt  }
0x57: {  	_ =	shalt  }
0x58: {  	_ =	shalt  }
0x59: {  	_ =	shalt  }
0x5a: {  	_ =	shalt  }
0x5b: {  	_ =	shalt  }
0x5c: {  	_ =	shalt  }
0x5d: {  	_ =	shalt  }
0x5e: {  	_ =	shalt  }
0x5f: {  	_ =	shalt  }
0x60: {  	_ =	shalt  }
0x61: {  	_ =	shalt  }
0x62: {  	_ =	shalt  }
0x63: {  	_ =	shalt  }
0x64: {  	_ =	shalt  }
0x65: {  	_ =	shalt  }
0x66: {  	_ =	shalt  }
0x67: {  	_ =	shalt  }
0x68: {  	_ =	shalt  }
0x69: {  	_ =	shalt  }
0x6a: {  	_ =	shalt  }
0x6b: {  	_ =	shalt  }
0x6c: {  	_ =	shalt  }
0x6d: {  	_ =	shalt  }
0x6e: {  	_ =	shalt  }
0x6f: {  	_ =	shalt  }
0x70: {  	_ =	shalt  }
0x71: {  	_ =	shalt  }
0x72: {  	_ =	shalt  }
0x73: {  	_ =	shalt  }
0x74: {  	_ =	shalt  }
0x75: {  	_ =	shalt  }
0x76: {  	_ =	shalt  }
0x77: {  	_ =	shalt  }
0x78: {  	_ =	shalt  }
0x79: {  	_ =	shalt  }
0x7a: {  	_ =	shalt  }
0x7b: {  	_ =	shalt  }
0x7c: {  	_ =	shalt  }
0x7d: {  	_ =	shalt  }
0x7e: {  	_ =	shalt  }
0x7f: {  	_ =	shalt  }
0x80: {  	_ =	shalt  }
0x81: {  	_ =	shalt  }
0x82: {  	_ =	shalt  }
0x83: {  	_ =	shalt  }
0x84: {  	_ =	shalt  }
0x85: {  	_ =	shalt  }
0x86: {  	_ =	shalt  }
0x87: {  	_ =	shalt  }
.Lfunc_end0:
.L_simem_size_0:
called_computation_lowered:
.L_overlay_start_0:
0x88: {  	s2 =	sld [smem:$0x3FD9]  }
0x89: {  	s3 =	sld [smem:$0x3FFE];
	_ =	sdelay $0x1  }
0x8a: {  	s1 =	srdreg.scid  }
0x8b: {  	s0 =	sand.u32 $0x1, s1  }
0x8c: {  	s15 =	sshll.u32 s0, $0xA;
	s2 =	sadd.s32 s3, s2  }
0x8d: {  	s2 =	sadd.s32 s2, s15  }
0x8e: {  	[smem:$0x3FC2] =	sst s2  }
0x8f: {  	_ = 	snop  }
0x90: {  	s2 =	sld [smem:$0x3FD0];
	_ =	sdelay $0x2  }
0x91: {  	s4 =	simm.s32 $0xA;
	s5 =	simm.s32 $0x10;
	s16 =	sld [smem:$0x3FC8]  }
0x92: {  	[smem:s5], [sflag:s4] =	dma.local [hbm:s2], $0x1  }
0x93: {  	_ =	swait.eq [sflag:s4], $0x1  }
0x94: {  	[sflag:s4] =	ssyncset.done $0x0  }
0x95: {  	[sflag:s4] =	ssyncadd.s32 $0xFFFFFFFF  }
0x96: {  	s17 =	sld [smem:$0x10];
	(tm) =	ssettm $0x1  }
0x97: {  	s18 =	sld [smem:$0x3FFB];
	_ =	sdelay $0x3  }
0x98: {  	_ =	strace s18  }
0x99: {  	s4 =	sld [smem:$0x3FFC];
	_ =	sdelay $0x3  }
0x9a: {  	_ =	strace s4  }
0x9b: {  	s4 =	sld [smem:$0x3FFD];
	_ =	sdelay $0x3  }
0x9c: {  	_ =	strace s4  }
0x9d: {  	_ =	strace $0x8FFFFFFF  }
0x9e: {  	s19 =	sld [smem:$0x3FDB];
	_ =	sdelay $0x1  }
0x9f: {  	s20 =	simm.s32 $_scs_section_size  }
0xa0: {  	s6 =	simm.s32 $_size__tile_overlayer_lowered;
	s7 =	simm.s32 $_tile_overlayer_lowered  }
0xa1: {  	s23 =	simm.s32 $0x1BFF;
	s22 =	sshll.u32 s7, $0x1;
	s4 =	sadd.s32 s20, s19  }
0xa2: {  	s8 =	simm.s32 $0x0;
	s21 =	sshll.u32 s6, $0x1;
	s6 =	sadd.s32 s22, s4  }
0xa3: {  	[timem:s8], [sflag:s23] =	dma.local [hbm:s6], s21  }
0xa4: {  	_ =	swait.ge [sflag:s23], s21  }
0xa5: {  	s5 =	ssub.s32 $0x0, s21;
	[sflag:s23] =	ssyncset.done $0x0  }
0xa6: {  	[sflag:s23] =	ssyncadd.s32 s5;
	_ =	sdelay $0x1  }
0xa7: {  	s24 =	simm.s32 $0x1B8B  }
0xa8: {  	_ =	swait.ge [sflag:s24], $0x1  }
0xa9: {  	[sflag:s24] =	ssyncset.done $0x0  }
0xaa: {  	s25 =	simm.s32 $0x1B8E;
	[sflag:s24] =	ssyncadd.s32 $0xFFFFFFFF  }
0xab: {  	s26 =	simm.s32 $execute0_lowered;
	[smem:$0x3FD2] =	sst s25  }
0xac: {  	s5 =	sshll.u32 s26, $0x1;
	_ =	strace $0x80000046;
	[dreg:$0x1] =	wrdreg $0xFFFFFFFF  }
0xad: {  	s28 =	simm.s32 $_size_execute0_lowered;
	s4 =	sadd.s32 s4, s5;
	[dreg:$0x0] =	wrdreg $0x0  }
0xae: {  	s5 =	sshll.u32 s28, $0x1;
	[dreg:$0x2] =	wrdreg s4  }
0xaf: {  	[dreg:$0x3] =	wrdreg s5  }
0xb0: {  	[dreg:$0x4] =	wrdreg $0xC0  }
0xb1: {  	_ =	task [dreg:s8], $0x5FFFF  }
0xb2: {  	[dreg:$0x1] =	wrdreg $0xFFFFFFFF  }
0xb3: {  	[dreg:$0x0] =	wrdreg $0x60  }
0xb4: {  	[dreg:$0x2] =	wrdreg s16  }
0xb5: {  	[dreg:$0x3] =	wrdreg s17  }
0xb6: {  	[dreg:$0x4] =	wrdreg $0x9  }
0xb7: {  	_ =	task.clear_ibuf [dreg:s8], $0x5FFFF;
	_ =	strace $0x90000046  }
0xb8: {  	s29 =	simm.s32 $0x9;
	_ =	strace $0x80000048  }
0xb9: {  	_ =	swait.ge [sflag:s29], $0x1  }
0xba: {  	[sflag:s29] =	ssyncadd.s32 $0xFFFFFFFF  }
0xbb: {  	_ =	strace $0x90000048  }
0xbc: {  	_ =	sfence  }
0xbd: {  	s30 =	sld [smem:$0x0];
	_ =	sdelay $0x2  }
0xbe: {  	s31 =	sshll.u32 s1, $0xD;
	s1 =	sshrl.u32 s1, $0x2  }
0xbf: {  	s3 =	sand.u32 $0x4000, s31;
	s1 =	sadd.s32 s1, s30  }
0xc0: {  	s0 =	sor.u32 s3, s0;
	s1 =	sshll.u32 s1, $0x11  }
0xc1: {  	s0 =	sor.u32 s1, s0  }
0xc2: {  	s0 =	sadd.s32 $0x8F2B, s0  }
0xc3: {  	[sflag:s0] =	ssyncadd.remote.s32 $0x1  }
0xc4: {  	_ =	sfence.sel $0xFFFF  }
0xc5: {  	[dreg:$0x0] =	wrdreg $0xFFFFFFFF;
	(pc) =	sbr.abs _section_cstart, $3  }
0xc6: {  	[dreg:$0x1] =	wrdreg $0xFFFFFFFF  }
0xc7: {  	_ =	task.clear_ibuf [dreg:s8], $0x2FFFF;
	_ =	strace $0x9FFFFFFF  }
0xc8: {  	(tm) =	ssettm $0x7FFFFFFF  }
0xc9: {  	_ =	shalt  }
tec
execute0_lowered:
.L_overlay_start_1:
0x0: {  	(tag) =	ssettag $0x1  }
0x1: {  	s4 =	rddreg [dreg:$0x0]  }
0x2: {  	s5 =	rddreg [dreg:$0x1]  }
0x3: {  	s0 =	rddreg [dreg:$0x2]  }
0x4: {  	s2 =	simm.s32 $0x0;
	s3 =	srdreg.scid;
	s1 =	stileid.u32  }
0x5: {  	s11 =	simm.s32 $0x0;
	[smem:$0x7FF] =	sst s2;
	s3 =	sand.u32 $0x1, s3  }
0x6: {  	s6 =	sshll.u32 s1, $0x1;
	s7 =	sshrl.u32 s1, $0x2;
	p0 =	sgt.u32 s1, $0x1  }
0x7: {  	_ =	strace $0x80000047;
	s6 =	sor.u32 s3, s6;
	s7 =	smul.u32 $0x13C00, s7  }
0x8: {  	s3 =	ssub.s32 $0x2, s3;
	s8 =	sshll.u32 s6, $0x7;
	s10 =	smul.u32 $0x9C0, s6  }
0x9: {  	s9 =	sshrl.u32 s3, $0x1;
	s6 =	sshll.u32 s6, $0x5;
	s8 =	sand.u32 $0x380, s8  }
0xa: {  	s9 =	ssub.s32 s3, s9;
	s7 =	sor.u32 s7, s8;
	s3 =	sadd.s32 s4, s10  }
0xb: {  	s4 =	sadd.s32 s6, s4;
	s6 =	smax.u32 s9, $0x1;
	s8 =	simm.s32 $0x4F00  }
0xc: {  	s9 =	simm.s32 $0x80;
	s10 =	simm.s32 $0x400;
	s31 =	sshrl.u32 s7, $0x3  }
0xd: {  	v0 =	vimm.f32 $0.0e+00;
	v1 =	vimm.f32 $1.000000000e+00;
	s4 =	sadd.s32 $0x13800, s4;
	s7 =	simm.s32 $0x1;
	s5 =	sadd.s32 s5, s31  }
.LBB2_1:
0xe: {  	[tilespmem:s2], [sflag:$0x1] =	stream.linear.gather [hbm4b:s3+s2], $0x4E00, $0x38;
	[tilespmem:$0x7680] =	vst v63  }
0xf: {  	_ =	swait.ge [sflag:s7], $0x4E00  }
0x10: {  	[sflag:s7] =	ssyncset.done $0x0  }
0x11: {  	s12 =	simm.s32 @!p0 $0x0;
	s13 =	simm.s32 @!p0 $0x4E00;
	[sflag:s7] =	ssyncadd.s32 $0xFFFFB200  }
0x12: {  	[tilespmem:s13], [sflag:$0x1] =	stream.linear.gather @!p0 [hbm4b:s4+s12], $0x100, $0x38;
	[tilespmem:$0x7680] =	vst v63  }
0x13: {  	s12 =	simm.s32 @!p0 $0x1  }
0x14: {  	_ =	swait.ge @!p0 [sflag:s12], $0x100  }
0x15: {  	[sflag:s12] =	ssyncset.done @!p0 $0x0  }
0x16: {  	[sflag:s12] =	ssyncadd.s32 @!p0 $0xFFFFFF00;
	s12 =	simm.s32 $0x0  }
.LBB2_2:
0x17: {  	p1 =	sne.s32 s12, $0x9C00  }
.Ltmp0:
0x18: {  	_ = 	snop;
	(pc) =	sbr.rel @p1 .LBB2_2-.Ltmp0, $3  }
0x19: {  	_ =	sdelay $0x1  }
0x1a: {  	s13 =	sshra.s32 s12, $0x2  }
0x1b: {  	s12 =	sadd.s32 $0x40, s12;
	[tilespmem:s13+$0x4F00] =	vst v0  }
0x1c: {  	s12 =	simm.s32 $0x0  }
.LBB2_4:
0x1d: {  	s13 =	sshra.s32 s12, $0x2  }
0x1e: {  	v2 =	vld [tilespmem:s13+$0x0];
	_ =	sdelay $0x7  }
0x1f: {  	[tilespmem:v2+s8+$0x0] =	vst.idx.add.f32.msk $0xffff, v1  }
0x20: {  	v2 =	vld [tilespmem:s13+$0x10];
	_ =	sdelay $0x7  }
0x21: {  	[tilespmem:v2+s8+$0x0] =	vst.idx.add.f32.msk $0xffff, v1  }
0x22: {  	v2 =	vld [tilespmem:s13+$0x20];
	_ =	sdelay $0x7  }
0x23: {  	[tilespmem:v2+s8+$0x0] =	vst.idx.add.f32.msk $0xffff, v1  }
0x24: {  	v2 =	vld [tilespmem:s13+$0x30];
	_ =	sdelay $0x7  }
0x25: {  	[tilespmem:v2+s8+$0x0] =	vst.idx.add.f32.msk $0xffff, v1  }
0x26: {  	v2 =	vld [tilespmem:s13+$0x40];
	_ =	sdelay $0x7  }
0x27: {  	[tilespmem:v2+s8+$0x0] =	vst.idx.add.f32.msk $0xffff, v1  }
0x28: {  	v2 =	vld [tilespmem:s13+$0x50];
	_ =	sdelay $0x7  }
0x29: {  	[tilespmem:v2+s8+$0x0] =	vst.idx.add.f32.msk $0xffff, v1  }
0x2a: {  	v2 =	vld [tilespmem:s13+$0x60];
	_ =	sdelay $0x7  }
0x2b: {  	[tilespmem:v2+s8+$0x0] =	vst.idx.add.f32.msk $0xffff, v1  }
0x2c: {  	v2 =	vld [tilespmem:s13+$0x70];
	_ =	sdelay $0x2  }
0x2d: {  	p1 =	sne.s32 s12, $0x13400  }
.Ltmp1:
0x2e: {  	_ = 	snop;
	(pc) =	sbr.rel @p1 .LBB2_4-.Ltmp1, $2  }
0x2f: {  	_ =	sdelay $0x2  }
0x30: {  	s12 =	sadd.s32 $0x400, s12;
	[tilespmem:v2+s8+$0x0] =	vst.idx.add.f32.msk $0xffff, v1  }
0x31: {  	v2 =	vld @!p0 [tilespmem:$0x4E00];
	_ =	sdelay $0x6  }
0x32: {  	v3 =	vimm.f32 @!p0 $1.000000000e+00;
	s12 =	simm.s32 @!p0 $0x4F00  }
0x33: {  	[tilespmem:v2+s12+$0x0] =	vst.idx.add.f32.msk @!p0 $0xffff, v3  }
0x34: {  	v2 =	vld @!p0 [tilespmem:$0x4E10];
	_ =	sdelay $0x7  }
0x35: {  	[tilespmem:v2+s12+$0x0] =	vst.idx.add.f32.msk @!p0 $0xffff, v3  }
0x36: {  	v2 =	vld @!p0 [tilespmem:$0x4E20];
	_ =	sdelay $0x7  }
0x37: {  	[tilespmem:v2+s12+$0x0] =	vst.idx.add.f32.msk @!p0 $0xffff, v3  }
0x38: {  	v2 =	vld @!p0 [tilespmem:$0x4E30];
	_ =	sdelay $0x7  }
0x39: {  	[tilespmem:v2+s12+$0x0] =	vst.idx.add.f32.msk @!p0 $0xffff, v3  }
0x3a: {  	v2 =	vld @!p0 [tilespmem:$0x4E40];
	_ =	sdelay $0x7  }
0x3b: {  	[tilespmem:v2+s12+$0x0] =	vst.idx.add.f32.msk @!p0 $0xffff, v3  }
0x3c: {  	v2 =	vld @!p0 [tilespmem:$0x4E50];
	_ =	sdelay $0x7  }
0x3d: {  	[tilespmem:v2+s12+$0x0] =	vst.idx.add.f32.msk @!p0 $0xffff, v3  }
0x3e: {  	v2 =	vld @!p0 [tilespmem:$0x4E60];
	_ =	sdelay $0x7  }
0x3f: {  	[tilespmem:v2+s12+$0x0] =	vst.idx.add.f32.msk @!p0 $0xffff, v3  }
0x40: {  	v2 =	vld @!p0 [tilespmem:$0x4E70];
	_ =	sdelay $0x5  }
0x41: {  	s11 =	sadd.s32 $0x1, s11  }
0x42: {  	p1 =	sne.s32 s11, s6  }
.Ltmp2:
0x43: {  	[tilespmem:v2+s12+$0x0] =	vst.idx.add.f32.msk @!p0 $0xffff, v3;
	(pc) =	sbr.rel @p1 .LBB2_1-.Ltmp2, $4  }
0x44: {  	[hbm4b:s5+s9] =	stream.strided.scatter [tilespmem:s8], [sflag:$0x1], $0x2780, s10, s9, $0x38;
	[tilespmem:$0x7680] =	vst v63  }
0x45: {  	_ =	swait.ge [sflag:s7], $0x2780  }
0x46: {  	[sflag:s7] =	ssyncset.done $0x0  }
0x47: {  	[sflag:s7] =	ssyncadd.s32 $0xFFFFD880  }
0x48: {  	_ =	sfence.sel $0x180000  }
0x49: {  	[bflag:$0x0] =	sbarrier.arrive $0xFFFF  }
0x4a: {  	p0 =	sne.s32 s1, $0x0;
	_ =	strace $0x90000047  }
0x4b: {  	s0 =	sadd.s32 @!p0 $0x100000, s0;
	[bflag:$0x2] =	sbarrier.arrive $0xFFFF  }
0x4c: {  	[sflag:s0] =	ssyncadd.tile.s32 @!p0 $0x1;
	_ =	shalt  }
.Lfunc_end2:
_tile_overlayer_lowered:
.L_overlay_start_2:
0x4d: {  	(tag) =	ssettag $0x2  }
0x4e: {  	s0 =	rddreg [dreg:$0x0];
	s2 =	stileid.u32  }
0x4f: {  	s1 =	rddreg [dreg:$0x1];
	p0 =	sne.s32 s2, $0x0  }
0x50: {  	s3 =	rddreg [dreg:$0x2];
	[bflag:$0x3] =	sbarrier.arrive $0xFFFF;
	s2 =	simm.s32 @!p0 $0x1C01  }
0x51: {  	[timem:s3], [sflag:s2] =	dma.local @!p0 [hbm:s0], s1  }
0x52: {  	s0 =	simm.s32 @!p0 $0x1  }
0x53: {  	_ =	swait.ge @!p0 [sflag:s0], s1  }
0x54: {  	s1 =	ssub.s32 @!p0 $0x0, s1;
	[sflag:s0] =	ssyncset.done @!p0 $0x0  }
0x55: {  	[sflag:s0] =	ssyncadd.s32 @!p0 s1  }
0x56: {  	[bflag:$0x3] =	sbarrier.arrive $0xFFFF  }
0x57: {  	_ =	shalt  }

</sc_bundles>
